<compile_context>
chip_gen: v7x
topology: tpu7x:2x2x1
jax: 0.10.2.dev20260603
libtpu: 0.0.44.dev20260713+nightly
codegen_flags: <defaults>
</compile_context>

<pallas_src>
import functools

import jax
import jax.numpy as jnp
from jax import lax
from jax.experimental import pallas as pl
from jax.experimental.pallas import tpu as pltpu
from jax.experimental.pallas import tpu_sc as plsc

NUM_RELATIONS = 1000
D = 64
DP = D // 2
NTB = 4
TBR = DP // NTB
B = 16384
NC = 2
NS = 16
L = 16
NW = NC * NS
BPW = B // NW

_mesh = plsc.VectorSubcoreMesh(core_axis_name="c", subcore_axis_name="s")


@functools.partial(
    pl.kernel,
    mesh=_mesh,
    out_type=jax.ShapeDtypeStruct((B,), jnp.float32),
    compiler_params=pltpu.CompilerParams(needs_layout_passes=False),
    scratch_types=[
        pltpu.VMEM((BPW,), jnp.int32),
        pltpu.VMEM((DP, NUM_RELATIONS), jnp.int32),
        pltpu.VMEM((D, BPW), jnp.float32),
        pltpu.VMEM((D, BPW), jnp.float32),
        pltpu.VMEM((BPW,), jnp.float32),
        pltpu.SemaphoreType.DMA,
    ] + [pltpu.SemaphoreType.DMA] * NTB,
)
def _distmult_sc(head_hbm, tail_hbm, idx_hbm, table_hbm, out_hbm,
                 idx_v, table_v, head_v, tail_v, out_v, sem0, *tsems):
    wid = lax.axis_index("s") * NC + lax.axis_index("c")
    base = wid * BPW

    idx_cp = pltpu.async_copy(idx_hbm.at[pl.ds(base, BPW)], idx_v, sem0)
    blocks = []
    for tb in range(NTB):
        dp0, d0 = tb * TBR, tb * TBR * 2
        blocks.append((
            pltpu.async_copy(table_hbm.at[pl.ds(dp0, TBR)],
                             table_v.at[pl.ds(dp0, TBR)], tsems[tb]),
            pltpu.async_copy(head_hbm.at[pl.ds(d0, 2 * TBR),
                                         pl.ds(base, BPW)],
                             head_v.at[pl.ds(d0, 2 * TBR)], tsems[tb]),
            pltpu.async_copy(tail_hbm.at[pl.ds(d0, 2 * TBR),
                                         pl.ds(base, BPW)],
                             tail_v.at[pl.ds(d0, 2 * TBR)], tsems[tb]),
        ))

    himask = jnp.full((L,), jnp.int32(-65536))

    with jax.named_scope("idxwait"):
        idx_cp.wait()
    for tb in range(NTB):
        with jax.named_scope(f"wait{tb}"):
            for cp in blocks[tb]:
                cp.wait()
        scope = jax.named_scope(f"comp{tb}")
        scope.__enter__()

        @plsc.parallel_loop(0, BPW // L, unroll=2)
        def _j_body(j, tb=tb):
            b0 = j * L
            idxv = idx_v[pl.ds(b0, L)]
            accs = [jnp.zeros((L,), jnp.float32) for _ in range(4)]
            for dp in range(tb * TBR, (tb + 1) * TBR):
                pv = plsc.load_gather(
                    table_v, [jnp.full((L,), dp, jnp.int32), idxv])
                r_lo = plsc.bitcast(lax.shift_left(pv, 16), jnp.float32)
                r_hi = plsc.bitcast(lax.bitwise_and(pv, himask), jnp.float32)
                d0 = 2 * dp
                h0 = head_v[d0, pl.ds(b0, L)]
                t0 = tail_v[d0, pl.ds(b0, L)]
                h1 = head_v[d0 + 1, pl.ds(b0, L)]
                t1 = tail_v[d0 + 1, pl.ds(b0, L)]
                accs[dp % 4] = accs[dp % 4] + (h0 * r_lo * t0 + h1 * r_hi * t1)
            s = (accs[0] + accs[1]) + (accs[2] + accs[3])
            if tb > 0:
                s = s + out_v[pl.ds(b0, L)]
            out_v[pl.ds(b0, L)] = s
        scope.__exit__(None, None, None)

    pltpu.sync_copy(out_v, out_hbm.at[pl.ds(base, BPW)])


def kernel(head_emb, tail_emb, rel_idx, relation_embeddings):
    idx = rel_idx.astype(jnp.int32)
    ru = lax.bitcast_convert_type(relation_embeddings, jnp.uint32)
    rb = (ru + jnp.uint32(0x8000)) >> jnp.uint32(16)
    packed_u = rb[:, 0::2] | (rb[:, 1::2] << jnp.uint32(16))
    packed = lax.bitcast_convert_type(packed_u, jnp.int32).T
    return _distmult_sc(head_emb.T, tail_emb.T, idx, packed)

# --- scband reference (transcript-rebuilt; emitter-appended) ---
"""Pipeline reference for scband-dist-mult-10436770529671 (READ-ONLY COPY).

The authoritative reference and input builder live on the scoring server;
editing this copy changes nothing except your own understanding.
"""

import jax, jax.numpy as jnp
import numpy as np

NUM_RELATIONS = 1000
EMBED_DIM = 64
BATCH = 16384

def setup_inputs(seed: int = 0) -> dict:
    key = jax.random.key(seed)
    k1, k2, k3, k4 = jax.random.split(key, 4)
    head_emb = jax.random.normal(k1, (BATCH, EMBED_DIM), dtype=jnp.float32)
    tail_emb = jax.random.normal(k2, (BATCH, EMBED_DIM), dtype=jnp.float32)
    rel_idx = jax.random.randint(k3, (BATCH,), 0, NUM_RELATIONS, dtype=jnp.int64 if jax.config.read('jax_enable_x64') else jnp.int32)
    # Xavier-uniform init for relation embeddings
    limit = float(np.sqrt(6.0 / (NUM_RELATIONS + EMBED_DIM)))
    relation_embeddings = jax.random.uniform(k4, (NUM_RELATIONS, EMBED_DIM), minval=-limit, maxval=limit, dtype=jnp.float32)
    return {
        'head_emb': head_emb,
        'tail_emb': tail_emb,
        'rel_idx': rel_idx,
        'relation_embeddings': relation_embeddings,
    }

def reference(head_emb, tail_emb, rel_idx, relation_embeddings):
    # DistMult: score(h, r, t) = sum_k h_k * r_k * t_k
    rel_emb = jnp.take(relation_embeddings, rel_idx, axis=0)
    scores = jnp.sum(head_emb * rel_emb * tail_emb, axis=1)
    return scores

if __name__ == "__main__":
    import jax
    _d = setup_inputs()
    print(jax.jit(kernel)(*tuple(_d.values())))

</pallas_src>

<mosaic_0001>
#map = affine_map<(d0, d1) -> (0, 0)>
#map1 = affine_map<(d0, d1) -> (0)>
module attributes {stable_mosaic.version = 14 : i64} {
  func.func @_distmult_sc(%arg0: i32, %arg1: i32, %arg2: memref<64x16384xf32, #tpu.memory_space<hbm>>, %arg3: memref<64x16384xf32, #tpu.memory_space<hbm>>, %arg4: memref<16384xi32, #tpu.memory_space<hbm>>, %arg5: memref<32x1000xi32, #tpu.memory_space<hbm>>, %arg6: memref<16384xf32, #tpu.memory_space<hbm>>, %arg7: memref<512xi32, #tpu.memory_space<vmem>>, %arg8: memref<32x1000xi32, #tpu.memory_space<vmem>>, %arg9: memref<64x512xf32, #tpu.memory_space<vmem>>, %arg10: memref<64x512xf32, #tpu.memory_space<vmem>>, %arg11: memref<512xf32, #tpu.memory_space<vmem>>, %arg12: memref<!tpu.dma_semaphore, #tpu.memory_space<semaphore_mem>>, %arg13: memref<!tpu.dma_semaphore, #tpu.memory_space<semaphore_mem>>, %arg14: memref<!tpu.dma_semaphore, #tpu.memory_space<semaphore_mem>>, %arg15: memref<!tpu.dma_semaphore, #tpu.memory_space<semaphore_mem>>, %arg16: memref<!tpu.dma_semaphore, #tpu.memory_space<semaphore_mem>>) attributes {dimension_semantics = [#tpu.dimension_semantics<core_parallel>, #tpu.dimension_semantics<subcore_parallel>], iteration_bounds = array<i64: 2, 16>, scalar_prefetch = 0 : i64, scratch_operands = 10 : i64, tpu.core_type = #tpu.core_type<sc_vector_subcore>, window_params = [{transform_indices = #map}, {transform_indices = #map}, {transform_indices = #map1}, {transform_indices = #map}, {transform_indices = #map1}]} {
    %mul3A = arith.constant 2 : i32
    %mul3A_0 = arith.muli %arg1, %mul3A : i32
    %add3A = arith.addi %mul3A_0, %arg0 : i32
    %mul3A_1 = arith.constant 512 : i32
    %mul3A_2 = arith.muli %add3A, %mul3A_1 : i32
    %dma_start3A = tpu.memref_slice %arg4[%mul3A_2] : memref<16384xi32, #tpu.memory_space<hbm>> -> memref<512xi32, #tpu.memory_space<hbm>>
    %dma_start3A_3 = tpu.memref_slice %arg4[%mul3A_2] : memref<16384xi32, #tpu.memory_space<hbm>> -> memref<512xi32, #tpu.memory_space<hbm>>
    tpu.enqueue_dma source(%dma_start3A_3 : memref<512xi32, #tpu.memory_space<hbm>>) target(%arg7 : memref<512xi32, #tpu.memory_space<vmem>>) target_semaphore(%arg12 : memref<!tpu.dma_semaphore, #tpu.memory_space<semaphore_mem>>)
    %dma_start3A_4 = arith.constant 0 : i32
    %dma_start3A_5 = arith.constant 0 : i32
    %dma_start3A_6 = tpu.memref_slice %arg8[%dma_start3A_4, %dma_start3A_5] : memref<32x1000xi32, #tpu.memory_space<vmem>> -> memref<8x1000xi32, #tpu.memory_space<vmem>>
    %dma_start3A_7 = arith.constant 0 : i32
    %dma_start3A_8 = arith.constant 0 : i32
    %dma_start3A_9 = tpu.memref_slice %arg5[%dma_start3A_7, %dma_start3A_8] : memref<32x1000xi32, #tpu.memory_space<hbm>> -> memref<8x1000xi32, #tpu.memory_space<hbm>>
    %dma_start3A_10 = arith.constant 0 : i32
    %dma_start3A_11 = arith.constant 0 : i32
    %dma_start3A_12 = tpu.memref_slice %arg8[%dma_start3A_10, %dma_start3A_11] : memref<32x1000xi32, #tpu.memory_space<vmem>> -> memref<8x1000xi32, #tpu.memory_space<vmem>>
    %dma_start3A_13 = arith.constant 0 : i32
    %dma_start3A_14 = arith.constant 0 : i32
    %dma_start3A_15 = tpu.memref_slice %arg5[%dma_start3A_13, %dma_start3A_14] : memref<32x1000xi32, #tpu.memory_space<hbm>> -> memref<8x1000xi32, #tpu.memory_space<hbm>>
    tpu.enqueue_dma source(%dma_start3A_15 : memref<8x1000xi32, #tpu.memory_space<hbm>>) target(%dma_start3A_12 : memref<8x1000xi32, #tpu.memory_space<vmem>>) target_semaphore(%arg13 : memref<!tpu.dma_semaphore, #tpu.memory_space<semaphore_mem>>)
    %dma_start3A_16 = arith.constant 0 : i32
    %dma_start3A_17 = arith.constant 0 : i32
    %dma_start3A_18 = tpu.memref_slice %arg9[%dma_start3A_16, %dma_start3A_17] : memref<64x512xf32, #tpu.memory_space<vmem>> -> memref<16x512xf32, #tpu.memory_space<vmem>>
    %dma_start3A_19 = arith.constant 0 : i32
    %dma_start3A_20 = tpu.memref_slice %arg2[%dma_start3A_19, %mul3A_2] : memref<64x16384xf32, #tpu.memory_space<hbm>> -> memref<16x512xf32, #tpu.memory_space<hbm>>
    %dma_start3A_21 = arith.constant 0 : i32
    %dma_start3A_22 = arith.constant 0 : i32
    %dma_start3A_23 = tpu.memref_slice %arg9[%dma_start3A_21, %dma_start3A_22] : memref<64x512xf32, #tpu.memory_space<vmem>> -> memref<16x512xf32, #tpu.memory_space<vmem>>
    %dma_start3A_24 = arith.constant 0 : i32
    %dma_start3A_25 = tpu.memref_slice %arg2[%dma_start3A_24, %mul3A_2] : memref<64x16384xf32, #tpu.memory_space<hbm>> -> memref<16x512xf32, #tpu.memory_space<hbm>>
    tpu.enqueue_dma source(%dma_start3A_25 : memref<16x512xf32, #tpu.memory_space<hbm>>) target(%dma_start3A_23 : memref<16x512xf32, #tpu.memory_space<vmem>>) target_semaphore(%arg13 : memref<!tpu.dma_semaphore, #tpu.memory_space<semaphore_mem>>)
    %dma_start3A_26 = arith.constant 0 : i32
    %dma_start3A_27 = arith.constant 0 : i32
    %dma_start3A_28 = tpu.memref_slice %arg10[%dma_start3A_26, %dma_start3A_27] : memref<64x512xf32, #tpu.memory_space<vmem>> -> memref<16x512xf32, #tpu.memory_space<vmem>>
    %dma_start3A_29 = arith.constant 0 : i32
    %dma_start3A_30 = tpu.memref_slice %arg3[%dma_start3A_29, %mul3A_2] : memref<64x16384xf32, #tpu.memory_space<hbm>> -> memref<16x512xf32, #tpu.memory_space<hbm>>
    %dma_start3A_31 = arith.constant 0 : i32
    %dma_start3A_32 = arith.constant 0 : i32
    %dma_start3A_33 = tpu.memref_slice %arg10[%dma_start3A_31, %dma_start3A_32] : memref<64x512xf32, #tpu.memory_space<vmem>> -> memref<16x512xf32, #tpu.memory_space<vmem>>
    %dma_start3A_34 = arith.constant 0 : i32
    %dma_start3A_35 = tpu.memref_slice %arg3[%dma_start3A_34, %mul3A_2] : memref<64x16384xf32, #tpu.memory_space<hbm>> -> memref<16x512xf32, #tpu.memory_space<hbm>>
    tpu.enqueue_dma source(%dma_start3A_35 : memref<16x512xf32, #tpu.memory_space<hbm>>) target(%dma_start3A_33 : memref<16x512xf32, #tpu.memory_space<vmem>>) target_semaphore(%arg13 : memref<!tpu.dma_semaphore, #tpu.memory_space<semaphore_mem>>)
    %dma_start3A_36 = arith.constant 8 : i32
    %dma_start3A_37 = arith.constant 0 : i32
    %dma_start3A_38 = tpu.memref_slice %arg8[%dma_start3A_36, %dma_start3A_37] : memref<32x1000xi32, #tpu.memory_space<vmem>> -> memref<8x1000xi32, #tpu.memory_space<vmem>>
    %dma_start3A_39 = arith.constant 8 : i32
    %dma_start3A_40 = arith.constant 0 : i32
    %dma_start3A_41 = tpu.memref_slice %arg5[%dma_start3A_39, %dma_start3A_40] : memref<32x1000xi32, #tpu.memory_space<hbm>> -> memref<8x1000xi32, #tpu.memory_space<hbm>>
    %dma_start3A_42 = arith.constant 8 : i32
    %dma_start3A_43 = arith.constant 0 : i32
    %dma_start3A_44 = tpu.memref_slice %arg8[%dma_start3A_42, %dma_start3A_43] : memref<32x1000xi32, #tpu.memory_space<vmem>> -> memref<8x1000xi32, #tpu.memory_space<vmem>>
    %dma_start3A_45 = arith.constant 8 : i32
    %dma_start3A_46 = arith.constant 0 : i32
    %dma_start3A_47 = tpu.memref_slice %arg5[%dma_start3A_45, %dma_start3A_46] : memref<32x1000xi32, #tpu.memory_space<hbm>> -> memref<8x1000xi32, #tpu.memory_space<hbm>>
    tpu.enqueue_dma source(%dma_start3A_47 : memref<8x1000xi32, #tpu.memory_space<hbm>>) target(%dma_start3A_44 : memref<8x1000xi32, #tpu.memory_space<vmem>>) target_semaphore(%arg14 : memref<!tpu.dma_semaphore, #tpu.memory_space<semaphore_mem>>)
    %dma_start3A_48 = arith.constant 16 : i32
    %dma_start3A_49 = arith.constant 0 : i32
    %dma_start3A_50 = tpu.memref_slice %arg9[%dma_start3A_48, %dma_start3A_49] : memref<64x512xf32, #tpu.memory_space<vmem>> -> memref<16x512xf32, #tpu.memory_space<vmem>>
    %dma_start3A_51 = arith.constant 16 : i32
    %dma_start3A_52 = tpu.memref_slice %arg2[%dma_start3A_51, %mul3A_2] : memref<64x16384xf32, #tpu.memory_space<hbm>> -> memref<16x512xf32, #tpu.memory_space<hbm>>
    %dma_start3A_53 = arith.constant 16 : i32
    %dma_start3A_54 = arith.constant 0 : i32
    %dma_start3A_55 = tpu.memref_slice %arg9[%dma_start3A_53, %dma_start3A_54] : memref<64x512xf32, #tpu.memory_space<vmem>> -> memref<16x512xf32, #tpu.memory_space<vmem>>
    %dma_start3A_56 = arith.constant 16 : i32
    %dma_start3A_57 = tpu.memref_slice %arg2[%dma_start3A_56, %mul3A_2] : memref<64x16384xf32, #tpu.memory_space<hbm>> -> memref<16x512xf32, #tpu.memory_space<hbm>>
    tpu.enqueue_dma source(%dma_start3A_57 : memref<16x512xf32, #tpu.memory_space<hbm>>) target(%dma_start3A_55 : memref<16x512xf32, #tpu.memory_space<vmem>>) target_semaphore(%arg14 : memref<!tpu.dma_semaphore, #tpu.memory_space<semaphore_mem>>)
    %dma_start3A_58 = arith.constant 16 : i32
    %dma_start3A_59 = arith.constant 0 : i32
    %dma_start3A_60 = tpu.memref_slice %arg10[%dma_start3A_58, %dma_start3A_59] : memref<64x512xf32, #tpu.memory_space<vmem>> -> memref<16x512xf32, #tpu.memory_space<vmem>>
    %dma_start3A_61 = arith.constant 16 : i32
    %dma_start3A_62 = tpu.memref_slice %arg3[%dma_start3A_61, %mul3A_2] : memref<64x16384xf32, #tpu.memory_space<hbm>> -> memref<16x512xf32, #tpu.memory_space<hbm>>
    %dma_start3A_63 = arith.constant 16 : i32
    %dma_start3A_64 = arith.constant 0 : i32
    %dma_start3A_65 = tpu.memref_slice %arg10[%dma_start3A_63, %dma_start3A_64] : memref<64x512xf32, #tpu.memory_space<vmem>> -> memref<16x512xf32, #tpu.memory_space<vmem>>
    %dma_start3A_66 = arith.constant 16 : i32
    %dma_start3A_67 = tpu.memref_slice %arg3[%dma_start3A_66, %mul3A_2] : memref<64x16384xf32, #tpu.memory_space<hbm>> -> memref<16x512xf32, #tpu.memory_space<hbm>>
    tpu.enqueue_dma source(%dma_start3A_67 : memref<16x512xf32, #tpu.memory_space<hbm>>) target(%dma_start3A_65 : memref<16x512xf32, #tpu.memory_space<vmem>>) target_semaphore(%arg14 : memref<!tpu.dma_semaphore, #tpu.memory_space<semaphore_mem>>)
    %dma_start3A_68 = arith.constant 16 : i32
    %dma_start3A_69 = arith.constant 0 : i32
    %dma_start3A_70 = tpu.memref_slice %arg8[%dma_start3A_68, %dma_start3A_69] : memref<32x1000xi32, #tpu.memory_space<vmem>> -> memref<8x1000xi32, #tpu.memory_space<vmem>>
    %dma_start3A_71 = arith.constant 16 : i32
    %dma_start3A_72 = arith.constant 0 : i32
    %dma_start3A_73 = tpu.memref_slice %arg5[%dma_start3A_71, %dma_start3A_72] : memref<32x1000xi32, #tpu.memory_space<hbm>> -> memref<8x1000xi32, #tpu.memory_space<hbm>>
    %dma_start3A_74 = arith.constant 16 : i32
    %dma_start3A_75 = arith.constant 0 : i32
    %dma_start3A_76 = tpu.memref_slice %arg8[%dma_start3A_74, %dma_start3A_75] : memref<32x1000xi32, #tpu.memory_space<vmem>> -> memref<8x1000xi32, #tpu.memory_space<vmem>>
    %dma_start3A_77 = arith.constant 16 : i32
    %dma_start3A_78 = arith.constant 0 : i32
    %dma_start3A_79 = tpu.memref_slice %arg5[%dma_start3A_77, %dma_start3A_78] : memref<32x1000xi32, #tpu.memory_space<hbm>> -> memref<8x1000xi32, #tpu.memory_space<hbm>>
    tpu.enqueue_dma source(%dma_start3A_79 : memref<8x1000xi32, #tpu.memory_space<hbm>>) target(%dma_start3A_76 : memref<8x1000xi32, #tpu.memory_space<vmem>>) target_semaphore(%arg15 : memref<!tpu.dma_semaphore, #tpu.memory_space<semaphore_mem>>)
    %dma_start3A_80 = arith.constant 32 : i32
    %dma_start3A_81 = arith.constant 0 : i32
    %dma_start3A_82 = tpu.memref_slice %arg9[%dma_start3A_80, %dma_start3A_81] : memref<64x512xf32, #tpu.memory_space<vmem>> -> memref<16x512xf32, #tpu.memory_space<vmem>>
    %dma_start3A_83 = arith.constant 32 : i32
    %dma_start3A_84 = tpu.memref_slice %arg2[%dma_start3A_83, %mul3A_2] : memref<64x16384xf32, #tpu.memory_space<hbm>> -> memref<16x512xf32, #tpu.memory_space<hbm>>
    %dma_start3A_85 = arith.constant 32 : i32
    %dma_start3A_86 = arith.constant 0 : i32
    %dma_start3A_87 = tpu.memref_slice %arg9[%dma_start3A_85, %dma_start3A_86] : memref<64x512xf32, #tpu.memory_space<vmem>> -> memref<16x512xf32, #tpu.memory_space<vmem>>
    %dma_start3A_88 = arith.constant 32 : i32
    %dma_start3A_89 = tpu.memref_slice %arg2[%dma_start3A_88, %mul3A_2] : memref<64x16384xf32, #tpu.memory_space<hbm>> -> memref<16x512xf32, #tpu.memory_space<hbm>>
    tpu.enqueue_dma source(%dma_start3A_89 : memref<16x512xf32, #tpu.memory_space<hbm>>) target(%dma_start3A_87 : memref<16x512xf32, #tpu.memory_space<vmem>>) target_semaphore(%arg15 : memref<!tpu.dma_semaphore, #tpu.memory_space<semaphore_mem>>)
    %dma_start3A_90 = arith.constant 32 : i32
    %dma_start3A_91 = arith.constant 0 : i32
    %dma_start3A_92 = tpu.memref_slice %arg10[%dma_start3A_90, %dma_start3A_91] : memref<64x512xf32, #tpu.memory_space<vmem>> -> memref<16x512xf32, #tpu.memory_space<vmem>>
    %dma_start3A_93 = arith.constant 32 : i32
    %dma_start3A_94 = tpu.memref_slice %arg3[%dma_start3A_93, %mul3A_2] : memref<64x16384xf32, #tpu.memory_space<hbm>> -> memref<16x512xf32, #tpu.memory_space<hbm>>
    %dma_start3A_95 = arith.constant 32 : i32
    %dma_start3A_96 = arith.constant 0 : i32
    %dma_start3A_97 = tpu.memref_slice %arg10[%dma_start3A_95, %dma_start3A_96] : memref<64x512xf32, #tpu.memory_space<vmem>> -> memref<16x512xf32, #tpu.memory_space<vmem>>
    %dma_start3A_98 = arith.constant 32 : i32
    %dma_start3A_99 = tpu.memref_slice %arg3[%dma_start3A_98, %mul3A_2] : memref<64x16384xf32, #tpu.memory_space<hbm>> -> memref<16x512xf32, #tpu.memory_space<hbm>>
    tpu.enqueue_dma source(%dma_start3A_99 : memref<16x512xf32, #tpu.memory_space<hbm>>) target(%dma_start3A_97 : memref<16x512xf32, #tpu.memory_space<vmem>>) target_semaphore(%arg15 : memref<!tpu.dma_semaphore, #tpu.memory_space<semaphore_mem>>)
    %dma_start3A_100 = arith.constant 24 : i32
    %dma_start3A_101 = arith.constant 0 : i32
    %dma_start3A_102 = tpu.memref_slice %arg8[%dma_start3A_100, %dma_start3A_101] : memref<32x1000xi32, #tpu.memory_space<vmem>> -> memref<8x1000xi32, #tpu.memory_space<vmem>>
    %dma_start3A_103 = arith.constant 24 : i32
    %dma_start3A_104 = arith.constant 0 : i32
    %dma_start3A_105 = tpu.memref_slice %arg5[%dma_start3A_103, %dma_start3A_104] : memref<32x1000xi32, #tpu.memory_space<hbm>> -> memref<8x1000xi32, #tpu.memory_space<hbm>>
    %dma_start3A_106 = arith.constant 24 : i32
    %dma_start3A_107 = arith.constant 0 : i32
    %dma_start3A_108 = tpu.memref_slice %arg8[%dma_start3A_106, %dma_start3A_107] : memref<32x1000xi32, #tpu.memory_space<vmem>> -> memref<8x1000xi32, #tpu.memory_space<vmem>>
    %dma_start3A_109 = arith.constant 24 : i32
    %dma_start3A_110 = arith.constant 0 : i32
    %dma_start3A_111 = tpu.memref_slice %arg5[%dma_start3A_109, %dma_start3A_110] : memref<32x1000xi32, #tpu.memory_space<hbm>> -> memref<8x1000xi32, #tpu.memory_space<hbm>>
    tpu.enqueue_dma source(%dma_start3A_111 : memref<8x1000xi32, #tpu.memory_space<hbm>>) target(%dma_start3A_108 : memref<8x1000xi32, #tpu.memory_space<vmem>>) target_semaphore(%arg16 : memref<!tpu.dma_semaphore, #tpu.memory_space<semaphore_mem>>)
    %dma_start3A_112 = arith.constant 48 : i32
    %dma_start3A_113 = arith.constant 0 : i32
    %dma_start3A_114 = tpu.memref_slice %arg9[%dma_start3A_112, %dma_start3A_113] : memref<64x512xf32, #tpu.memory_space<vmem>> -> memref<16x512xf32, #tpu.memory_space<vmem>>
    %dma_start3A_115 = arith.constant 48 : i32
    %dma_start3A_116 = tpu.memref_slice %arg2[%dma_start3A_115, %mul3A_2] : memref<64x16384xf32, #tpu.memory_space<hbm>> -> memref<16x512xf32, #tpu.memory_space<hbm>>
    %dma_start3A_117 = arith.constant 48 : i32
    %dma_start3A_118 = arith.constant 0 : i32
    %dma_start3A_119 = tpu.memref_slice %arg9[%dma_start3A_117, %dma_start3A_118] : memref<64x512xf32, #tpu.memory_space<vmem>> -> memref<16x512xf32, #tpu.memory_space<vmem>>
    %dma_start3A_120 = arith.constant 48 : i32
    %dma_start3A_121 = tpu.memref_slice %arg2[%dma_start3A_120, %mul3A_2] : memref<64x16384xf32, #tpu.memory_space<hbm>> -> memref<16x512xf32, #tpu.memory_space<hbm>>
    tpu.enqueue_dma source(%dma_start3A_121 : memref<16x512xf32, #tpu.memory_space<hbm>>) target(%dma_start3A_119 : memref<16x512xf32, #tpu.memory_space<vmem>>) target_semaphore(%arg16 : memref<!tpu.dma_semaphore, #tpu.memory_space<semaphore_mem>>)
    %dma_start3A_122 = arith.constant 48 : i32
    %dma_start3A_123 = arith.constant 0 : i32
    %dma_start3A_124 = tpu.memref_slice %arg10[%dma_start3A_122, %dma_start3A_123] : memref<64x512xf32, #tpu.memory_space<vmem>> -> memref<16x512xf32, #tpu.memory_space<vmem>>
    %dma_start3A_125 = arith.constant 48 : i32
    %dma_start3A_126 = tpu.memref_slice %arg3[%dma_start3A_125, %mul3A_2] : memref<64x16384xf32, #tpu.memory_space<hbm>> -> memref<16x512xf32, #tpu.memory_space<hbm>>
    %dma_start3A_127 = arith.constant 48 : i32
    %dma_start3A_128 = arith.constant 0 : i32
    %dma_start3A_129 = tpu.memref_slice %arg10[%dma_start3A_127, %dma_start3A_128] : memref<64x512xf32, #tpu.memory_space<vmem>> -> memref<16x512xf32, #tpu.memory_space<vmem>>
    %dma_start3A_130 = arith.constant 48 : i32
    %dma_start3A_131 = tpu.memref_slice %arg3[%dma_start3A_130, %mul3A_2] : memref<64x16384xf32, #tpu.memory_space<hbm>> -> memref<16x512xf32, #tpu.memory_space<hbm>>
    tpu.enqueue_dma source(%dma_start3A_131 : memref<16x512xf32, #tpu.memory_space<hbm>>) target(%dma_start3A_129 : memref<16x512xf32, #tpu.memory_space<vmem>>) target_semaphore(%arg16 : memref<!tpu.dma_semaphore, #tpu.memory_space<semaphore_mem>>)
    %broadcast_in_dim3A = arith.constant -65536 : i32
    %broadcast_in_dim3A_132 = vector.broadcast %broadcast_in_dim3A : i32 to vector<16xi32>
    "tpu.trace_start"() <{level = 10 : i32, message = "idxwait"}> : () -> ()
    %dma_wait3A = tpu.memref_slice %arg4[%mul3A_2] : memref<16384xi32, #tpu.memory_space<hbm>> -> memref<512xi32, #tpu.memory_space<hbm>>
    %dma_wait3A_133 = tpu.memref_slice %arg4[%mul3A_2] : memref<16384xi32, #tpu.memory_space<hbm>> -> memref<512xi32, #tpu.memory_space<hbm>>
    tpu.wait_dma2 semaphore(%arg12 : memref<!tpu.dma_semaphore, #tpu.memory_space<semaphore_mem>>) src(%dma_wait3A_133 : memref<512xi32, #tpu.memory_space<hbm>>) dst(%arg7 : memref<512xi32, #tpu.memory_space<vmem>>)
    "tpu.trace_stop"() : () -> ()
    "tpu.trace_start"() <{level = 10 : i32, message = "wait0"}> : () -> ()
    %dma_wait3A_134 = arith.constant 0 : i32
    %dma_wait3A_135 = arith.constant 0 : i32
    %dma_wait3A_136 = tpu.memref_slice %arg8[%dma_wait3A_134, %dma_wait3A_135] : memref<32x1000xi32, #tpu.memory_space<vmem>> -> memref<8x1000xi32, #tpu.memory_space<vmem>>
    %dma_wait3A_137 = arith.constant 0 : i32
    %dma_wait3A_138 = arith.constant 0 : i32
    %dma_wait3A_139 = tpu.memref_slice %arg5[%dma_wait3A_137, %dma_wait3A_138] : memref<32x1000xi32, #tpu.memory_space<hbm>> -> memref<8x1000xi32, #tpu.memory_space<hbm>>
    %dma_wait3A_140 = arith.constant 0 : i32
    %dma_wait3A_141 = arith.constant 0 : i32
    %dma_wait3A_142 = tpu.memref_slice %arg8[%dma_wait3A_140, %dma_wait3A_141] : memref<32x1000xi32, #tpu.memory_space<vmem>> -> memref<8x1000xi32, #tpu.memory_space<vmem>>
    %dma_wait3A_143 = arith.constant 0 : i32
    %dma_wait3A_144 = arith.constant 0 : i32
    %dma_wait3A_145 = tpu.memref_slice %arg5[%dma_wait3A_143, %dma_wait3A_144] : memref<32x1000xi32, #tpu.memory_space<hbm>> -> memref<8x1000xi32, #tpu.memory_space<hbm>>
    tpu.wait_dma2 semaphore(%arg13 : memref<!tpu.dma_semaphore, #tpu.memory_space<semaphore_mem>>) src(%dma_wait3A_145 : memref<8x1000xi32, #tpu.memory_space<hbm>>) dst(%dma_wait3A_142 : memref<8x1000xi32, #tpu.memory_space<vmem>>)
    %dma_wait3A_146 = arith.constant 0 : i32
    %dma_wait3A_147 = arith.constant 0 : i32
    %dma_wait3A_148 = tpu.memref_slice %arg9[%dma_wait3A_146, %dma_wait3A_147] : memref<64x512xf32, #tpu.memory_space<vmem>> -> memref<16x512xf32, #tpu.memory_space<vmem>>
    %dma_wait3A_149 = arith.constant 0 : i32
    %dma_wait3A_150 = tpu.memref_slice %arg2[%dma_wait3A_149, %mul3A_2] : memref<64x16384xf32, #tpu.memory_space<hbm>> -> memref<16x512xf32, #tpu.memory_space<hbm>>
    %dma_wait3A_151 = arith.constant 0 : i32
    %dma_wait3A_152 = arith.constant 0 : i32
    %dma_wait3A_153 = tpu.memref_slice %arg9[%dma_wait3A_151, %dma_wait3A_152] : memref<64x512xf32, #tpu.memory_space<vmem>> -> memref<16x512xf32, #tpu.memory_space<vmem>>
    %dma_wait3A_154 = arith.constant 0 : i32
    %dma_wait3A_155 = tpu.memref_slice %arg2[%dma_wait3A_154, %mul3A_2] : memref<64x16384xf32, #tpu.memory_space<hbm>> -> memref<16x512xf32, #tpu.memory_space<hbm>>
    tpu.wait_dma2 semaphore(%arg13 : memref<!tpu.dma_semaphore, #tpu.memory_space<semaphore_mem>>) src(%dma_wait3A_155 : memref<16x512xf32, #tpu.memory_space<hbm>>) dst(%dma_wait3A_153 : memref<16x512xf32, #tpu.memory_space<vmem>>)
    %dma_wait3A_156 = arith.constant 0 : i32
    %dma_wait3A_157 = arith.constant 0 : i32
    %dma_wait3A_158 = tpu.memref_slice %arg10[%dma_wait3A_156, %dma_wait3A_157] : memref<64x512xf32, #tpu.memory_space<vmem>> -> memref<16x512xf32, #tpu.memory_space<vmem>>
    %dma_wait3A_159 = arith.constant 0 : i32
    %dma_wait3A_160 = tpu.memref_slice %arg3[%dma_wait3A_159, %mul3A_2] : memref<64x16384xf32, #tpu.memory_space<hbm>> -> memref<16x512xf32, #tpu.memory_space<hbm>>
    %dma_wait3A_161 = arith.constant 0 : i32
    %dma_wait3A_162 = arith.constant 0 : i32
    %dma_wait3A_163 = tpu.memref_slice %arg10[%dma_wait3A_161, %dma_wait3A_162] : memref<64x512xf32, #tpu.memory_space<vmem>> -> memref<16x512xf32, #tpu.memory_space<vmem>>
    %dma_wait3A_164 = arith.constant 0 : i32
    %dma_wait3A_165 = tpu.memref_slice %arg3[%dma_wait3A_164, %mul3A_2] : memref<64x16384xf32, #tpu.memory_space<hbm>> -> memref<16x512xf32, #tpu.memory_space<hbm>>
    tpu.wait_dma2 semaphore(%arg13 : memref<!tpu.dma_semaphore, #tpu.memory_space<semaphore_mem>>) src(%dma_wait3A_165 : memref<16x512xf32, #tpu.memory_space<hbm>>) dst(%dma_wait3A_163 : memref<16x512xf32, #tpu.memory_space<vmem>>)
    %parallel_loop3A = arith.constant 0 : i32
    %parallel_loop3A_166 = arith.constant 32 : i32
    %parallel_loop3A_167 = arith.constant 1 : i32
    "tpu.trace_stop"() : () -> ()
    "tpu.trace_start"() <{level = 10 : i32, message = "comp0"}> : () -> ()
    scf.for %parallel_loop3A_273 = %parallel_loop3A to %parallel_loop3A_166 step %parallel_loop3A_167  : i32 {
      %parallel_loop3A_274 = arith.constant 16 : i32
      %parallel_loop3A_275 = arith.muli %parallel_loop3A_273, %parallel_loop3A_274 : i32
      %parallel_loop3A_276 = arith.index_cast %parallel_loop3A_275 : i32 to index
      %parallel_loop3A_277 = tpu.vector_load %arg7[%parallel_loop3A_276] {strides = array<i32>} : memref<512xi32, #tpu.memory_space<vmem>>, vector<16xi32>,
      %parallel_loop3A_278 = arith.constant 0.000000e+00 : f32
      %parallel_loop3A_279 = vector.broadcast %parallel_loop3A_278 : f32 to vector<16xf32>
      %parallel_loop3A_280 = arith.constant 0.000000e+00 : f32
      %parallel_loop3A_281 = vector.broadcast %parallel_loop3A_280 : f32 to vector<16xf32>
      %parallel_loop3A_282 = arith.constant 0.000000e+00 : f32
      %parallel_loop3A_283 = vector.broadcast %parallel_loop3A_282 : f32 to vector<16xf32>
      %parallel_loop3A_284 = arith.constant 0.000000e+00 : f32
      %parallel_loop3A_285 = vector.broadcast %parallel_loop3A_284 : f32 to vector<16xf32>
      %parallel_loop3A_286 = arith.constant 0 : i32
      %parallel_loop3A_287 = vector.broadcast %parallel_loop3A_286 : i32 to vector<16xi32>
      %parallel_loop3A_288 = tpu.vector_load_idx %arg8[%parallel_loop3A_287, %parallel_loop3A_277] : memref<32x1000xi32, #tpu.memory_space<vmem>>[vector<16xi32>, vector<16xi32>], vector<16xi32>,
      %parallel_loop3A_289 = arith.constant 16 : i32
      %parallel_loop3A_290 = vector.broadcast %parallel_loop3A_289 : i32 to vector<16xi32>
      %parallel_loop3A_291 = arith.shli %parallel_loop3A_288, %parallel_loop3A_290 : vector<16xi32>
      %parallel_loop3A_292 = vector.bitcast %parallel_loop3A_291 : vector<16xi32> to vector<16xf32>
      %parallel_loop3A_293 = arith.andi %parallel_loop3A_288, %broadcast_in_dim3A_132 : vector<16xi32>
      %parallel_loop3A_294 = vector.bitcast %parallel_loop3A_293 : vector<16xi32> to vector<16xf32>
      %parallel_loop3A_295 = arith.constant 0 : i32
      %parallel_loop3A_296 = arith.index_cast %parallel_loop3A_295 : i32 to index
      %parallel_loop3A_297 = arith.index_cast %parallel_loop3A_275 : i32 to index
      %parallel_loop3A_298 = tpu.vector_load %arg9[%parallel_loop3A_296, %parallel_loop3A_297] {strides = array<i32>} : memref<64x512xf32, #tpu.memory_space<vmem>>, vector<16xf32>,
      %parallel_loop3A_299 = arith.constant 0 : i32
      %parallel_loop3A_300 = arith.index_cast %parallel_loop3A_299 : i32 to index
      %parallel_loop3A_301 = arith.index_cast %parallel_loop3A_275 : i32 to index
      %parallel_loop3A_302 = tpu.vector_load %arg10[%parallel_loop3A_300, %parallel_loop3A_301] {strides = array<i32>} : memref<64x512xf32, #tpu.memory_space<vmem>>, vector<16xf32>,
      %parallel_loop3A_303 = arith.constant 1 : i32
      %parallel_loop3A_304 = arith.index_cast %parallel_loop3A_303 : i32 to index
      %parallel_loop3A_305 = arith.index_cast %parallel_loop3A_275 : i32 to index
      %parallel_loop3A_306 = tpu.vector_load %arg9[%parallel_loop3A_304, %parallel_loop3A_305] {strides = array<i32>} : memref<64x512xf32, #tpu.memory_space<vmem>>, vector<16xf32>,
      %parallel_loop3A_307 = arith.constant 1 : i32
      %parallel_loop3A_308 = arith.index_cast %parallel_loop3A_307 : i32 to index
      %parallel_loop3A_309 = arith.index_cast %parallel_loop3A_275 : i32 to index
      %parallel_loop3A_310 = tpu.vector_load %arg10[%parallel_loop3A_308, %parallel_loop3A_309] {strides = array<i32>} : memref<64x512xf32, #tpu.memory_space<vmem>>, vector<16xf32>,
      %parallel_loop3A_311 = arith.mulf %parallel_loop3A_298, %parallel_loop3A_292 : vector<16xf32>
      %parallel_loop3A_312 = arith.mulf %parallel_loop3A_311, %parallel_loop3A_302 : vector<16xf32>
      %parallel_loop3A_313 = arith.mulf %parallel_loop3A_306, %parallel_loop3A_294 : vector<16xf32>
      %parallel_loop3A_314 = arith.mulf %parallel_loop3A_313, %parallel_loop3A_310 : vector<16xf32>
      %parallel_loop3A_315 = arith.addf %parallel_loop3A_312, %parallel_loop3A_314 : vector<16xf32>
      %parallel_loop3A_316 = arith.addf %parallel_loop3A_279, %parallel_loop3A_315 : vector<16xf32>
      %parallel_loop3A_317 = arith.constant 1 : i32
      %parallel_loop3A_318 = vector.broadcast %parallel_loop3A_317 : i32 to vector<16xi32>
      %parallel_loop3A_319 = tpu.vector_load_idx %arg8[%parallel_loop3A_318, %parallel_loop3A_277] : memref<32x1000xi32, #tpu.memory_space<vmem>>[vector<16xi32>, vector<16xi32>], vector<16xi32>,
      %parallel_loop3A_320 = arith.constant 16 : i32
      %parallel_loop3A_321 = vector.broadcast %parallel_loop3A_320 : i32 to vector<16xi32>
      %parallel_loop3A_322 = arith.shli %parallel_loop3A_319, %parallel_loop3A_321 : vector<16xi32>
      %parallel_loop3A_323 = vector.bitcast %parallel_loop3A_322 : vector<16xi32> to vector<16xf32>
      %parallel_loop3A_324 = arith.andi %parallel_loop3A_319, %broadcast_in_dim3A_132 : vector<16xi32>
      %parallel_loop3A_325 = vector.bitcast %parallel_loop3A_324 : vector<16xi32> to vector<16xf32>
      %parallel_loop3A_326 = arith.constant 2 : i32
      %parallel_loop3A_327 = arith.index_cast %parallel_loop3A_326 : i32 to index
      %parallel_loop3A_328 = arith.index_cast %parallel_loop3A_275 : i32 to index
      %parallel_loop3A_329 = tpu.vector_load %arg9[%parallel_loop3A_327, %parallel_loop3A_328] {strides = array<i32>} : memref<64x512xf32, #tpu.memory_space<vmem>>, vector<16xf32>,
      %parallel_loop3A_330 = arith.constant 2 : i32
      %parallel_loop3A_331 = arith.index_cast %parallel_loop3A_330 : i32 to index
      %parallel_loop3A_332 = arith.index_cast %parallel_loop3A_275 : i32 to index
      %parallel_loop3A_333 = tpu.vector_load %arg10[%parallel_loop3A_331, %parallel_loop3A_332] {strides = array<i32>} : memref<64x512xf32, #tpu.memory_space<vmem>>, vector<16xf32>,
      %parallel_loop3A_334 = arith.constant 3 : i32
      %parallel_loop3A_335 = arith.index_cast %parallel_loop3A_334 : i32 to index
      %parallel_loop3A_336 = arith.index_cast %parallel_loop3A_275 : i32 to index
      %parallel_loop3A_337 = tpu.vector_load %arg9[%parallel_loop3A_335, %parallel_loop3A_336] {strides = array<i32>} : memref<64x512xf32, #tpu.memory_space<vmem>>, vector<16xf32>,
      %parallel_loop3A_338 = arith.constant 3 : i32
      %parallel_loop3A_339 = arith.index_cast %parallel_loop3A_338 : i32 to index
      %parallel_loop3A_340 = arith.index_cast %parallel_loop3A_275 : i32 to index
      %parallel_loop3A_341 = tpu.vector_load %arg10[%parallel_loop3A_339, %parallel_loop3A_340] {strides = array<i32>} : memref<64x512xf32, #tpu.memory_space<vmem>>, vector<16xf32>,
      %parallel_loop3A_342 = arith.mulf %parallel_loop3A_329, %parallel_loop3A_323 : vector<16xf32>
      %parallel_loop3A_343 = arith.mulf %parallel_loop3A_342, %parallel_loop3A_333 : vector<16xf32>
      %parallel_loop3A_344 = arith.mulf %parallel_loop3A_337, %parallel_loop3A_325 : vector<16xf32>
      %parallel_loop3A_345 = arith.mulf %parallel_loop3A_344, %parallel_loop3A_341 : vector<16xf32>
      %parallel_loop3A_346 = arith.addf %parallel_loop3A_343, %parallel_loop3A_345 : vector<16xf32>
      %parallel_loop3A_347 = arith.addf %parallel_loop3A_281, %parallel_loop3A_346 : vector<16xf32>
      %parallel_loop3A_348 = arith.constant 2 : i32
      %parallel_loop3A_349 = vector.broadcast %parallel_loop3A_348 : i32 to vector<16xi32>
      %parallel_loop3A_350 = tpu.vector_load_idx %arg8[%parallel_loop3A_349, %parallel_loop3A_277] : memref<32x1000xi32, #tpu.memory_space<vmem>>[vector<16xi32>, vector<16xi32>], vector<16xi32>,
      %parallel_loop3A_351 = arith.constant 16 : i32
      %parallel_loop3A_352 = vector.broadcast %parallel_loop3A_351 : i32 to vector<16xi32>
      %parallel_loop3A_353 = arith.shli %parallel_loop3A_350, %parallel_loop3A_352 : vector<16xi32>
      %parallel_loop3A_354 = vector.bitcast %parallel_loop3A_353 : vector<16xi32> to vector<16xf32>
      %parallel_loop3A_355 = arith.andi %parallel_loop3A_350, %broadcast_in_dim3A_132 : vector<16xi32>
      %parallel_loop3A_356 = vector.bitcast %parallel_loop3A_355 : vector<16xi32> to vector<16xf32>
      %parallel_loop3A_357 = arith.constant 4 : i32
      %parallel_loop3A_358 = arith.index_cast %parallel_loop3A_357 : i32 to index
      %parallel_loop3A_359 = arith.index_cast %parallel_loop3A_275 : i32 to index
      %parallel_loop3A_360 = tpu.vector_load %arg9[%parallel_loop3A_358, %parallel_loop3A_359] {strides = array<i32>} : memref<64x512xf32, #tpu.memory_space<vmem>>, vector<16xf32>,
      %parallel_loop3A_361 = arith.constant 4 : i32
      %parallel_loop3A_362 = arith.index_cast %parallel_loop3A_361 : i32 to index
      %parallel_loop3A_363 = arith.index_cast %parallel_loop3A_275 : i32 to index
      %parallel_loop3A_364 = tpu.vector_load %arg10[%parallel_loop3A_362, %parallel_loop3A_363] {strides = array<i32>} : memref<64x512xf32, #tpu.memory_space<vmem>>, vector<16xf32>,
      %parallel_loop3A_365 = arith.constant 5 : i32
      %parallel_loop3A_366 = arith.index_cast %parallel_loop3A_365 : i32 to index
      %parallel_loop3A_367 = arith.index_cast %parallel_loop3A_275 : i32 to index
      %parallel_loop3A_368 = tpu.vector_load %arg9[%parallel_loop3A_366, %parallel_loop3A_367] {strides = array<i32>} : memref<64x512xf32, #tpu.memory_space<vmem>>, vector<16xf32>,
      %parallel_loop3A_369 = arith.constant 5 : i32
      %parallel_loop3A_370 = arith.index_cast %parallel_loop3A_369 : i32 to index
      %parallel_loop3A_371 = arith.index_cast %parallel_loop3A_275 : i32 to index
      %parallel_loop3A_372 = tpu.vector_load %arg10[%parallel_loop3A_370, %parallel_loop3A_371] {strides = array<i32>} : memref<64x512xf32, #tpu.memory_space<vmem>>, vector<16xf32>,
      %parallel_loop3A_373 = arith.mulf %parallel_loop3A_360, %parallel_loop3A_354 : vector<16xf32>
      %parallel_loop3A_374 = arith.mulf %parallel_loop3A_373, %parallel_loop3A_364 : vector<16xf32>
      %parallel_loop3A_375 = arith.mulf %parallel_loop3A_368, %parallel_loop3A_356 : vector<16xf32>
      %parallel_loop3A_376 = arith.mulf %parallel_loop3A_375, %parallel_loop3A_372 : vector<16xf32>
      %parallel_loop3A_377 = arith.addf %parallel_loop3A_374, %parallel_loop3A_376 : vector<16xf32>
      %parallel_loop3A_378 = arith.addf %parallel_loop3A_283, %parallel_loop3A_377 : vector<16xf32>
      %parallel_loop3A_379 = arith.constant 3 : i32
      %parallel_loop3A_380 = vector.broadcast %parallel_loop3A_379 : i32 to vector<16xi32>
      %parallel_loop3A_381 = tpu.vector_load_idx %arg8[%parallel_loop3A_380, %parallel_loop3A_277] : memref<32x1000xi32, #tpu.memory_space<vmem>>[vector<16xi32>, vector<16xi32>], vector<16xi32>,
      %parallel_loop3A_382 = arith.constant 16 : i32
      %parallel_loop3A_383 = vector.broadcast %parallel_loop3A_382 : i32 to vector<16xi32>
      %parallel_loop3A_384 = arith.shli %parallel_loop3A_381, %parallel_loop3A_383 : vector<16xi32>
      %parallel_loop3A_385 = vector.bitcast %parallel_loop3A_384 : vector<16xi32> to vector<16xf32>
      %parallel_loop3A_386 = arith.andi %parallel_loop3A_381, %broadcast_in_dim3A_132 : vector<16xi32>
      %parallel_loop3A_387 = vector.bitcast %parallel_loop3A_386 : vector<16xi32> to vector<16xf32>
      %parallel_loop3A_388 = arith.constant 6 : i32
      %parallel_loop3A_389 = arith.index_cast %parallel_loop3A_388 : i32 to index
      %parallel_loop3A_390 = arith.index_cast %parallel_loop3A_275 : i32 to index
      %parallel_loop3A_391 = tpu.vector_load %arg9[%parallel_loop3A_389, %parallel_loop3A_390] {strides = array<i32>} : memref<64x512xf32, #tpu.memory_space<vmem>>, vector<16xf32>,
      %parallel_loop3A_392 = arith.constant 6 : i32
      %parallel_loop3A_393 = arith.index_cast %parallel_loop3A_392 : i32 to index
      %parallel_loop3A_394 = arith.index_cast %parallel_loop3A_275 : i32 to index
      %parallel_loop3A_395 = tpu.vector_load %arg10[%parallel_loop3A_393, %parallel_loop3A_394] {strides = array<i32>} : memref<64x512xf32, #tpu.memory_space<vmem>>, vector<16xf32>,
      %parallel_loop3A_396 = arith.constant 7 : i32
      %parallel_loop3A_397 = arith.index_cast %parallel_loop3A_396 : i32 to index
      %parallel_loop3A_398 = arith.index_cast %parallel_loop3A_275 : i32 to index
      %parallel_loop3A_399 = tpu.vector_load %arg9[%parallel_loop3A_397, %parallel_loop3A_398] {strides = array<i32>} : memref<64x512xf32, #tpu.memory_space<vmem>>, vector<16xf32>,
      %parallel_loop3A_400 = arith.constant 7 : i32
      %parallel_loop3A_401 = arith.index_cast %parallel_loop3A_400 : i32 to index
      %parallel_loop3A_402 = arith.index_cast %parallel_loop3A_275 : i32 to index
      %parallel_loop3A_403 = tpu.vector_load %arg10[%parallel_loop3A_401, %parallel_loop3A_402] {strides = array<i32>} : memref<64x512xf32, #tpu.memory_space<vmem>>, vector<16xf32>,
      %parallel_loop3A_404 = arith.mulf %parallel_loop3A_391, %parallel_loop3A_385 : vector<16xf32>
      %parallel_loop3A_405 = arith.mulf %parallel_loop3A_404, %parallel_loop3A_395 : vector<16xf32>
      %parallel_loop3A_406 = arith.mulf %parallel_loop3A_399, %parallel_loop3A_387 : vector<16xf32>
      %parallel_loop3A_407 = arith.mulf %parallel_loop3A_406, %parallel_loop3A_403 : vector<16xf32>
      %parallel_loop3A_408 = arith.addf %parallel_loop3A_405, %parallel_loop3A_407 : vector<16xf32>
      %parallel_loop3A_409 = arith.addf %parallel_loop3A_285, %parallel_loop3A_408 : vector<16xf32>
      %parallel_loop3A_410 = arith.constant 4 : i32
      %parallel_loop3A_411 = vector.broadcast %parallel_loop3A_410 : i32 to vector<16xi32>
      %parallel_loop3A_412 = tpu.vector_load_idx %arg8[%parallel_loop3A_411, %parallel_loop3A_277] : memref<32x1000xi32, #tpu.memory_space<vmem>>[vector<16xi32>, vector<16xi32>], vector<16xi32>,
      %parallel_loop3A_413 = arith.constant 16 : i32
      %parallel_loop3A_414 = vector.broadcast %parallel_loop3A_413 : i32 to vector<16xi32>
      %parallel_loop3A_415 = arith.shli %parallel_loop3A_412, %parallel_loop3A_414 : vector<16xi32>
      %parallel_loop3A_416 = vector.bitcast %parallel_loop3A_415 : vector<16xi32> to vector<16xf32>
      %parallel_loop3A_417 = arith.andi %parallel_loop3A_412, %broadcast_in_dim3A_132 : vector<16xi32>
      %parallel_loop3A_418 = vector.bitcast %parallel_loop3A_417 : vector<16xi32> to vector<16xf32>
      %parallel_loop3A_419 = arith.constant 8 : i32
      %parallel_loop3A_420 = arith.index_cast %parallel_loop3A_419 : i32 to index
      %parallel_loop3A_421 = arith.index_cast %parallel_loop3A_275 : i32 to index
      %parallel_loop3A_422 = tpu.vector_load %arg9[%parallel_loop3A_420, %parallel_loop3A_421] {strides = array<i32>} : memref<64x512xf32, #tpu.memory_space<vmem>>, vector<16xf32>,
      %parallel_loop3A_423 = arith.constant 8 : i32
      %parallel_loop3A_424 = arith.index_cast %parallel_loop3A_423 : i32 to index
      %parallel_loop3A_425 = arith.index_cast %parallel_loop3A_275 : i32 to index
      %parallel_loop3A_426 = tpu.vector_load %arg10[%parallel_loop3A_424, %parallel_loop3A_425] {strides = array<i32>} : memref<64x512xf32, #tpu.memory_space<vmem>>, vector<16xf32>,
      %parallel_loop3A_427 = arith.constant 9 : i32
      %parallel_loop3A_428 = arith.index_cast %parallel_loop3A_427 : i32 to index
      %parallel_loop3A_429 = arith.index_cast %parallel_loop3A_275 : i32 to index
      %parallel_loop3A_430 = tpu.vector_load %arg9[%parallel_loop3A_428, %parallel_loop3A_429] {strides = array<i32>} : memref<64x512xf32, #tpu.memory_space<vmem>>, vector<16xf32>,
      %parallel_loop3A_431 = arith.constant 9 : i32
      %parallel_loop3A_432 = arith.index_cast %parallel_loop3A_431 : i32 to index
      %parallel_loop3A_433 = arith.index_cast %parallel_loop3A_275 : i32 to index
      %parallel_loop3A_434 = tpu.vector_load %arg10[%parallel_loop3A_432, %parallel_loop3A_433] {strides = array<i32>} : memref<64x512xf32, #tpu.memory_space<vmem>>, vector<16xf32>,
      %parallel_loop3A_435 = arith.mulf %parallel_loop3A_422, %parallel_loop3A_416 : vector<16xf32>
      %parallel_loop3A_436 = arith.mulf %parallel_loop3A_435, %parallel_loop3A_426 : vector<16xf32>
      %parallel_loop3A_437 = arith.mulf %parallel_loop3A_430, %parallel_loop3A_418 : vector<16xf32>
      %parallel_loop3A_438 = arith.mulf %parallel_loop3A_437, %parallel_loop3A_434 : vector<16xf32>
      %parallel_loop3A_439 = arith.addf %parallel_loop3A_436, %parallel_loop3A_438 : vector<16xf32>
      %parallel_loop3A_440 = arith.addf %parallel_loop3A_316, %parallel_loop3A_439 : vector<16xf32>
      %parallel_loop3A_441 = arith.constant 5 : i32
      %parallel_loop3A_442 = vector.broadcast %parallel_loop3A_441 : i32 to vector<16xi32>
      %parallel_loop3A_443 = tpu.vector_load_idx %arg8[%parallel_loop3A_442, %parallel_loop3A_277] : memref<32x1000xi32, #tpu.memory_space<vmem>>[vector<16xi32>, vector<16xi32>], vector<16xi32>,
      %parallel_loop3A_444 = arith.constant 16 : i32
      %parallel_loop3A_445 = vector.broadcast %parallel_loop3A_444 : i32 to vector<16xi32>
      %parallel_loop3A_446 = arith.shli %parallel_loop3A_443, %parallel_loop3A_445 : vector<16xi32>
      %parallel_loop3A_447 = vector.bitcast %parallel_loop3A_446 : vector<16xi32> to vector<16xf32>
      %parallel_loop3A_448 = arith.andi %parallel_loop3A_443, %broadcast_in_dim3A_132 : vector<16xi32>
      %parallel_loop3A_449 = vector.bitcast %parallel_loop3A_448 : vector<16xi32> to vector<16xf32>
      %parallel_loop3A_450 = arith.constant 10 : i32
      %parallel_loop3A_451 = arith.index_cast %parallel_loop3A_450 : i32 to index
      %parallel_loop3A_452 = arith.index_cast %parallel_loop3A_275 : i32 to index
      %parallel_loop3A_453 = tpu.vector_load %arg9[%parallel_loop3A_451, %parallel_loop3A_452] {strides = array<i32>} : memref<64x512xf32, #tpu.memory_space<vmem>>, vector<16xf32>,
      %parallel_loop3A_454 = arith.constant 10 : i32
      %parallel_loop3A_455 = arith.index_cast %parallel_loop3A_454 : i32 to index
      %parallel_loop3A_456 = arith.index_cast %parallel_loop3A_275 : i32 to index
      %parallel_loop3A_457 = tpu.vector_load %arg10[%parallel_loop3A_455, %parallel_loop3A_456] {strides = array<i32>} : memref<64x512xf32, #tpu.memory_space<vmem>>, vector<16xf32>,
      %parallel_loop3A_458 = arith.constant 11 : i32
      %parallel_loop3A_459 = arith.index_cast %parallel_loop3A_458 : i32 to index
      %parallel_loop3A_460 = arith.index_cast %parallel_loop3A_275 : i32 to index
      %parallel_loop3A_461 = tpu.vector_load %arg9[%parallel_loop3A_459, %parallel_loop3A_460] {strides = array<i32>} : memref<64x512xf32, #tpu.memory_space<vmem>>, vector<16xf32>,
      %parallel_loop3A_462 = arith.constant 11 : i32
      %parallel_loop3A_463 = arith.index_cast %parallel_loop3A_462 : i32 to index
      %parallel_loop3A_464 = arith.index_cast %parallel_loop3A_275 : i32 to index
      %parallel_loop3A_465 = tpu.vector_load %arg10[%parallel_loop3A_463, %parallel_loop3A_464] {strides = array<i32>} : memref<64x512xf32, #tpu.memory_space<vmem>>, vector<16xf32>,
      %parallel_loop3A_466 = arith.mulf %parallel_loop3A_453, %parallel_loop3A_447 : vector<16xf32>
      %parallel_loop3A_467 = arith.mulf %parallel_loop3A_466, %parallel_loop3A_457 : vector<16xf32>
      %parallel_loop3A_468 = arith.mulf %parallel_loop3A_461, %parallel_loop3A_449 : vector<16xf32>
      %parallel_loop3A_469 = arith.mulf %parallel_loop3A_468, %parallel_loop3A_465 : vector<16xf32>
      %parallel_loop3A_470 = arith.addf %parallel_loop3A_467, %parallel_loop3A_469 : vector<16xf32>
      %parallel_loop3A_471 = arith.addf %parallel_loop3A_347, %parallel_loop3A_470 : vector<16xf32>
      %parallel_loop3A_472 = arith.constant 6 : i32
      %parallel_loop3A_473 = vector.broadcast %parallel_loop3A_472 : i32 to vector<16xi32>
      %parallel_loop3A_474 = tpu.vector_load_idx %arg8[%parallel_loop3A_473, %parallel_loop3A_277] : memref<32x1000xi32, #tpu.memory_space<vmem>>[vector<16xi32>, vector<16xi32>], vector<16xi32>,
      %parallel_loop3A_475 = arith.constant 16 : i32
      %parallel_loop3A_476 = vector.broadcast %parallel_loop3A_475 : i32 to vector<16xi32>
      %parallel_loop3A_477 = arith.shli %parallel_loop3A_474, %parallel_loop3A_476 : vector<16xi32>
      %parallel_loop3A_478 = vector.bitcast %parallel_loop3A_477 : vector<16xi32> to vector<16xf32>
      %parallel_loop3A_479 = arith.andi %parallel_loop3A_474, %broadcast_in_dim3A_132 : vector<16xi32>
      %parallel_loop3A_480 = vector.bitcast %parallel_loop3A_479 : vector<16xi32> to vector<16xf32>
      %parallel_loop3A_481 = arith.constant 12 : i32
      %parallel_loop3A_482 = arith.index_cast %parallel_loop3A_481 : i32 to index
      %parallel_loop3A_483 = arith.index_cast %parallel_loop3A_275 : i32 to index
      %parallel_loop3A_484 = tpu.vector_load %arg9[%parallel_loop3A_482, %parallel_loop3A_483] {strides = array<i32>} : memref<64x512xf32, #tpu.memory_space<vmem>>, vector<16xf32>,
      %parallel_loop3A_485 = arith.constant 12 : i32
      %parallel_loop3A_486 = arith.index_cast %parallel_loop3A_485 : i32 to index
      %parallel_loop3A_487 = arith.index_cast %parallel_loop3A_275 : i32 to index
      %parallel_loop3A_488 = tpu.vector_load %arg10[%parallel_loop3A_486, %parallel_loop3A_487] {strides = array<i32>} : memref<64x512xf32, #tpu.memory_space<vmem>>, vector<16xf32>,
      %parallel_loop3A_489 = arith.constant 13 : i32
      %parallel_loop3A_490 = arith.index_cast %parallel_loop3A_489 : i32 to index
      %parallel_loop3A_491 = arith.index_cast %parallel_loop3A_275 : i32 to index
      %parallel_loop3A_492 = tpu.vector_load %arg9[%parallel_loop3A_490, %parallel_loop3A_491] {strides = array<i32>} : memref<64x512xf32, #tpu.memory_space<vmem>>, vector<16xf32>,
      %parallel_loop3A_493 = arith.constant 13 : i32
      %parallel_loop3A_494 = arith.index_cast %parallel_loop3A_493 : i32 to index
      %parallel_loop3A_495 = arith.index_cast %parallel_loop3A_275 : i32 to index
      %parallel_loop3A_496 = tpu.vector_load %arg10[%parallel_loop3A_494, %parallel_loop3A_495] {strides = array<i32>} : memref<64x512xf32, #tpu.memory_space<vmem>>, vector<16xf32>,
      %parallel_loop3A_497 = arith.mulf %parallel_loop3A_484, %parallel_loop3A_478 : vector<16xf32>
      %parallel_loop3A_498 = arith.mulf %parallel_loop3A_497, %parallel_loop3A_488 : vector<16xf32>
      %parallel_loop3A_499 = arith.mulf %parallel_loop3A_492, %parallel_loop3A_480 : vector<16xf32>
      %parallel_loop3A_500 = arith.mulf %parallel_loop3A_499, %parallel_loop3A_496 : vector<16xf32>
      %parallel_loop3A_501 = arith.addf %parallel_loop3A_498, %parallel_loop3A_500 : vector<16xf32>
      %parallel_loop3A_502 = arith.addf %parallel_loop3A_378, %parallel_loop3A_501 : vector<16xf32>
      %parallel_loop3A_503 = arith.constant 7 : i32
      %parallel_loop3A_504 = vector.broadcast %parallel_loop3A_503 : i32 to vector<16xi32>
      %parallel_loop3A_505 = tpu.vector_load_idx %arg8[%parallel_loop3A_504, %parallel_loop3A_277] : memref<32x1000xi32, #tpu.memory_space<vmem>>[vector<16xi32>, vector<16xi32>], vector<16xi32>,
      %parallel_loop3A_506 = arith.constant 16 : i32
      %parallel_loop3A_507 = vector.broadcast %parallel_loop3A_506 : i32 to vector<16xi32>
      %parallel_loop3A_508 = arith.shli %parallel_loop3A_505, %parallel_loop3A_507 : vector<16xi32>
      %parallel_loop3A_509 = vector.bitcast %parallel_loop3A_508 : vector<16xi32> to vector<16xf32>
      %parallel_loop3A_510 = arith.andi %parallel_loop3A_505, %broadcast_in_dim3A_132 : vector<16xi32>
      %parallel_loop3A_511 = vector.bitcast %parallel_loop3A_510 : vector<16xi32> to vector<16xf32>
      %parallel_loop3A_512 = arith.constant 14 : i32
      %parallel_loop3A_513 = arith.index_cast %parallel_loop3A_512 : i32 to index
      %parallel_loop3A_514 = arith.index_cast %parallel_loop3A_275 : i32 to index
      %parallel_loop3A_515 = tpu.vector_load %arg9[%parallel_loop3A_513, %parallel_loop3A_514] {strides = array<i32>} : memref<64x512xf32, #tpu.memory_space<vmem>>, vector<16xf32>,
      %parallel_loop3A_516 = arith.constant 14 : i32
      %parallel_loop3A_517 = arith.index_cast %parallel_loop3A_516 : i32 to index
      %parallel_loop3A_518 = arith.index_cast %parallel_loop3A_275 : i32 to index
      %parallel_loop3A_519 = tpu.vector_load %arg10[%parallel_loop3A_517, %parallel_loop3A_518] {strides = array<i32>} : memref<64x512xf32, #tpu.memory_space<vmem>>, vector<16xf32>,
      %parallel_loop3A_520 = arith.constant 15 : i32
      %parallel_loop3A_521 = arith.index_cast %parallel_loop3A_520 : i32 to index
      %parallel_loop3A_522 = arith.index_cast %parallel_loop3A_275 : i32 to index
      %parallel_loop3A_523 = tpu.vector_load %arg9[%parallel_loop3A_521, %parallel_loop3A_522] {strides = array<i32>} : memref<64x512xf32, #tpu.memory_space<vmem>>, vector<16xf32>,
      %parallel_loop3A_524 = arith.constant 15 : i32
      %parallel_loop3A_525 = arith.index_cast %parallel_loop3A_524 : i32 to index
      %parallel_loop3A_526 = arith.index_cast %parallel_loop3A_275 : i32 to index
      %parallel_loop3A_527 = tpu.vector_load %arg10[%parallel_loop3A_525, %parallel_loop3A_526] {strides = array<i32>} : memref<64x512xf32, #tpu.memory_space<vmem>>, vector<16xf32>,
      %parallel_loop3A_528 = arith.mulf %parallel_loop3A_515, %parallel_loop3A_509 : vector<16xf32>
      %parallel_loop3A_529 = arith.mulf %parallel_loop3A_528, %parallel_loop3A_519 : vector<16xf32>
      %parallel_loop3A_530 = arith.mulf %parallel_loop3A_523, %parallel_loop3A_511 : vector<16xf32>
      %parallel_loop3A_531 = arith.mulf %parallel_loop3A_530, %parallel_loop3A_527 : vector<16xf32>
      %parallel_loop3A_532 = arith.addf %parallel_loop3A_529, %parallel_loop3A_531 : vector<16xf32>
      %parallel_loop3A_533 = arith.addf %parallel_loop3A_409, %parallel_loop3A_532 : vector<16xf32>
      %parallel_loop3A_534 = arith.addf %parallel_loop3A_440, %parallel_loop3A_471 : vector<16xf32>
      %parallel_loop3A_535 = arith.addf %parallel_loop3A_502, %parallel_loop3A_533 : vector<16xf32>
      %parallel_loop3A_536 = arith.addf %parallel_loop3A_534, %parallel_loop3A_535 : vector<16xf32>
      %parallel_loop3A_537 = arith.index_cast %parallel_loop3A_275 : i32 to index
      %parallel_loop3A_538 = tpu.vector_load %arg11[%parallel_loop3A_537] {strides = array<i32>} : memref<512xf32, #tpu.memory_space<vmem>>, vector<16xf32>,
      tpu.vector_store %arg11[%parallel_loop3A_537], %parallel_loop3A_536 {strides = array<i32>} : memref<512xf32, #tpu.memory_space<vmem>>, vector<16xf32>,
    } {sc.loop_unroll_factor = 2 : i64, sc.parallel_access}
    "tpu.trace_stop"() : () -> ()
    "tpu.trace_start"() <{level = 10 : i32, message = "wait1"}> : () -> ()
    %dma_wait3A_168 = arith.constant 8 : i32
    %dma_wait3A_169 = arith.constant 0 : i32
    %dma_wait3A_170 = tpu.memref_slice %arg8[%dma_wait3A_168, %dma_wait3A_169] : memref<32x1000xi32, #tpu.memory_space<vmem>> -> memref<8x1000xi32, #tpu.memory_space<vmem>>
    %dma_wait3A_171 = arith.constant 8 : i32
    %dma_wait3A_172 = arith.constant 0 : i32
    %dma_wait3A_173 = tpu.memref_slice %arg5[%dma_wait3A_171, %dma_wait3A_172] : memref<32x1000xi32, #tpu.memory_space<hbm>> -> memref<8x1000xi32, #tpu.memory_space<hbm>>
    %dma_wait3A_174 = arith.constant 8 : i32
    %dma_wait3A_175 = arith.constant 0 : i32
    %dma_wait3A_176 = tpu.memref_slice %arg8[%dma_wait3A_174, %dma_wait3A_175] : memref<32x1000xi32, #tpu.memory_space<vmem>> -> memref<8x1000xi32, #tpu.memory_space<vmem>>
    %dma_wait3A_177 = arith.constant 8 : i32
    %dma_wait3A_178 = arith.constant 0 : i32
    %dma_wait3A_179 = tpu.memref_slice %arg5[%dma_wait3A_177, %dma_wait3A_178] : memref<32x1000xi32, #tpu.memory_space<hbm>> -> memref<8x1000xi32, #tpu.memory_space<hbm>>
    tpu.wait_dma2 semaphore(%arg14 : memref<!tpu.dma_semaphore, #tpu.memory_space<semaphore_mem>>) src(%dma_wait3A_179 : memref<8x1000xi32, #tpu.memory_space<hbm>>) dst(%dma_wait3A_176 : memref<8x1000xi32, #tpu.memory_space<vmem>>)
    %dma_wait3A_180 = arith.constant 16 : i32
    %dma_wait3A_181 = arith.constant 0 : i32
    %dma_wait3A_182 = tpu.memref_slice %arg9[%dma_wait3A_180, %dma_wait3A_181] : memref<64x512xf32, #tpu.memory_space<vmem>> -> memref<16x512xf32, #tpu.memory_space<vmem>>
    %dma_wait3A_183 = arith.constant 16 : i32
    %dma_wait3A_184 = tpu.memref_slice %arg2[%dma_wait3A_183, %mul3A_2] : memref<64x16384xf32, #tpu.memory_space<hbm>> -> memref<16x512xf32, #tpu.memory_space<hbm>>
    %dma_wait3A_185 = arith.constant 16 : i32
    %dma_wait3A_186 = arith.constant 0 : i32
    %dma_wait3A_187 = tpu.memref_slice %arg9[%dma_wait3A_185, %dma_wait3A_186] : memref<64x512xf32, #tpu.memory_space<vmem>> -> memref<16x512xf32, #tpu.memory_space<vmem>>
    %dma_wait3A_188 = arith.constant 16 : i32
    %dma_wait3A_189 = tpu.memref_slice %arg2[%dma_wait3A_188, %mul3A_2] : memref<64x16384xf32, #tpu.memory_space<hbm>> -> memref<16x512xf32, #tpu.memory_space<hbm>>
    tpu.wait_dma2 semaphore(%arg14 : memref<!tpu.dma_semaphore, #tpu.memory_space<semaphore_mem>>) src(%dma_wait3A_189 : memref<16x512xf32, #tpu.memory_space<hbm>>) dst(%dma_wait3A_187 : memref<16x512xf32, #tpu.memory_space<vmem>>)
    %dma_wait3A_190 = arith.constant 16 : i32
    %dma_wait3A_191 = arith.constant 0 : i32
    %dma_wait3A_192 = tpu.memref_slice %arg10[%dma_wait3A_190, %dma_wait3A_191] : memref<64x512xf32, #tpu.memory_space<vmem>> -> memref<16x512xf32, #tpu.memory_space<vmem>>
    %dma_wait3A_193 = arith.constant 16 : i32
    %dma_wait3A_194 = tpu.memref_slice %arg3[%dma_wait3A_193, %mul3A_2] : memref<64x16384xf32, #tpu.memory_space<hbm>> -> memref<16x512xf32, #tpu.memory_space<hbm>>
    %dma_wait3A_195 = arith.constant 16 : i32
    %dma_wait3A_196 = arith.constant 0 : i32
    %dma_wait3A_197 = tpu.memref_slice %arg10[%dma_wait3A_195, %dma_wait3A_196] : memref<64x512xf32, #tpu.memory_space<vmem>> -> memref<16x512xf32, #tpu.memory_space<vmem>>
    %dma_wait3A_198 = arith.constant 16 : i32
    %dma_wait3A_199 = tpu.memref_slice %arg3[%dma_wait3A_198, %mul3A_2] : memref<64x16384xf32, #tpu.memory_space<hbm>> -> memref<16x512xf32, #tpu.memory_space<hbm>>
    tpu.wait_dma2 semaphore(%arg14 : memref<!tpu.dma_semaphore, #tpu.memory_space<semaphore_mem>>) src(%dma_wait3A_199 : memref<16x512xf32, #tpu.memory_space<hbm>>) dst(%dma_wait3A_197 : memref<16x512xf32, #tpu.memory_space<vmem>>)
    %parallel_loop3A_200 = arith.constant 0 : i32
    %parallel_loop3A_201 = arith.constant 32 : i32
    %parallel_loop3A_202 = arith.constant 1 : i32
    "tpu.trace_stop"() : () -> ()
    "tpu.trace_start"() <{level = 10 : i32, message = "comp1"}> : () -> ()
    scf.for %parallel_loop3A_273 = %parallel_loop3A_200 to %parallel_loop3A_201 step %parallel_loop3A_202  : i32 {
      %parallel_loop3A_274 = arith.constant 16 : i32
      %parallel_loop3A_275 = arith.muli %parallel_loop3A_273, %parallel_loop3A_274 : i32
      %parallel_loop3A_276 = arith.index_cast %parallel_loop3A_275 : i32 to index
      %parallel_loop3A_277 = tpu.vector_load %arg7[%parallel_loop3A_276] {strides = array<i32>} : memref<512xi32, #tpu.memory_space<vmem>>, vector<16xi32>,
      %parallel_loop3A_278 = arith.constant 0.000000e+00 : f32
      %parallel_loop3A_279 = vector.broadcast %parallel_loop3A_278 : f32 to vector<16xf32>
      %parallel_loop3A_280 = arith.constant 0.000000e+00 : f32
      %parallel_loop3A_281 = vector.broadcast %parallel_loop3A_280 : f32 to vector<16xf32>
      %parallel_loop3A_282 = arith.constant 0.000000e+00 : f32
      %parallel_loop3A_283 = vector.broadcast %parallel_loop3A_282 : f32 to vector<16xf32>
      %parallel_loop3A_284 = arith.constant 0.000000e+00 : f32
      %parallel_loop3A_285 = vector.broadcast %parallel_loop3A_284 : f32 to vector<16xf32>
      %parallel_loop3A_286 = arith.constant 8 : i32
      %parallel_loop3A_287 = vector.broadcast %parallel_loop3A_286 : i32 to vector<16xi32>
      %parallel_loop3A_288 = tpu.vector_load_idx %arg8[%parallel_loop3A_287, %parallel_loop3A_277] : memref<32x1000xi32, #tpu.memory_space<vmem>>[vector<16xi32>, vector<16xi32>], vector<16xi32>,
      %parallel_loop3A_289 = arith.constant 16 : i32
      %parallel_loop3A_290 = vector.broadcast %parallel_loop3A_289 : i32 to vector<16xi32>
      %parallel_loop3A_291 = arith.shli %parallel_loop3A_288, %parallel_loop3A_290 : vector<16xi32>
      %parallel_loop3A_292 = vector.bitcast %parallel_loop3A_291 : vector<16xi32> to vector<16xf32>
      %parallel_loop3A_293 = arith.andi %parallel_loop3A_288, %broadcast_in_dim3A_132 : vector<16xi32>
      %parallel_loop3A_294 = vector.bitcast %parallel_loop3A_293 : vector<16xi32> to vector<16xf32>
      %parallel_loop3A_295 = arith.constant 16 : i32
      %parallel_loop3A_296 = arith.index_cast %parallel_loop3A_295 : i32 to index
      %parallel_loop3A_297 = arith.index_cast %parallel_loop3A_275 : i32 to index
      %parallel_loop3A_298 = tpu.vector_load %arg9[%parallel_loop3A_296, %parallel_loop3A_297] {strides = array<i32>} : memref<64x512xf32, #tpu.memory_space<vmem>>, vector<16xf32>,
      %parallel_loop3A_299 = arith.constant 16 : i32
      %parallel_loop3A_300 = arith.index_cast %parallel_loop3A_299 : i32 to index
      %parallel_loop3A_301 = arith.index_cast %parallel_loop3A_275 : i32 to index
      %parallel_loop3A_302 = tpu.vector_load %arg10[%parallel_loop3A_300, %parallel_loop3A_301] {strides = array<i32>} : memref<64x512xf32, #tpu.memory_space<vmem>>, vector<16xf32>,
      %parallel_loop3A_303 = arith.constant 17 : i32
      %parallel_loop3A_304 = arith.index_cast %parallel_loop3A_303 : i32 to index
      %parallel_loop3A_305 = arith.index_cast %parallel_loop3A_275 : i32 to index
      %parallel_loop3A_306 = tpu.vector_load %arg9[%parallel_loop3A_304, %parallel_loop3A_305] {strides = array<i32>} : memref<64x512xf32, #tpu.memory_space<vmem>>, vector<16xf32>,
      %parallel_loop3A_307 = arith.constant 17 : i32
      %parallel_loop3A_308 = arith.index_cast %parallel_loop3A_307 : i32 to index
      %parallel_loop3A_309 = arith.index_cast %parallel_loop3A_275 : i32 to index
      %parallel_loop3A_310 = tpu.vector_load %arg10[%parallel_loop3A_308, %parallel_loop3A_309] {strides = array<i32>} : memref<64x512xf32, #tpu.memory_space<vmem>>, vector<16xf32>,
      %parallel_loop3A_311 = arith.mulf %parallel_loop3A_298, %parallel_loop3A_292 : vector<16xf32>
      %parallel_loop3A_312 = arith.mulf %parallel_loop3A_311, %parallel_loop3A_302 : vector<16xf32>
      %parallel_loop3A_313 = arith.mulf %parallel_loop3A_306, %parallel_loop3A_294 : vector<16xf32>
      %parallel_loop3A_314 = arith.mulf %parallel_loop3A_313, %parallel_loop3A_310 : vector<16xf32>
      %parallel_loop3A_315 = arith.addf %parallel_loop3A_312, %parallel_loop3A_314 : vector<16xf32>
      %parallel_loop3A_316 = arith.addf %parallel_loop3A_279, %parallel_loop3A_315 : vector<16xf32>
      %parallel_loop3A_317 = arith.constant 9 : i32
      %parallel_loop3A_318 = vector.broadcast %parallel_loop3A_317 : i32 to vector<16xi32>
      %parallel_loop3A_319 = tpu.vector_load_idx %arg8[%parallel_loop3A_318, %parallel_loop3A_277] : memref<32x1000xi32, #tpu.memory_space<vmem>>[vector<16xi32>, vector<16xi32>], vector<16xi32>,
      %parallel_loop3A_320 = arith.constant 16 : i32
      %parallel_loop3A_321 = vector.broadcast %parallel_loop3A_320 : i32 to vector<16xi32>
      %parallel_loop3A_322 = arith.shli %parallel_loop3A_319, %parallel_loop3A_321 : vector<16xi32>
      %parallel_loop3A_323 = vector.bitcast %parallel_loop3A_322 : vector<16xi32> to vector<16xf32>
      %parallel_loop3A_324 = arith.andi %parallel_loop3A_319, %broadcast_in_dim3A_132 : vector<16xi32>
      %parallel_loop3A_325 = vector.bitcast %parallel_loop3A_324 : vector<16xi32> to vector<16xf32>
      %parallel_loop3A_326 = arith.constant 18 : i32
      %parallel_loop3A_327 = arith.index_cast %parallel_loop3A_326 : i32 to index
      %parallel_loop3A_328 = arith.index_cast %parallel_loop3A_275 : i32 to index
      %parallel_loop3A_329 = tpu.vector_load %arg9[%parallel_loop3A_327, %parallel_loop3A_328] {strides = array<i32>} : memref<64x512xf32, #tpu.memory_space<vmem>>, vector<16xf32>,
      %parallel_loop3A_330 = arith.constant 18 : i32
      %parallel_loop3A_331 = arith.index_cast %parallel_loop3A_330 : i32 to index
      %parallel_loop3A_332 = arith.index_cast %parallel_loop3A_275 : i32 to index
      %parallel_loop3A_333 = tpu.vector_load %arg10[%parallel_loop3A_331, %parallel_loop3A_332] {strides = array<i32>} : memref<64x512xf32, #tpu.memory_space<vmem>>, vector<16xf32>,
      %parallel_loop3A_334 = arith.constant 19 : i32
      %parallel_loop3A_335 = arith.index_cast %parallel_loop3A_334 : i32 to index
      %parallel_loop3A_336 = arith.index_cast %parallel_loop3A_275 : i32 to index
      %parallel_loop3A_337 = tpu.vector_load %arg9[%parallel_loop3A_335, %parallel_loop3A_336] {strides = array<i32>} : memref<64x512xf32, #tpu.memory_space<vmem>>, vector<16xf32>,
      %parallel_loop3A_338 = arith.constant 19 : i32
      %parallel_loop3A_339 = arith.index_cast %parallel_loop3A_338 : i32 to index
      %parallel_loop3A_340 = arith.index_cast %parallel_loop3A_275 : i32 to index
      %parallel_loop3A_341 = tpu.vector_load %arg10[%parallel_loop3A_339, %parallel_loop3A_340] {strides = array<i32>} : memref<64x512xf32, #tpu.memory_space<vmem>>, vector<16xf32>,
      %parallel_loop3A_342 = arith.mulf %parallel_loop3A_329, %parallel_loop3A_323 : vector<16xf32>
      %parallel_loop3A_343 = arith.mulf %parallel_loop3A_342, %parallel_loop3A_333 : vector<16xf32>
      %parallel_loop3A_344 = arith.mulf %parallel_loop3A_337, %parallel_loop3A_325 : vector<16xf32>
      %parallel_loop3A_345 = arith.mulf %parallel_loop3A_344, %parallel_loop3A_341 : vector<16xf32>
      %parallel_loop3A_346 = arith.addf %parallel_loop3A_343, %parallel_loop3A_345 : vector<16xf32>
      %parallel_loop3A_347 = arith.addf %parallel_loop3A_281, %parallel_loop3A_346 : vector<16xf32>
      %parallel_loop3A_348 = arith.constant 10 : i32
      %parallel_loop3A_349 = vector.broadcast %parallel_loop3A_348 : i32 to vector<16xi32>
      %parallel_loop3A_350 = tpu.vector_load_idx %arg8[%parallel_loop3A_349, %parallel_loop3A_277] : memref<32x1000xi32, #tpu.memory_space<vmem>>[vector<16xi32>, vector<16xi32>], vector<16xi32>,
      %parallel_loop3A_351 = arith.constant 16 : i32
      %parallel_loop3A_352 = vector.broadcast %parallel_loop3A_351 : i32 to vector<16xi32>
      %parallel_loop3A_353 = arith.shli %parallel_loop3A_350, %parallel_loop3A_352 : vector<16xi32>
      %parallel_loop3A_354 = vector.bitcast %parallel_loop3A_353 : vector<16xi32> to vector<16xf32>
      %parallel_loop3A_355 = arith.andi %parallel_loop3A_350, %broadcast_in_dim3A_132 : vector<16xi32>
      %parallel_loop3A_356 = vector.bitcast %parallel_loop3A_355 : vector<16xi32> to vector<16xf32>
      %parallel_loop3A_357 = arith.constant 20 : i32
      %parallel_loop3A_358 = arith.index_cast %parallel_loop3A_357 : i32 to index
      %parallel_loop3A_359 = arith.index_cast %parallel_loop3A_275 : i32 to index
      %parallel_loop3A_360 = tpu.vector_load %arg9[%parallel_loop3A_358, %parallel_loop3A_359] {strides = array<i32>} : memref<64x512xf32, #tpu.memory_space<vmem>>, vector<16xf32>,
      %parallel_loop3A_361 = arith.constant 20 : i32
      %parallel_loop3A_362 = arith.index_cast %parallel_loop3A_361 : i32 to index
      %parallel_loop3A_363 = arith.index_cast %parallel_loop3A_275 : i32 to index
      %parallel_loop3A_364 = tpu.vector_load %arg10[%parallel_loop3A_362, %parallel_loop3A_363] {strides = array<i32>} : memref<64x512xf32, #tpu.memory_space<vmem>>, vector<16xf32>,
      %parallel_loop3A_365 = arith.constant 21 : i32
      %parallel_loop3A_366 = arith.index_cast %parallel_loop3A_365 : i32 to index
      %parallel_loop3A_367 = arith.index_cast %parallel_loop3A_275 : i32 to index
      %parallel_loop3A_368 = tpu.vector_load %arg9[%parallel_loop3A_366, %parallel_loop3A_367] {strides = array<i32>} : memref<64x512xf32, #tpu.memory_space<vmem>>, vector<16xf32>,
      %parallel_loop3A_369 = arith.constant 21 : i32
      %parallel_loop3A_370 = arith.index_cast %parallel_loop3A_369 : i32 to index
      %parallel_loop3A_371 = arith.index_cast %parallel_loop3A_275 : i32 to index
      %parallel_loop3A_372 = tpu.vector_load %arg10[%parallel_loop3A_370, %parallel_loop3A_371] {strides = array<i32>} : memref<64x512xf32, #tpu.memory_space<vmem>>, vector<16xf32>,
      %parallel_loop3A_373 = arith.mulf %parallel_loop3A_360, %parallel_loop3A_354 : vector<16xf32>
      %parallel_loop3A_374 = arith.mulf %parallel_loop3A_373, %parallel_loop3A_364 : vector<16xf32>
      %parallel_loop3A_375 = arith.mulf %parallel_loop3A_368, %parallel_loop3A_356 : vector<16xf32>
      %parallel_loop3A_376 = arith.mulf %parallel_loop3A_375, %parallel_loop3A_372 : vector<16xf32>
      %parallel_loop3A_377 = arith.addf %parallel_loop3A_374, %parallel_loop3A_376 : vector<16xf32>
      %parallel_loop3A_378 = arith.addf %parallel_loop3A_283, %parallel_loop3A_377 : vector<16xf32>
      %parallel_loop3A_379 = arith.constant 11 : i32
      %parallel_loop3A_380 = vector.broadcast %parallel_loop3A_379 : i32 to vector<16xi32>
      %parallel_loop3A_381 = tpu.vector_load_idx %arg8[%parallel_loop3A_380, %parallel_loop3A_277] : memref<32x1000xi32, #tpu.memory_space<vmem>>[vector<16xi32>, vector<16xi32>], vector<16xi32>,
      %parallel_loop3A_382 = arith.constant 16 : i32
      %parallel_loop3A_383 = vector.broadcast %parallel_loop3A_382 : i32 to vector<16xi32>
      %parallel_loop3A_384 = arith.shli %parallel_loop3A_381, %parallel_loop3A_383 : vector<16xi32>
      %parallel_loop3A_385 = vector.bitcast %parallel_loop3A_384 : vector<16xi32> to vector<16xf32>
      %parallel_loop3A_386 = arith.andi %parallel_loop3A_381, %broadcast_in_dim3A_132 : vector<16xi32>
      %parallel_loop3A_387 = vector.bitcast %parallel_loop3A_386 : vector<16xi32> to vector<16xf32>
      %parallel_loop3A_388 = arith.constant 22 : i32
      %parallel_loop3A_389 = arith.index_cast %parallel_loop3A_388 : i32 to index
      %parallel_loop3A_390 = arith.index_cast %parallel_loop3A_275 : i32 to index
      %parallel_loop3A_391 = tpu.vector_load %arg9[%parallel_loop3A_389, %parallel_loop3A_390] {strides = array<i32>} : memref<64x512xf32, #tpu.memory_space<vmem>>, vector<16xf32>,
      %parallel_loop3A_392 = arith.constant 22 : i32
      %parallel_loop3A_393 = arith.index_cast %parallel_loop3A_392 : i32 to index
      %parallel_loop3A_394 = arith.index_cast %parallel_loop3A_275 : i32 to index
      %parallel_loop3A_395 = tpu.vector_load %arg10[%parallel_loop3A_393, %parallel_loop3A_394] {strides = array<i32>} : memref<64x512xf32, #tpu.memory_space<vmem>>, vector<16xf32>,
      %parallel_loop3A_396 = arith.constant 23 : i32
      %parallel_loop3A_397 = arith.index_cast %parallel_loop3A_396 : i32 to index
      %parallel_loop3A_398 = arith.index_cast %parallel_loop3A_275 : i32 to index
      %parallel_loop3A_399 = tpu.vector_load %arg9[%parallel_loop3A_397, %parallel_loop3A_398] {strides = array<i32>} : memref<64x512xf32, #tpu.memory_space<vmem>>, vector<16xf32>,
      %parallel_loop3A_400 = arith.constant 23 : i32
      %parallel_loop3A_401 = arith.index_cast %parallel_loop3A_400 : i32 to index
      %parallel_loop3A_402 = arith.index_cast %parallel_loop3A_275 : i32 to index
      %parallel_loop3A_403 = tpu.vector_load %arg10[%parallel_loop3A_401, %parallel_loop3A_402] {strides = array<i32>} : memref<64x512xf32, #tpu.memory_space<vmem>>, vector<16xf32>,
      %parallel_loop3A_404 = arith.mulf %parallel_loop3A_391, %parallel_loop3A_385 : vector<16xf32>
      %parallel_loop3A_405 = arith.mulf %parallel_loop3A_404, %parallel_loop3A_395 : vector<16xf32>
      %parallel_loop3A_406 = arith.mulf %parallel_loop3A_399, %parallel_loop3A_387 : vector<16xf32>
      %parallel_loop3A_407 = arith.mulf %parallel_loop3A_406, %parallel_loop3A_403 : vector<16xf32>
      %parallel_loop3A_408 = arith.addf %parallel_loop3A_405, %parallel_loop3A_407 : vector<16xf32>
      %parallel_loop3A_409 = arith.addf %parallel_loop3A_285, %parallel_loop3A_408 : vector<16xf32>
      %parallel_loop3A_410 = arith.constant 12 : i32
      %parallel_loop3A_411 = vector.broadcast %parallel_loop3A_410 : i32 to vector<16xi32>
      %parallel_loop3A_412 = tpu.vector_load_idx %arg8[%parallel_loop3A_411, %parallel_loop3A_277] : memref<32x1000xi32, #tpu.memory_space<vmem>>[vector<16xi32>, vector<16xi32>], vector<16xi32>,
      %parallel_loop3A_413 = arith.constant 16 : i32
      %parallel_loop3A_414 = vector.broadcast %parallel_loop3A_413 : i32 to vector<16xi32>
      %parallel_loop3A_415 = arith.shli %parallel_loop3A_412, %parallel_loop3A_414 : vector<16xi32>
      %parallel_loop3A_416 = vector.bitcast %parallel_loop3A_415 : vector<16xi32> to vector<16xf32>
      %parallel_loop3A_417 = arith.andi %parallel_loop3A_412, %broadcast_in_dim3A_132 : vector<16xi32>
      %parallel_loop3A_418 = vector.bitcast %parallel_loop3A_417 : vector<16xi32> to vector<16xf32>
      %parallel_loop3A_419 = arith.constant 24 : i32
      %parallel_loop3A_420 = arith.index_cast %parallel_loop3A_419 : i32 to index
      %parallel_loop3A_421 = arith.index_cast %parallel_loop3A_275 : i32 to index
      %parallel_loop3A_422 = tpu.vector_load %arg9[%parallel_loop3A_420, %parallel_loop3A_421] {strides = array<i32>} : memref<64x512xf32, #tpu.memory_space<vmem>>, vector<16xf32>,
      %parallel_loop3A_423 = arith.constant 24 : i32
      %parallel_loop3A_424 = arith.index_cast %parallel_loop3A_423 : i32 to index
      %parallel_loop3A_425 = arith.index_cast %parallel_loop3A_275 : i32 to index
      %parallel_loop3A_426 = tpu.vector_load %arg10[%parallel_loop3A_424, %parallel_loop3A_425] {strides = array<i32>} : memref<64x512xf32, #tpu.memory_space<vmem>>, vector<16xf32>,
      %parallel_loop3A_427 = arith.constant 25 : i32
      %parallel_loop3A_428 = arith.index_cast %parallel_loop3A_427 : i32 to index
      %parallel_loop3A_429 = arith.index_cast %parallel_loop3A_275 : i32 to index
      %parallel_loop3A_430 = tpu.vector_load %arg9[%parallel_loop3A_428, %parallel_loop3A_429] {strides = array<i32>} : memref<64x512xf32, #tpu.memory_space<vmem>>, vector<16xf32>,
      %parallel_loop3A_431 = arith.constant 25 : i32
      %parallel_loop3A_432 = arith.index_cast %parallel_loop3A_431 : i32 to index
      %parallel_loop3A_433 = arith.index_cast %parallel_loop3A_275 : i32 to index
      %parallel_loop3A_434 = tpu.vector_load %arg10[%parallel_loop3A_432, %parallel_loop3A_433] {strides = array<i32>} : memref<64x512xf32, #tpu.memory_space<vmem>>, vector<16xf32>,
      %parallel_loop3A_435 = arith.mulf %parallel_loop3A_422, %parallel_loop3A_416 : vector<16xf32>
      %parallel_loop3A_436 = arith.mulf %parallel_loop3A_435, %parallel_loop3A_426 : vector<16xf32>
      %parallel_loop3A_437 = arith.mulf %parallel_loop3A_430, %parallel_loop3A_418 : vector<16xf32>
      %parallel_loop3A_438 = arith.mulf %parallel_loop3A_437, %parallel_loop3A_434 : vector<16xf32>
      %parallel_loop3A_439 = arith.addf %parallel_loop3A_436, %parallel_loop3A_438 : vector<16xf32>
      %parallel_loop3A_440 = arith.addf %parallel_loop3A_316, %parallel_loop3A_439 : vector<16xf32>
      %parallel_loop3A_441 = arith.constant 13 : i32
      %parallel_loop3A_442 = vector.broadcast %parallel_loop3A_441 : i32 to vector<16xi32>
      %parallel_loop3A_443 = tpu.vector_load_idx %arg8[%parallel_loop3A_442, %parallel_loop3A_277] : memref<32x1000xi32, #tpu.memory_space<vmem>>[vector<16xi32>, vector<16xi32>], vector<16xi32>,
      %parallel_loop3A_444 = arith.constant 16 : i32
      %parallel_loop3A_445 = vector.broadcast %parallel_loop3A_444 : i32 to vector<16xi32>
      %parallel_loop3A_446 = arith.shli %parallel_loop3A_443, %parallel_loop3A_445 : vector<16xi32>
      %parallel_loop3A_447 = vector.bitcast %parallel_loop3A_446 : vector<16xi32> to vector<16xf32>
      %parallel_loop3A_448 = arith.andi %parallel_loop3A_443, %broadcast_in_dim3A_132 : vector<16xi32>
      %parallel_loop3A_449 = vector.bitcast %parallel_loop3A_448 : vector<16xi32> to vector<16xf32>
      %parallel_loop3A_450 = arith.constant 26 : i32
      %parallel_loop3A_451 = arith.index_cast %parallel_loop3A_450 : i32 to index
      %parallel_loop3A_452 = arith.index_cast %parallel_loop3A_275 : i32 to index
      %parallel_loop3A_453 = tpu.vector_load %arg9[%parallel_loop3A_451, %parallel_loop3A_452] {strides = array<i32>} : memref<64x512xf32, #tpu.memory_space<vmem>>, vector<16xf32>,
      %parallel_loop3A_454 = arith.constant 26 : i32
      %parallel_loop3A_455 = arith.index_cast %parallel_loop3A_454 : i32 to index
      %parallel_loop3A_456 = arith.index_cast %parallel_loop3A_275 : i32 to index
      %parallel_loop3A_457 = tpu.vector_load %arg10[%parallel_loop3A_455, %parallel_loop3A_456] {strides = array<i32>} : memref<64x512xf32, #tpu.memory_space<vmem>>, vector<16xf32>,
      %parallel_loop3A_458 = arith.constant 27 : i32
      %parallel_loop3A_459 = arith.index_cast %parallel_loop3A_458 : i32 to index
      %parallel_loop3A_460 = arith.index_cast %parallel_loop3A_275 : i32 to index
      %parallel_loop3A_461 = tpu.vector_load %arg9[%parallel_loop3A_459, %parallel_loop3A_460] {strides = array<i32>} : memref<64x512xf32, #tpu.memory_space<vmem>>, vector<16xf32>,
      %parallel_loop3A_462 = arith.constant 27 : i32
      %parallel_loop3A_463 = arith.index_cast %parallel_loop3A_462 : i32 to index
      %parallel_loop3A_464 = arith.index_cast %parallel_loop3A_275 : i32 to index
      %parallel_loop3A_465 = tpu.vector_load %arg10[%parallel_loop3A_463, %parallel_loop3A_464] {strides = array<i32>} : memref<64x512xf32, #tpu.memory_space<vmem>>, vector<16xf32>,
      %parallel_loop3A_466 = arith.mulf %parallel_loop3A_453, %parallel_loop3A_447 : vector<16xf32>
      %parallel_loop3A_467 = arith.mulf %parallel_loop3A_466, %parallel_loop3A_457 : vector<16xf32>
      %parallel_loop3A_468 = arith.mulf %parallel_loop3A_461, %parallel_loop3A_449 : vector<16xf32>
      %parallel_loop3A_469 = arith.mulf %parallel_loop3A_468, %parallel_loop3A_465 : vector<16xf32>
      %parallel_loop3A_470 = arith.addf %parallel_loop3A_467, %parallel_loop3A_469 : vector<16xf32>
      %parallel_loop3A_471 = arith.addf %parallel_loop3A_347, %parallel_loop3A_470 : vector<16xf32>
      %parallel_loop3A_472 = arith.constant 14 : i32
      %parallel_loop3A_473 = vector.broadcast %parallel_loop3A_472 : i32 to vector<16xi32>
      %parallel_loop3A_474 = tpu.vector_load_idx %arg8[%parallel_loop3A_473, %parallel_loop3A_277] : memref<32x1000xi32, #tpu.memory_space<vmem>>[vector<16xi32>, vector<16xi32>], vector<16xi32>,
      %parallel_loop3A_475 = arith.constant 16 : i32
      %parallel_loop3A_476 = vector.broadcast %parallel_loop3A_475 : i32 to vector<16xi32>
      %parallel_loop3A_477 = arith.shli %parallel_loop3A_474, %parallel_loop3A_476 : vector<16xi32>
      %parallel_loop3A_478 = vector.bitcast %parallel_loop3A_477 : vector<16xi32> to vector<16xf32>
      %parallel_loop3A_479 = arith.andi %parallel_loop3A_474, %broadcast_in_dim3A_132 : vector<16xi32>
      %parallel_loop3A_480 = vector.bitcast %parallel_loop3A_479 : vector<16xi32> to vector<16xf32>
      %parallel_loop3A_481 = arith.constant 28 : i32
      %parallel_loop3A_482 = arith.index_cast %parallel_loop3A_481 : i32 to index
      %parallel_loop3A_483 = arith.index_cast %parallel_loop3A_275 : i32 to index
      %parallel_loop3A_484 = tpu.vector_load %arg9[%parallel_loop3A_482, %parallel_loop3A_483] {strides = array<i32>} : memref<64x512xf32, #tpu.memory_space<vmem>>, vector<16xf32>,
      %parallel_loop3A_485 = arith.constant 28 : i32
      %parallel_loop3A_486 = arith.index_cast %parallel_loop3A_485 : i32 to index
      %parallel_loop3A_487 = arith.index_cast %parallel_loop3A_275 : i32 to index
      %parallel_loop3A_488 = tpu.vector_load %arg10[%parallel_loop3A_486, %parallel_loop3A_487] {strides = array<i32>} : memref<64x512xf32, #tpu.memory_space<vmem>>, vector<16xf32>,
      %parallel_loop3A_489 = arith.constant 29 : i32
      %parallel_loop3A_490 = arith.index_cast %parallel_loop3A_489 : i32 to index
      %parallel_loop3A_491 = arith.index_cast %parallel_loop3A_275 : i32 to index
      %parallel_loop3A_492 = tpu.vector_load %arg9[%parallel_loop3A_490, %parallel_loop3A_491] {strides = array<i32>} : memref<64x512xf32, #tpu.memory_space<vmem>>, vector<16xf32>,
      %parallel_loop3A_493 = arith.constant 29 : i32
      %parallel_loop3A_494 = arith.index_cast %parallel_loop3A_493 : i32 to index
      %parallel_loop3A_495 = arith.index_cast %parallel_loop3A_275 : i32 to index
      %parallel_loop3A_496 = tpu.vector_load %arg10[%parallel_loop3A_494, %parallel_loop3A_495] {strides = array<i32>} : memref<64x512xf32, #tpu.memory_space<vmem>>, vector<16xf32>,
      %parallel_loop3A_497 = arith.mulf %parallel_loop3A_484, %parallel_loop3A_478 : vector<16xf32>
      %parallel_loop3A_498 = arith.mulf %parallel_loop3A_497, %parallel_loop3A_488 : vector<16xf32>
      %parallel_loop3A_499 = arith.mulf %parallel_loop3A_492, %parallel_loop3A_480 : vector<16xf32>
      %parallel_loop3A_500 = arith.mulf %parallel_loop3A_499, %parallel_loop3A_496 : vector<16xf32>
      %parallel_loop3A_501 = arith.addf %parallel_loop3A_498, %parallel_loop3A_500 : vector<16xf32>
      %parallel_loop3A_502 = arith.addf %parallel_loop3A_378, %parallel_loop3A_501 : vector<16xf32>
      %parallel_loop3A_503 = arith.constant 15 : i32
      %parallel_loop3A_504 = vector.broadcast %parallel_loop3A_503 : i32 to vector<16xi32>
      %parallel_loop3A_505 = tpu.vector_load_idx %arg8[%parallel_loop3A_504, %parallel_loop3A_277] : memref<32x1000xi32, #tpu.memory_space<vmem>>[vector<16xi32>, vector<16xi32>], vector<16xi32>,
      %parallel_loop3A_506 = arith.constant 16 : i32
      %parallel_loop3A_507 = vector.broadcast %parallel_loop3A_506 : i32 to vector<16xi32>
      %parallel_loop3A_508 = arith.shli %parallel_loop3A_505, %parallel_loop3A_507 : vector<16xi32>
      %parallel_loop3A_509 = vector.bitcast %parallel_loop3A_508 : vector<16xi32> to vector<16xf32>
      %parallel_loop3A_510 = arith.andi %parallel_loop3A_505, %broadcast_in_dim3A_132 : vector<16xi32>
      %parallel_loop3A_511 = vector.bitcast %parallel_loop3A_510 : vector<16xi32> to vector<16xf32>
      %parallel_loop3A_512 = arith.constant 30 : i32
      %parallel_loop3A_513 = arith.index_cast %parallel_loop3A_512 : i32 to index
      %parallel_loop3A_514 = arith.index_cast %parallel_loop3A_275 : i32 to index
      %parallel_loop3A_515 = tpu.vector_load %arg9[%parallel_loop3A_513, %parallel_loop3A_514] {strides = array<i32>} : memref<64x512xf32, #tpu.memory_space<vmem>>, vector<16xf32>,
      %parallel_loop3A_516 = arith.constant 30 : i32
      %parallel_loop3A_517 = arith.index_cast %parallel_loop3A_516 : i32 to index
      %parallel_loop3A_518 = arith.index_cast %parallel_loop3A_275 : i32 to index
      %parallel_loop3A_519 = tpu.vector_load %arg10[%parallel_loop3A_517, %parallel_loop3A_518] {strides = array<i32>} : memref<64x512xf32, #tpu.memory_space<vmem>>, vector<16xf32>,
      %parallel_loop3A_520 = arith.constant 31 : i32
      %parallel_loop3A_521 = arith.index_cast %parallel_loop3A_520 : i32 to index
      %parallel_loop3A_522 = arith.index_cast %parallel_loop3A_275 : i32 to index
      %parallel_loop3A_523 = tpu.vector_load %arg9[%parallel_loop3A_521, %parallel_loop3A_522] {strides = array<i32>} : memref<64x512xf32, #tpu.memory_space<vmem>>, vector<16xf32>,
      %parallel_loop3A_524 = arith.constant 31 : i32
      %parallel_loop3A_525 = arith.index_cast %parallel_loop3A_524 : i32 to index
      %parallel_loop3A_526 = arith.index_cast %parallel_loop3A_275 : i32 to index
      %parallel_loop3A_527 = tpu.vector_load %arg10[%parallel_loop3A_525, %parallel_loop3A_526] {strides = array<i32>} : memref<64x512xf32, #tpu.memory_space<vmem>>, vector<16xf32>,
      %parallel_loop3A_528 = arith.mulf %parallel_loop3A_515, %parallel_loop3A_509 : vector<16xf32>
      %parallel_loop3A_529 = arith.mulf %parallel_loop3A_528, %parallel_loop3A_519 : vector<16xf32>
      %parallel_loop3A_530 = arith.mulf %parallel_loop3A_523, %parallel_loop3A_511 : vector<16xf32>
      %parallel_loop3A_531 = arith.mulf %parallel_loop3A_530, %parallel_loop3A_527 : vector<16xf32>
      %parallel_loop3A_532 = arith.addf %parallel_loop3A_529, %parallel_loop3A_531 : vector<16xf32>
      %parallel_loop3A_533 = arith.addf %parallel_loop3A_409, %parallel_loop3A_532 : vector<16xf32>
      %parallel_loop3A_534 = arith.addf %parallel_loop3A_440, %parallel_loop3A_471 : vector<16xf32>
      %parallel_loop3A_535 = arith.addf %parallel_loop3A_502, %parallel_loop3A_533 : vector<16xf32>
      %parallel_loop3A_536 = arith.addf %parallel_loop3A_534, %parallel_loop3A_535 : vector<16xf32>
      %parallel_loop3A_537 = arith.index_cast %parallel_loop3A_275 : i32 to index
      %parallel_loop3A_538 = tpu.vector_load %arg11[%parallel_loop3A_537] {strides = array<i32>} : memref<512xf32, #tpu.memory_space<vmem>>, vector<16xf32>,
      %parallel_loop3A_539 = arith.addf %parallel_loop3A_536, %parallel_loop3A_538 : vector<16xf32>
      %parallel_loop3A_540 = arith.index_cast %parallel_loop3A_275 : i32 to index
      %parallel_loop3A_541 = tpu.vector_load %arg11[%parallel_loop3A_540] {strides = array<i32>} : memref<512xf32, #tpu.memory_space<vmem>>, vector<16xf32>,
      tpu.vector_store %arg11[%parallel_loop3A_540], %parallel_loop3A_539 {strides = array<i32>} : memref<512xf32, #tpu.memory_space<vmem>>, vector<16xf32>,
    } {sc.loop_unroll_factor = 2 : i64, sc.parallel_access}
    "tpu.trace_stop"() : () -> ()
    "tpu.trace_start"() <{level = 10 : i32, message = "wait2"}> : () -> ()
    %dma_wait3A_203 = arith.constant 16 : i32
    %dma_wait3A_204 = arith.constant 0 : i32
    %dma_wait3A_205 = tpu.memref_slice %arg8[%dma_wait3A_203, %dma_wait3A_204] : memref<32x1000xi32, #tpu.memory_space<vmem>> -> memref<8x1000xi32, #tpu.memory_space<vmem>>
    %dma_wait3A_206 = arith.constant 16 : i32
    %dma_wait3A_207 = arith.constant 0 : i32
    %dma_wait3A_208 = tpu.memref_slice %arg5[%dma_wait3A_206, %dma_wait3A_207] : memref<32x1000xi32, #tpu.memory_space<hbm>> -> memref<8x1000xi32, #tpu.memory_space<hbm>>
    %dma_wait3A_209 = arith.constant 16 : i32
    %dma_wait3A_210 = arith.constant 0 : i32
    %dma_wait3A_211 = tpu.memref_slice %arg8[%dma_wait3A_209, %dma_wait3A_210] : memref<32x1000xi32, #tpu.memory_space<vmem>> -> memref<8x1000xi32, #tpu.memory_space<vmem>>
    %dma_wait3A_212 = arith.constant 16 : i32
    %dma_wait3A_213 = arith.constant 0 : i32
    %dma_wait3A_214 = tpu.memref_slice %arg5[%dma_wait3A_212, %dma_wait3A_213] : memref<32x1000xi32, #tpu.memory_space<hbm>> -> memref<8x1000xi32, #tpu.memory_space<hbm>>
    tpu.wait_dma2 semaphore(%arg15 : memref<!tpu.dma_semaphore, #tpu.memory_space<semaphore_mem>>) src(%dma_wait3A_214 : memref<8x1000xi32, #tpu.memory_space<hbm>>) dst(%dma_wait3A_211 : memref<8x1000xi32, #tpu.memory_space<vmem>>)
    %dma_wait3A_215 = arith.constant 32 : i32
    %dma_wait3A_216 = arith.constant 0 : i32
    %dma_wait3A_217 = tpu.memref_slice %arg9[%dma_wait3A_215, %dma_wait3A_216] : memref<64x512xf32, #tpu.memory_space<vmem>> -> memref<16x512xf32, #tpu.memory_space<vmem>>
    %dma_wait3A_218 = arith.constant 32 : i32
    %dma_wait3A_219 = tpu.memref_slice %arg2[%dma_wait3A_218, %mul3A_2] : memref<64x16384xf32, #tpu.memory_space<hbm>> -> memref<16x512xf32, #tpu.memory_space<hbm>>
    %dma_wait3A_220 = arith.constant 32 : i32
    %dma_wait3A_221 = arith.constant 0 : i32
    %dma_wait3A_222 = tpu.memref_slice %arg9[%dma_wait3A_220, %dma_wait3A_221] : memref<64x512xf32, #tpu.memory_space<vmem>> -> memref<16x512xf32, #tpu.memory_space<vmem>>
    %dma_wait3A_223 = arith.constant 32 : i32
    %dma_wait3A_224 = tpu.memref_slice %arg2[%dma_wait3A_223, %mul3A_2] : memref<64x16384xf32, #tpu.memory_space<hbm>> -> memref<16x512xf32, #tpu.memory_space<hbm>>
    tpu.wait_dma2 semaphore(%arg15 : memref<!tpu.dma_semaphore, #tpu.memory_space<semaphore_mem>>) src(%dma_wait3A_224 : memref<16x512xf32, #tpu.memory_space<hbm>>) dst(%dma_wait3A_222 : memref<16x512xf32, #tpu.memory_space<vmem>>)
    %dma_wait3A_225 = arith.constant 32 : i32
    %dma_wait3A_226 = arith.constant 0 : i32
    %dma_wait3A_227 = tpu.memref_slice %arg10[%dma_wait3A_225, %dma_wait3A_226] : memref<64x512xf32, #tpu.memory_space<vmem>> -> memref<16x512xf32, #tpu.memory_space<vmem>>
    %dma_wait3A_228 = arith.constant 32 : i32
    %dma_wait3A_229 = tpu.memref_slice %arg3[%dma_wait3A_228, %mul3A_2] : memref<64x16384xf32, #tpu.memory_space<hbm>> -> memref<16x512xf32, #tpu.memory_space<hbm>>
    %dma_wait3A_230 = arith.constant 32 : i32
    %dma_wait3A_231 = arith.constant 0 : i32
    %dma_wait3A_232 = tpu.memref_slice %arg10[%dma_wait3A_230, %dma_wait3A_231] : memref<64x512xf32, #tpu.memory_space<vmem>> -> memref<16x512xf32, #tpu.memory_space<vmem>>
    %dma_wait3A_233 = arith.constant 32 : i32
    %dma_wait3A_234 = tpu.memref_slice %arg3[%dma_wait3A_233, %mul3A_2] : memref<64x16384xf32, #tpu.memory_space<hbm>> -> memref<16x512xf32, #tpu.memory_space<hbm>>
    tpu.wait_dma2 semaphore(%arg15 : memref<!tpu.dma_semaphore, #tpu.memory_space<semaphore_mem>>) src(%dma_wait3A_234 : memref<16x512xf32, #tpu.memory_space<hbm>>) dst(%dma_wait3A_232 : memref<16x512xf32, #tpu.memory_space<vmem>>)
    %parallel_loop3A_235 = arith.constant 0 : i32
    %parallel_loop3A_236 = arith.constant 32 : i32
    %parallel_loop3A_237 = arith.constant 1 : i32
    "tpu.trace_stop"() : () -> ()
    "tpu.trace_start"() <{level = 10 : i32, message = "comp2"}> : () -> ()
    scf.for %parallel_loop3A_273 = %parallel_loop3A_235 to %parallel_loop3A_236 step %parallel_loop3A_237  : i32 {
      %parallel_loop3A_274 = arith.constant 16 : i32
      %parallel_loop3A_275 = arith.muli %parallel_loop3A_273, %parallel_loop3A_274 : i32
      %parallel_loop3A_276 = arith.index_cast %parallel_loop3A_275 : i32 to index
      %parallel_loop3A_277 = tpu.vector_load %arg7[%parallel_loop3A_276] {strides = array<i32>} : memref<512xi32, #tpu.memory_space<vmem>>, vector<16xi32>,
      %parallel_loop3A_278 = arith.constant 0.000000e+00 : f32
      %parallel_loop3A_279 = vector.broadcast %parallel_loop3A_278 : f32 to vector<16xf32>
      %parallel_loop3A_280 = arith.constant 0.000000e+00 : f32
      %parallel_loop3A_281 = vector.broadcast %parallel_loop3A_280 : f32 to vector<16xf32>
      %parallel_loop3A_282 = arith.constant 0.000000e+00 : f32
      %parallel_loop3A_283 = vector.broadcast %parallel_loop3A_282 : f32 to vector<16xf32>
      %parallel_loop3A_284 = arith.constant 0.000000e+00 : f32
      %parallel_loop3A_285 = vector.broadcast %parallel_loop3A_284 : f32 to vector<16xf32>
      %parallel_loop3A_286 = arith.constant 16 : i32
      %parallel_loop3A_287 = vector.broadcast %parallel_loop3A_286 : i32 to vector<16xi32>
      %parallel_loop3A_288 = tpu.vector_load_idx %arg8[%parallel_loop3A_287, %parallel_loop3A_277] : memref<32x1000xi32, #tpu.memory_space<vmem>>[vector<16xi32>, vector<16xi32>], vector<16xi32>,
      %parallel_loop3A_289 = arith.constant 16 : i32
      %parallel_loop3A_290 = vector.broadcast %parallel_loop3A_289 : i32 to vector<16xi32>
      %parallel_loop3A_291 = arith.shli %parallel_loop3A_288, %parallel_loop3A_290 : vector<16xi32>
      %parallel_loop3A_292 = vector.bitcast %parallel_loop3A_291 : vector<16xi32> to vector<16xf32>
      %parallel_loop3A_293 = arith.andi %parallel_loop3A_288, %broadcast_in_dim3A_132 : vector<16xi32>
      %parallel_loop3A_294 = vector.bitcast %parallel_loop3A_293 : vector<16xi32> to vector<16xf32>
      %parallel_loop3A_295 = arith.constant 32 : i32
      %parallel_loop3A_296 = arith.index_cast %parallel_loop3A_295 : i32 to index
      %parallel_loop3A_297 = arith.index_cast %parallel_loop3A_275 : i32 to index
      %parallel_loop3A_298 = tpu.vector_load %arg9[%parallel_loop3A_296, %parallel_loop3A_297] {strides = array<i32>} : memref<64x512xf32, #tpu.memory_space<vmem>>, vector<16xf32>,
      %parallel_loop3A_299 = arith.constant 32 : i32
      %parallel_loop3A_300 = arith.index_cast %parallel_loop3A_299 : i32 to index
      %parallel_loop3A_301 = arith.index_cast %parallel_loop3A_275 : i32 to index
      %parallel_loop3A_302 = tpu.vector_load %arg10[%parallel_loop3A_300, %parallel_loop3A_301] {strides = array<i32>} : memref<64x512xf32, #tpu.memory_space<vmem>>, vector<16xf32>,
      %parallel_loop3A_303 = arith.constant 33 : i32
      %parallel_loop3A_304 = arith.index_cast %parallel_loop3A_303 : i32 to index
      %parallel_loop3A_305 = arith.index_cast %parallel_loop3A_275 : i32 to index
      %parallel_loop3A_306 = tpu.vector_load %arg9[%parallel_loop3A_304, %parallel_loop3A_305] {strides = array<i32>} : memref<64x512xf32, #tpu.memory_space<vmem>>, vector<16xf32>,
      %parallel_loop3A_307 = arith.constant 33 : i32
      %parallel_loop3A_308 = arith.index_cast %parallel_loop3A_307 : i32 to index
      %parallel_loop3A_309 = arith.index_cast %parallel_loop3A_275 : i32 to index
      %parallel_loop3A_310 = tpu.vector_load %arg10[%parallel_loop3A_308, %parallel_loop3A_309] {strides = array<i32>} : memref<64x512xf32, #tpu.memory_space<vmem>>, vector<16xf32>,
      %parallel_loop3A_311 = arith.mulf %parallel_loop3A_298, %parallel_loop3A_292 : vector<16xf32>
      %parallel_loop3A_312 = arith.mulf %parallel_loop3A_311, %parallel_loop3A_302 : vector<16xf32>
      %parallel_loop3A_313 = arith.mulf %parallel_loop3A_306, %parallel_loop3A_294 : vector<16xf32>
      %parallel_loop3A_314 = arith.mulf %parallel_loop3A_313, %parallel_loop3A_310 : vector<16xf32>
      %parallel_loop3A_315 = arith.addf %parallel_loop3A_312, %parallel_loop3A_314 : vector<16xf32>
      %parallel_loop3A_316 = arith.addf %parallel_loop3A_279, %parallel_loop3A_315 : vector<16xf32>
      %parallel_loop3A_317 = arith.constant 17 : i32
      %parallel_loop3A_318 = vector.broadcast %parallel_loop3A_317 : i32 to vector<16xi32>
      %parallel_loop3A_319 = tpu.vector_load_idx %arg8[%parallel_loop3A_318, %parallel_loop3A_277] : memref<32x1000xi32, #tpu.memory_space<vmem>>[vector<16xi32>, vector<16xi32>], vector<16xi32>,
      %parallel_loop3A_320 = arith.constant 16 : i32
      %parallel_loop3A_321 = vector.broadcast %parallel_loop3A_320 : i32 to vector<16xi32>
      %parallel_loop3A_322 = arith.shli %parallel_loop3A_319, %parallel_loop3A_321 : vector<16xi32>
      %parallel_loop3A_323 = vector.bitcast %parallel_loop3A_322 : vector<16xi32> to vector<16xf32>
      %parallel_loop3A_324 = arith.andi %parallel_loop3A_319, %broadcast_in_dim3A_132 : vector<16xi32>
      %parallel_loop3A_325 = vector.bitcast %parallel_loop3A_324 : vector<16xi32> to vector<16xf32>
      %parallel_loop3A_326 = arith.constant 34 : i32
      %parallel_loop3A_327 = arith.index_cast %parallel_loop3A_326 : i32 to index
      %parallel_loop3A_328 = arith.index_cast %parallel_loop3A_275 : i32 to index
      %parallel_loop3A_329 = tpu.vector_load %arg9[%parallel_loop3A_327, %parallel_loop3A_328] {strides = array<i32>} : memref<64x512xf32, #tpu.memory_space<vmem>>, vector<16xf32>,
      %parallel_loop3A_330 = arith.constant 34 : i32
      %parallel_loop3A_331 = arith.index_cast %parallel_loop3A_330 : i32 to index
      %parallel_loop3A_332 = arith.index_cast %parallel_loop3A_275 : i32 to index
      %parallel_loop3A_333 = tpu.vector_load %arg10[%parallel_loop3A_331, %parallel_loop3A_332] {strides = array<i32>} : memref<64x512xf32, #tpu.memory_space<vmem>>, vector<16xf32>,
      %parallel_loop3A_334 = arith.constant 35 : i32
      %parallel_loop3A_335 = arith.index_cast %parallel_loop3A_334 : i32 to index
      %parallel_loop3A_336 = arith.index_cast %parallel_loop3A_275 : i32 to index
      %parallel_loop3A_337 = tpu.vector_load %arg9[%parallel_loop3A_335, %parallel_loop3A_336] {strides = array<i32>} : memref<64x512xf32, #tpu.memory_space<vmem>>, vector<16xf32>,
      %parallel_loop3A_338 = arith.constant 35 : i32
      %parallel_loop3A_339 = arith.index_cast %parallel_loop3A_338 : i32 to index
      %parallel_loop3A_340 = arith.index_cast %parallel_loop3A_275 : i32 to index
      %parallel_loop3A_341 = tpu.vector_load %arg10[%parallel_loop3A_339, %parallel_loop3A_340] {strides = array<i32>} : memref<64x512xf32, #tpu.memory_space<vmem>>, vector<16xf32>,
      %parallel_loop3A_342 = arith.mulf %parallel_loop3A_329, %parallel_loop3A_323 : vector<16xf32>
      %parallel_loop3A_343 = arith.mulf %parallel_loop3A_342, %parallel_loop3A_333 : vector<16xf32>
      %parallel_loop3A_344 = arith.mulf %parallel_loop3A_337, %parallel_loop3A_325 : vector<16xf32>
      %parallel_loop3A_345 = arith.mulf %parallel_loop3A_344, %parallel_loop3A_341 : vector<16xf32>
      %parallel_loop3A_346 = arith.addf %parallel_loop3A_343, %parallel_loop3A_345 : vector<16xf32>
      %parallel_loop3A_347 = arith.addf %parallel_loop3A_281, %parallel_loop3A_346 : vector<16xf32>
      %parallel_loop3A_348 = arith.constant 18 : i32
      %parallel_loop3A_349 = vector.broadcast %parallel_loop3A_348 : i32 to vector<16xi32>
      %parallel_loop3A_350 = tpu.vector_load_idx %arg8[%parallel_loop3A_349, %parallel_loop3A_277] : memref<32x1000xi32, #tpu.memory_space<vmem>>[vector<16xi32>, vector<16xi32>], vector<16xi32>,
      %parallel_loop3A_351 = arith.constant 16 : i32
      %parallel_loop3A_352 = vector.broadcast %parallel_loop3A_351 : i32 to vector<16xi32>
      %parallel_loop3A_353 = arith.shli %parallel_loop3A_350, %parallel_loop3A_352 : vector<16xi32>
      %parallel_loop3A_354 = vector.bitcast %parallel_loop3A_353 : vector<16xi32> to vector<16xf32>
      %parallel_loop3A_355 = arith.andi %parallel_loop3A_350, %broadcast_in_dim3A_132 : vector<16xi32>
      %parallel_loop3A_356 = vector.bitcast %parallel_loop3A_355 : vector<16xi32> to vector<16xf32>
      %parallel_loop3A_357 = arith.constant 36 : i32
      %parallel_loop3A_358 = arith.index_cast %parallel_loop3A_357 : i32 to index
      %parallel_loop3A_359 = arith.index_cast %parallel_loop3A_275 : i32 to index
      %parallel_loop3A_360 = tpu.vector_load %arg9[%parallel_loop3A_358, %parallel_loop3A_359] {strides = array<i32>} : memref<64x512xf32, #tpu.memory_space<vmem>>, vector<16xf32>,
      %parallel_loop3A_361 = arith.constant 36 : i32
      %parallel_loop3A_362 = arith.index_cast %parallel_loop3A_361 : i32 to index
      %parallel_loop3A_363 = arith.index_cast %parallel_loop3A_275 : i32 to index
      %parallel_loop3A_364 = tpu.vector_load %arg10[%parallel_loop3A_362, %parallel_loop3A_363] {strides = array<i32>} : memref<64x512xf32, #tpu.memory_space<vmem>>, vector<16xf32>,
      %parallel_loop3A_365 = arith.constant 37 : i32
      %parallel_loop3A_366 = arith.index_cast %parallel_loop3A_365 : i32 to index
      %parallel_loop3A_367 = arith.index_cast %parallel_loop3A_275 : i32 to index
      %parallel_loop3A_368 = tpu.vector_load %arg9[%parallel_loop3A_366, %parallel_loop3A_367] {strides = array<i32>} : memref<64x512xf32, #tpu.memory_space<vmem>>, vector<16xf32>,
      %parallel_loop3A_369 = arith.constant 37 : i32
      %parallel_loop3A_370 = arith.index_cast %parallel_loop3A_369 : i32 to index
      %parallel_loop3A_371 = arith.index_cast %parallel_loop3A_275 : i32 to index
      %parallel_loop3A_372 = tpu.vector_load %arg10[%parallel_loop3A_370, %parallel_loop3A_371] {strides = array<i32>} : memref<64x512xf32, #tpu.memory_space<vmem>>, vector<16xf32>,
      %parallel_loop3A_373 = arith.mulf %parallel_loop3A_360, %parallel_loop3A_354 : vector<16xf32>
      %parallel_loop3A_374 = arith.mulf %parallel_loop3A_373, %parallel_loop3A_364 : vector<16xf32>
      %parallel_loop3A_375 = arith.mulf %parallel_loop3A_368, %parallel_loop3A_356 : vector<16xf32>
      %parallel_loop3A_376 = arith.mulf %parallel_loop3A_375, %parallel_loop3A_372 : vector<16xf32>
      %parallel_loop3A_377 = arith.addf %parallel_loop3A_374, %parallel_loop3A_376 : vector<16xf32>
      %parallel_loop3A_378 = arith.addf %parallel_loop3A_283, %parallel_loop3A_377 : vector<16xf32>
      %parallel_loop3A_379 = arith.constant 19 : i32
      %parallel_loop3A_380 = vector.broadcast %parallel_loop3A_379 : i32 to vector<16xi32>
      %parallel_loop3A_381 = tpu.vector_load_idx %arg8[%parallel_loop3A_380, %parallel_loop3A_277] : memref<32x1000xi32, #tpu.memory_space<vmem>>[vector<16xi32>, vector<16xi32>], vector<16xi32>,
      %parallel_loop3A_382 = arith.constant 16 : i32
      %parallel_loop3A_383 = vector.broadcast %parallel_loop3A_382 : i32 to vector<16xi32>
      %parallel_loop3A_384 = arith.shli %parallel_loop3A_381, %parallel_loop3A_383 : vector<16xi32>
      %parallel_loop3A_385 = vector.bitcast %parallel_loop3A_384 : vector<16xi32> to vector<16xf32>
      %parallel_loop3A_386 = arith.andi %parallel_loop3A_381, %broadcast_in_dim3A_132 : vector<16xi32>
      %parallel_loop3A_387 = vector.bitcast %parallel_loop3A_386 : vector<16xi32> to vector<16xf32>
      %parallel_loop3A_388 = arith.constant 38 : i32
      %parallel_loop3A_389 = arith.index_cast %parallel_loop3A_388 : i32 to index
      %parallel_loop3A_390 = arith.index_cast %parallel_loop3A_275 : i32 to index
      %parallel_loop3A_391 = tpu.vector_load %arg9[%parallel_loop3A_389, %parallel_loop3A_390] {strides = array<i32>} : memref<64x512xf32, #tpu.memory_space<vmem>>, vector<16xf32>,
      %parallel_loop3A_392 = arith.constant 38 : i32
      %parallel_loop3A_393 = arith.index_cast %parallel_loop3A_392 : i32 to index
      %parallel_loop3A_394 = arith.index_cast %parallel_loop3A_275 : i32 to index
      %parallel_loop3A_395 = tpu.vector_load %arg10[%parallel_loop3A_393, %parallel_loop3A_394] {strides = array<i32>} : memref<64x512xf32, #tpu.memory_space<vmem>>, vector<16xf32>,
      %parallel_loop3A_396 = arith.constant 39 : i32
      %parallel_loop3A_397 = arith.index_cast %parallel_loop3A_396 : i32 to index
      %parallel_loop3A_398 = arith.index_cast %parallel_loop3A_275 : i32 to index
      %parallel_loop3A_399 = tpu.vector_load %arg9[%parallel_loop3A_397, %parallel_loop3A_398] {strides = array<i32>} : memref<64x512xf32, #tpu.memory_space<vmem>>, vector<16xf32>,
      %parallel_loop3A_400 = arith.constant 39 : i32
      %parallel_loop3A_401 = arith.index_cast %parallel_loop3A_400 : i32 to index
      %parallel_loop3A_402 = arith.index_cast %parallel_loop3A_275 : i32 to index
      %parallel_loop3A_403 = tpu.vector_load %arg10[%parallel_loop3A_401, %parallel_loop3A_402] {strides = array<i32>} : memref<64x512xf32, #tpu.memory_space<vmem>>, vector<16xf32>,
      %parallel_loop3A_404 = arith.mulf %parallel_loop3A_391, %parallel_loop3A_385 : vector<16xf32>
      %parallel_loop3A_405 = arith.mulf %parallel_loop3A_404, %parallel_loop3A_395 : vector<16xf32>
      %parallel_loop3A_406 = arith.mulf %parallel_loop3A_399, %parallel_loop3A_387 : vector<16xf32>
      %parallel_loop3A_407 = arith.mulf %parallel_loop3A_406, %parallel_loop3A_403 : vector<16xf32>
      %parallel_loop3A_408 = arith.addf %parallel_loop3A_405, %parallel_loop3A_407 : vector<16xf32>
      %parallel_loop3A_409 = arith.addf %parallel_loop3A_285, %parallel_loop3A_408 : vector<16xf32>
      %parallel_loop3A_410 = arith.constant 20 : i32
      %parallel_loop3A_411 = vector.broadcast %parallel_loop3A_410 : i32 to vector<16xi32>
      %parallel_loop3A_412 = tpu.vector_load_idx %arg8[%parallel_loop3A_411, %parallel_loop3A_277] : memref<32x1000xi32, #tpu.memory_space<vmem>>[vector<16xi32>, vector<16xi32>], vector<16xi32>,
      %parallel_loop3A_413 = arith.constant 16 : i32
      %parallel_loop3A_414 = vector.broadcast %parallel_loop3A_413 : i32 to vector<16xi32>
      %parallel_loop3A_415 = arith.shli %parallel_loop3A_412, %parallel_loop3A_414 : vector<16xi32>
      %parallel_loop3A_416 = vector.bitcast %parallel_loop3A_415 : vector<16xi32> to vector<16xf32>
      %parallel_loop3A_417 = arith.andi %parallel_loop3A_412, %broadcast_in_dim3A_132 : vector<16xi32>
      %parallel_loop3A_418 = vector.bitcast %parallel_loop3A_417 : vector<16xi32> to vector<16xf32>
      %parallel_loop3A_419 = arith.constant 40 : i32
      %parallel_loop3A_420 = arith.index_cast %parallel_loop3A_419 : i32 to index
      %parallel_loop3A_421 = arith.index_cast %parallel_loop3A_275 : i32 to index
      %parallel_loop3A_422 = tpu.vector_load %arg9[%parallel_loop3A_420, %parallel_loop3A_421] {strides = array<i32>} : memref<64x512xf32, #tpu.memory_space<vmem>>, vector<16xf32>,
      %parallel_loop3A_423 = arith.constant 40 : i32
      %parallel_loop3A_424 = arith.index_cast %parallel_loop3A_423 : i32 to index
      %parallel_loop3A_425 = arith.index_cast %parallel_loop3A_275 : i32 to index
      %parallel_loop3A_426 = tpu.vector_load %arg10[%parallel_loop3A_424, %parallel_loop3A_425] {strides = array<i32>} : memref<64x512xf32, #tpu.memory_space<vmem>>, vector<16xf32>,
      %parallel_loop3A_427 = arith.constant 41 : i32
      %parallel_loop3A_428 = arith.index_cast %parallel_loop3A_427 : i32 to index
      %parallel_loop3A_429 = arith.index_cast %parallel_loop3A_275 : i32 to index
      %parallel_loop3A_430 = tpu.vector_load %arg9[%parallel_loop3A_428, %parallel_loop3A_429] {strides = array<i32>} : memref<64x512xf32, #tpu.memory_space<vmem>>, vector<16xf32>,
      %parallel_loop3A_431 = arith.constant 41 : i32
      %parallel_loop3A_432 = arith.index_cast %parallel_loop3A_431 : i32 to index
      %parallel_loop3A_433 = arith.index_cast %parallel_loop3A_275 : i32 to index
      %parallel_loop3A_434 = tpu.vector_load %arg10[%parallel_loop3A_432, %parallel_loop3A_433] {strides = array<i32>} : memref<64x512xf32, #tpu.memory_space<vmem>>, vector<16xf32>,
      %parallel_loop3A_435 = arith.mulf %parallel_loop3A_422, %parallel_loop3A_416 : vector<16xf32>
      %parallel_loop3A_436 = arith.mulf %parallel_loop3A_435, %parallel_loop3A_426 : vector<16xf32>
      %parallel_loop3A_437 = arith.mulf %parallel_loop3A_430, %parallel_loop3A_418 : vector<16xf32>
      %parallel_loop3A_438 = arith.mulf %parallel_loop3A_437, %parallel_loop3A_434 : vector<16xf32>
      %parallel_loop3A_439 = arith.addf %parallel_loop3A_436, %parallel_loop3A_438 : vector<16xf32>
      %parallel_loop3A_440 = arith.addf %parallel_loop3A_316, %parallel_loop3A_439 : vector<16xf32>
      %parallel_loop3A_441 = arith.constant 21 : i32
      %parallel_loop3A_442 = vector.broadcast %parallel_loop3A_441 : i32 to vector<16xi32>
      %parallel_loop3A_443 = tpu.vector_load_idx %arg8[%parallel_loop3A_442, %parallel_loop3A_277] : memref<32x1000xi32, #tpu.memory_space<vmem>>[vector<16xi32>, vector<16xi32>], vector<16xi32>,
      %parallel_loop3A_444 = arith.constant 16 : i32
      %parallel_loop3A_445 = vector.broadcast %parallel_loop3A_444 : i32 to vector<16xi32>
      %parallel_loop3A_446 = arith.shli %parallel_loop3A_443, %parallel_loop3A_445 : vector<16xi32>
      %parallel_loop3A_447 = vector.bitcast %parallel_loop3A_446 : vector<16xi32> to vector<16xf32>
      %parallel_loop3A_448 = arith.andi %parallel_loop3A_443, %broadcast_in_dim3A_132 : vector<16xi32>
      %parallel_loop3A_449 = vector.bitcast %parallel_loop3A_448 : vector<16xi32> to vector<16xf32>
      %parallel_loop3A_450 = arith.constant 42 : i32
      %parallel_loop3A_451 = arith.index_cast %parallel_loop3A_450 : i32 to index
      %parallel_loop3A_452 = arith.index_cast %parallel_loop3A_275 : i32 to index
      %parallel_loop3A_453 = tpu.vector_load %arg9[%parallel_loop3A_451, %parallel_loop3A_452] {strides = array<i32>} : memref<64x512xf32, #tpu.memory_space<vmem>>, vector<16xf32>,
      %parallel_loop3A_454 = arith.constant 42 : i32
      %parallel_loop3A_455 = arith.index_cast %parallel_loop3A_454 : i32 to index
      %parallel_loop3A_456 = arith.index_cast %parallel_loop3A_275 : i32 to index
      %parallel_loop3A_457 = tpu.vector_load %arg10[%parallel_loop3A_455, %parallel_loop3A_456] {strides = array<i32>} : memref<64x512xf32, #tpu.memory_space<vmem>>, vector<16xf32>,
      %parallel_loop3A_458 = arith.constant 43 : i32
      %parallel_loop3A_459 = arith.index_cast %parallel_loop3A_458 : i32 to index
      %parallel_loop3A_460 = arith.index_cast %parallel_loop3A_275 : i32 to index
      %parallel_loop3A_461 = tpu.vector_load %arg9[%parallel_loop3A_459, %parallel_loop3A_460] {strides = array<i32>} : memref<64x512xf32, #tpu.memory_space<vmem>>, vector<16xf32>,
      %parallel_loop3A_462 = arith.constant 43 : i32
      %parallel_loop3A_463 = arith.index_cast %parallel_loop3A_462 : i32 to index
      %parallel_loop3A_464 = arith.index_cast %parallel_loop3A_275 : i32 to index
      %parallel_loop3A_465 = tpu.vector_load %arg10[%parallel_loop3A_463, %parallel_loop3A_464] {strides = array<i32>} : memref<64x512xf32, #tpu.memory_space<vmem>>, vector<16xf32>,
      %parallel_loop3A_466 = arith.mulf %parallel_loop3A_453, %parallel_loop3A_447 : vector<16xf32>
      %parallel_loop3A_467 = arith.mulf %parallel_loop3A_466, %parallel_loop3A_457 : vector<16xf32>
      %parallel_loop3A_468 = arith.mulf %parallel_loop3A_461, %parallel_loop3A_449 : vector<16xf32>
      %parallel_loop3A_469 = arith.mulf %parallel_loop3A_468, %parallel_loop3A_465 : vector<16xf32>
      %parallel_loop3A_470 = arith.addf %parallel_loop3A_467, %parallel_loop3A_469 : vector<16xf32>
      %parallel_loop3A_471 = arith.addf %parallel_loop3A_347, %parallel_loop3A_470 : vector<16xf32>
      %parallel_loop3A_472 = arith.constant 22 : i32
      %parallel_loop3A_473 = vector.broadcast %parallel_loop3A_472 : i32 to vector<16xi32>
      %parallel_loop3A_474 = tpu.vector_load_idx %arg8[%parallel_loop3A_473, %parallel_loop3A_277] : memref<32x1000xi32, #tpu.memory_space<vmem>>[vector<16xi32>, vector<16xi32>], vector<16xi32>,
      %parallel_loop3A_475 = arith.constant 16 : i32
      %parallel_loop3A_476 = vector.broadcast %parallel_loop3A_475 : i32 to vector<16xi32>
      %parallel_loop3A_477 = arith.shli %parallel_loop3A_474, %parallel_loop3A_476 : vector<16xi32>
      %parallel_loop3A_478 = vector.bitcast %parallel_loop3A_477 : vector<16xi32> to vector<16xf32>
      %parallel_loop3A_479 = arith.andi %parallel_loop3A_474, %broadcast_in_dim3A_132 : vector<16xi32>
      %parallel_loop3A_480 = vector.bitcast %parallel_loop3A_479 : vector<16xi32> to vector<16xf32>
      %parallel_loop3A_481 = arith.constant 44 : i32
      %parallel_loop3A_482 = arith.index_cast %parallel_loop3A_481 : i32 to index
      %parallel_loop3A_483 = arith.index_cast %parallel_loop3A_275 : i32 to index
      %parallel_loop3A_484 = tpu.vector_load %arg9[%parallel_loop3A_482, %parallel_loop3A_483] {strides = array<i32>} : memref<64x512xf32, #tpu.memory_space<vmem>>, vector<16xf32>,
      %parallel_loop3A_485 = arith.constant 44 : i32
      %parallel_loop3A_486 = arith.index_cast %parallel_loop3A_485 : i32 to index
      %parallel_loop3A_487 = arith.index_cast %parallel_loop3A_275 : i32 to index
      %parallel_loop3A_488 = tpu.vector_load %arg10[%parallel_loop3A_486, %parallel_loop3A_487] {strides = array<i32>} : memref<64x512xf32, #tpu.memory_space<vmem>>, vector<16xf32>,
      %parallel_loop3A_489 = arith.constant 45 : i32
      %parallel_loop3A_490 = arith.index_cast %parallel_loop3A_489 : i32 to index
      %parallel_loop3A_491 = arith.index_cast %parallel_loop3A_275 : i32 to index
      %parallel_loop3A_492 = tpu.vector_load %arg9[%parallel_loop3A_490, %parallel_loop3A_491] {strides = array<i32>} : memref<64x512xf32, #tpu.memory_space<vmem>>, vector<16xf32>,
      %parallel_loop3A_493 = arith.constant 45 : i32
      %parallel_loop3A_494 = arith.index_cast %parallel_loop3A_493 : i32 to index
      %parallel_loop3A_495 = arith.index_cast %parallel_loop3A_275 : i32 to index
      %parallel_loop3A_496 = tpu.vector_load %arg10[%parallel_loop3A_494, %parallel_loop3A_495] {strides = array<i32>} : memref<64x512xf32, #tpu.memory_space<vmem>>, vector<16xf32>,
      %parallel_loop3A_497 = arith.mulf %parallel_loop3A_484, %parallel_loop3A_478 : vector<16xf32>
      %parallel_loop3A_498 = arith.mulf %parallel_loop3A_497, %parallel_loop3A_488 : vector<16xf32>
      %parallel_loop3A_499 = arith.mulf %parallel_loop3A_492, %parallel_loop3A_480 : vector<16xf32>
      %parallel_loop3A_500 = arith.mulf %parallel_loop3A_499, %parallel_loop3A_496 : vector<16xf32>
      %parallel_loop3A_501 = arith.addf %parallel_loop3A_498, %parallel_loop3A_500 : vector<16xf32>
      %parallel_loop3A_502 = arith.addf %parallel_loop3A_378, %parallel_loop3A_501 : vector<16xf32>
      %parallel_loop3A_503 = arith.constant 23 : i32
      %parallel_loop3A_504 = vector.broadcast %parallel_loop3A_503 : i32 to vector<16xi32>
      %parallel_loop3A_505 = tpu.vector_load_idx %arg8[%parallel_loop3A_504, %parallel_loop3A_277] : memref<32x1000xi32, #tpu.memory_space<vmem>>[vector<16xi32>, vector<16xi32>], vector<16xi32>,
      %parallel_loop3A_506 = arith.constant 16 : i32
      %parallel_loop3A_507 = vector.broadcast %parallel_loop3A_506 : i32 to vector<16xi32>
      %parallel_loop3A_508 = arith.shli %parallel_loop3A_505, %parallel_loop3A_507 : vector<16xi32>
      %parallel_loop3A_509 = vector.bitcast %parallel_loop3A_508 : vector<16xi32> to vector<16xf32>
      %parallel_loop3A_510 = arith.andi %parallel_loop3A_505, %broadcast_in_dim3A_132 : vector<16xi32>
      %parallel_loop3A_511 = vector.bitcast %parallel_loop3A_510 : vector<16xi32> to vector<16xf32>
      %parallel_loop3A_512 = arith.constant 46 : i32
      %parallel_loop3A_513 = arith.index_cast %parallel_loop3A_512 : i32 to index
      %parallel_loop3A_514 = arith.index_cast %parallel_loop3A_275 : i32 to index
      %parallel_loop3A_515 = tpu.vector_load %arg9[%parallel_loop3A_513, %parallel_loop3A_514] {strides = array<i32>} : memref<64x512xf32, #tpu.memory_space<vmem>>, vector<16xf32>,
      %parallel_loop3A_516 = arith.constant 46 : i32
      %parallel_loop3A_517 = arith.index_cast %parallel_loop3A_516 : i32 to index
      %parallel_loop3A_518 = arith.index_cast %parallel_loop3A_275 : i32 to index
      %parallel_loop3A_519 = tpu.vector_load %arg10[%parallel_loop3A_517, %parallel_loop3A_518] {strides = array<i32>} : memref<64x512xf32, #tpu.memory_space<vmem>>, vector<16xf32>,
      %parallel_loop3A_520 = arith.constant 47 : i32
      %parallel_loop3A_521 = arith.index_cast %parallel_loop3A_520 : i32 to index
      %parallel_loop3A_522 = arith.index_cast %parallel_loop3A_275 : i32 to index
      %parallel_loop3A_523 = tpu.vector_load %arg9[%parallel_loop3A_521, %parallel_loop3A_522] {strides = array<i32>} : memref<64x512xf32, #tpu.memory_space<vmem>>, vector<16xf32>,
      %parallel_loop3A_524 = arith.constant 47 : i32
      %parallel_loop3A_525 = arith.index_cast %parallel_loop3A_524 : i32 to index
      %parallel_loop3A_526 = arith.index_cast %parallel_loop3A_275 : i32 to index
      %parallel_loop3A_527 = tpu.vector_load %arg10[%parallel_loop3A_525, %parallel_loop3A_526] {strides = array<i32>} : memref<64x512xf32, #tpu.memory_space<vmem>>, vector<16xf32>,
      %parallel_loop3A_528 = arith.mulf %parallel_loop3A_515, %parallel_loop3A_509 : vector<16xf32>
      %parallel_loop3A_529 = arith.mulf %parallel_loop3A_528, %parallel_loop3A_519 : vector<16xf32>
      %parallel_loop3A_530 = arith.mulf %parallel_loop3A_523, %parallel_loop3A_511 : vector<16xf32>
      %parallel_loop3A_531 = arith.mulf %parallel_loop3A_530, %parallel_loop3A_527 : vector<16xf32>
      %parallel_loop3A_532 = arith.addf %parallel_loop3A_529, %parallel_loop3A_531 : vector<16xf32>
      %parallel_loop3A_533 = arith.addf %parallel_loop3A_409, %parallel_loop3A_532 : vector<16xf32>
      %parallel_loop3A_534 = arith.addf %parallel_loop3A_440, %parallel_loop3A_471 : vector<16xf32>
      %parallel_loop3A_535 = arith.addf %parallel_loop3A_502, %parallel_loop3A_533 : vector<16xf32>
      %parallel_loop3A_536 = arith.addf %parallel_loop3A_534, %parallel_loop3A_535 : vector<16xf32>
      %parallel_loop3A_537 = arith.index_cast %parallel_loop3A_275 : i32 to index
      %parallel_loop3A_538 = tpu.vector_load %arg11[%parallel_loop3A_537] {strides = array<i32>} : memref<512xf32, #tpu.memory_space<vmem>>, vector<16xf32>,
      %parallel_loop3A_539 = arith.addf %parallel_loop3A_536, %parallel_loop3A_538 : vector<16xf32>
      %parallel_loop3A_540 = arith.index_cast %parallel_loop3A_275 : i32 to index
      %parallel_loop3A_541 = tpu.vector_load %arg11[%parallel_loop3A_540] {strides = array<i32>} : memref<512xf32, #tpu.memory_space<vmem>>, vector<16xf32>,
      tpu.vector_store %arg11[%parallel_loop3A_540], %parallel_loop3A_539 {strides = array<i32>} : memref<512xf32, #tpu.memory_space<vmem>>, vector<16xf32>,
    } {sc.loop_unroll_factor = 2 : i64, sc.parallel_access}
    "tpu.trace_stop"() : () -> ()
    "tpu.trace_start"() <{level = 10 : i32, message = "wait3"}> : () -> ()
    %dma_wait3A_238 = arith.constant 24 : i32
    %dma_wait3A_239 = arith.constant 0 : i32
    %dma_wait3A_240 = tpu.memref_slice %arg8[%dma_wait3A_238, %dma_wait3A_239] : memref<32x1000xi32, #tpu.memory_space<vmem>> -> memref<8x1000xi32, #tpu.memory_space<vmem>>
    %dma_wait3A_241 = arith.constant 24 : i32
    %dma_wait3A_242 = arith.constant 0 : i32
    %dma_wait3A_243 = tpu.memref_slice %arg5[%dma_wait3A_241, %dma_wait3A_242] : memref<32x1000xi32, #tpu.memory_space<hbm>> -> memref<8x1000xi32, #tpu.memory_space<hbm>>
    %dma_wait3A_244 = arith.constant 24 : i32
    %dma_wait3A_245 = arith.constant 0 : i32
    %dma_wait3A_246 = tpu.memref_slice %arg8[%dma_wait3A_244, %dma_wait3A_245] : memref<32x1000xi32, #tpu.memory_space<vmem>> -> memref<8x1000xi32, #tpu.memory_space<vmem>>
    %dma_wait3A_247 = arith.constant 24 : i32
    %dma_wait3A_248 = arith.constant 0 : i32
    %dma_wait3A_249 = tpu.memref_slice %arg5[%dma_wait3A_247, %dma_wait3A_248] : memref<32x1000xi32, #tpu.memory_space<hbm>> -> memref<8x1000xi32, #tpu.memory_space<hbm>>
    tpu.wait_dma2 semaphore(%arg16 : memref<!tpu.dma_semaphore, #tpu.memory_space<semaphore_mem>>) src(%dma_wait3A_249 : memref<8x1000xi32, #tpu.memory_space<hbm>>) dst(%dma_wait3A_246 : memref<8x1000xi32, #tpu.memory_space<vmem>>)
    %dma_wait3A_250 = arith.constant 48 : i32
    %dma_wait3A_251 = arith.constant 0 : i32
    %dma_wait3A_252 = tpu.memref_slice %arg9[%dma_wait3A_250, %dma_wait3A_251] : memref<64x512xf32, #tpu.memory_space<vmem>> -> memref<16x512xf32, #tpu.memory_space<vmem>>
    %dma_wait3A_253 = arith.constant 48 : i32
    %dma_wait3A_254 = tpu.memref_slice %arg2[%dma_wait3A_253, %mul3A_2] : memref<64x16384xf32, #tpu.memory_space<hbm>> -> memref<16x512xf32, #tpu.memory_space<hbm>>
    %dma_wait3A_255 = arith.constant 48 : i32
    %dma_wait3A_256 = arith.constant 0 : i32
    %dma_wait3A_257 = tpu.memref_slice %arg9[%dma_wait3A_255, %dma_wait3A_256] : memref<64x512xf32, #tpu.memory_space<vmem>> -> memref<16x512xf32, #tpu.memory_space<vmem>>
    %dma_wait3A_258 = arith.constant 48 : i32
    %dma_wait3A_259 = tpu.memref_slice %arg2[%dma_wait3A_258, %mul3A_2] : memref<64x16384xf32, #tpu.memory_space<hbm>> -> memref<16x512xf32, #tpu.memory_space<hbm>>
    tpu.wait_dma2 semaphore(%arg16 : memref<!tpu.dma_semaphore, #tpu.memory_space<semaphore_mem>>) src(%dma_wait3A_259 : memref<16x512xf32, #tpu.memory_space<hbm>>) dst(%dma_wait3A_257 : memref<16x512xf32, #tpu.memory_space<vmem>>)
    %dma_wait3A_260 = arith.constant 48 : i32
    %dma_wait3A_261 = arith.constant 0 : i32
    %dma_wait3A_262 = tpu.memref_slice %arg10[%dma_wait3A_260, %dma_wait3A_261] : memref<64x512xf32, #tpu.memory_space<vmem>> -> memref<16x512xf32, #tpu.memory_space<vmem>>
    %dma_wait3A_263 = arith.constant 48 : i32
    %dma_wait3A_264 = tpu.memref_slice %arg3[%dma_wait3A_263, %mul3A_2] : memref<64x16384xf32, #tpu.memory_space<hbm>> -> memref<16x512xf32, #tpu.memory_space<hbm>>
    %dma_wait3A_265 = arith.constant 48 : i32
    %dma_wait3A_266 = arith.constant 0 : i32
    %dma_wait3A_267 = tpu.memref_slice %arg10[%dma_wait3A_265, %dma_wait3A_266] : memref<64x512xf32, #tpu.memory_space<vmem>> -> memref<16x512xf32, #tpu.memory_space<vmem>>
    %dma_wait3A_268 = arith.constant 48 : i32
    %dma_wait3A_269 = tpu.memref_slice %arg3[%dma_wait3A_268, %mul3A_2] : memref<64x16384xf32, #tpu.memory_space<hbm>> -> memref<16x512xf32, #tpu.memory_space<hbm>>
    tpu.wait_dma2 semaphore(%arg16 : memref<!tpu.dma_semaphore, #tpu.memory_space<semaphore_mem>>) src(%dma_wait3A_269 : memref<16x512xf32, #tpu.memory_space<hbm>>) dst(%dma_wait3A_267 : memref<16x512xf32, #tpu.memory_space<vmem>>)
    %parallel_loop3A_270 = arith.constant 0 : i32
    %parallel_loop3A_271 = arith.constant 32 : i32
    %parallel_loop3A_272 = arith.constant 1 : i32
    "tpu.trace_stop"() : () -> ()
    "tpu.trace_start"() <{level = 10 : i32, message = "comp3"}> : () -> ()
    scf.for %parallel_loop3A_273 = %parallel_loop3A_270 to %parallel_loop3A_271 step %parallel_loop3A_272  : i32 {
      %parallel_loop3A_274 = arith.constant 16 : i32
      %parallel_loop3A_275 = arith.muli %parallel_loop3A_273, %parallel_loop3A_274 : i32
      %parallel_loop3A_276 = arith.index_cast %parallel_loop3A_275 : i32 to index
      %parallel_loop3A_277 = tpu.vector_load %arg7[%parallel_loop3A_276] {strides = array<i32>} : memref<512xi32, #tpu.memory_space<vmem>>, vector<16xi32>,
      %parallel_loop3A_278 = arith.constant 0.000000e+00 : f32
      %parallel_loop3A_279 = vector.broadcast %parallel_loop3A_278 : f32 to vector<16xf32>
      %parallel_loop3A_280 = arith.constant 0.000000e+00 : f32
      %parallel_loop3A_281 = vector.broadcast %parallel_loop3A_280 : f32 to vector<16xf32>
      %parallel_loop3A_282 = arith.constant 0.000000e+00 : f32
      %parallel_loop3A_283 = vector.broadcast %parallel_loop3A_282 : f32 to vector<16xf32>
      %parallel_loop3A_284 = arith.constant 0.000000e+00 : f32
      %parallel_loop3A_285 = vector.broadcast %parallel_loop3A_284 : f32 to vector<16xf32>
      %parallel_loop3A_286 = arith.constant 24 : i32
      %parallel_loop3A_287 = vector.broadcast %parallel_loop3A_286 : i32 to vector<16xi32>
      %parallel_loop3A_288 = tpu.vector_load_idx %arg8[%parallel_loop3A_287, %parallel_loop3A_277] : memref<32x1000xi32, #tpu.memory_space<vmem>>[vector<16xi32>, vector<16xi32>], vector<16xi32>,
      %parallel_loop3A_289 = arith.constant 16 : i32
      %parallel_loop3A_290 = vector.broadcast %parallel_loop3A_289 : i32 to vector<16xi32>
      %parallel_loop3A_291 = arith.shli %parallel_loop3A_288, %parallel_loop3A_290 : vector<16xi32>
      %parallel_loop3A_292 = vector.bitcast %parallel_loop3A_291 : vector<16xi32> to vector<16xf32>
      %parallel_loop3A_293 = arith.andi %parallel_loop3A_288, %broadcast_in_dim3A_132 : vector<16xi32>
      %parallel_loop3A_294 = vector.bitcast %parallel_loop3A_293 : vector<16xi32> to vector<16xf32>
      %parallel_loop3A_295 = arith.constant 48 : i32
      %parallel_loop3A_296 = arith.index_cast %parallel_loop3A_295 : i32 to index
      %parallel_loop3A_297 = arith.index_cast %parallel_loop3A_275 : i32 to index
      %parallel_loop3A_298 = tpu.vector_load %arg9[%parallel_loop3A_296, %parallel_loop3A_297] {strides = array<i32>} : memref<64x512xf32, #tpu.memory_space<vmem>>, vector<16xf32>,
      %parallel_loop3A_299 = arith.constant 48 : i32
      %parallel_loop3A_300 = arith.index_cast %parallel_loop3A_299 : i32 to index
      %parallel_loop3A_301 = arith.index_cast %parallel_loop3A_275 : i32 to index
      %parallel_loop3A_302 = tpu.vector_load %arg10[%parallel_loop3A_300, %parallel_loop3A_301] {strides = array<i32>} : memref<64x512xf32, #tpu.memory_space<vmem>>, vector<16xf32>,
      %parallel_loop3A_303 = arith.constant 49 : i32
      %parallel_loop3A_304 = arith.index_cast %parallel_loop3A_303 : i32 to index
      %parallel_loop3A_305 = arith.index_cast %parallel_loop3A_275 : i32 to index
      %parallel_loop3A_306 = tpu.vector_load %arg9[%parallel_loop3A_304, %parallel_loop3A_305] {strides = array<i32>} : memref<64x512xf32, #tpu.memory_space<vmem>>, vector<16xf32>,
      %parallel_loop3A_307 = arith.constant 49 : i32
      %parallel_loop3A_308 = arith.index_cast %parallel_loop3A_307 : i32 to index
      %parallel_loop3A_309 = arith.index_cast %parallel_loop3A_275 : i32 to index
      %parallel_loop3A_310 = tpu.vector_load %arg10[%parallel_loop3A_308, %parallel_loop3A_309] {strides = array<i32>} : memref<64x512xf32, #tpu.memory_space<vmem>>, vector<16xf32>,
      %parallel_loop3A_311 = arith.mulf %parallel_loop3A_298, %parallel_loop3A_292 : vector<16xf32>
      %parallel_loop3A_312 = arith.mulf %parallel_loop3A_311, %parallel_loop3A_302 : vector<16xf32>
      %parallel_loop3A_313 = arith.mulf %parallel_loop3A_306, %parallel_loop3A_294 : vector<16xf32>
      %parallel_loop3A_314 = arith.mulf %parallel_loop3A_313, %parallel_loop3A_310 : vector<16xf32>
      %parallel_loop3A_315 = arith.addf %parallel_loop3A_312, %parallel_loop3A_314 : vector<16xf32>
      %parallel_loop3A_316 = arith.addf %parallel_loop3A_279, %parallel_loop3A_315 : vector<16xf32>
      %parallel_loop3A_317 = arith.constant 25 : i32
      %parallel_loop3A_318 = vector.broadcast %parallel_loop3A_317 : i32 to vector<16xi32>
      %parallel_loop3A_319 = tpu.vector_load_idx %arg8[%parallel_loop3A_318, %parallel_loop3A_277] : memref<32x1000xi32, #tpu.memory_space<vmem>>[vector<16xi32>, vector<16xi32>], vector<16xi32>,
      %parallel_loop3A_320 = arith.constant 16 : i32
      %parallel_loop3A_321 = vector.broadcast %parallel_loop3A_320 : i32 to vector<16xi32>
      %parallel_loop3A_322 = arith.shli %parallel_loop3A_319, %parallel_loop3A_321 : vector<16xi32>
      %parallel_loop3A_323 = vector.bitcast %parallel_loop3A_322 : vector<16xi32> to vector<16xf32>
      %parallel_loop3A_324 = arith.andi %parallel_loop3A_319, %broadcast_in_dim3A_132 : vector<16xi32>
      %parallel_loop3A_325 = vector.bitcast %parallel_loop3A_324 : vector<16xi32> to vector<16xf32>
      %parallel_loop3A_326 = arith.constant 50 : i32
      %parallel_loop3A_327 = arith.index_cast %parallel_loop3A_326 : i32 to index
      %parallel_loop3A_328 = arith.index_cast %parallel_loop3A_275 : i32 to index
      %parallel_loop3A_329 = tpu.vector_load %arg9[%parallel_loop3A_327, %parallel_loop3A_328] {strides = array<i32>} : memref<64x512xf32, #tpu.memory_space<vmem>>, vector<16xf32>,
      %parallel_loop3A_330 = arith.constant 50 : i32
      %parallel_loop3A_331 = arith.index_cast %parallel_loop3A_330 : i32 to index
      %parallel_loop3A_332 = arith.index_cast %parallel_loop3A_275 : i32 to index
      %parallel_loop3A_333 = tpu.vector_load %arg10[%parallel_loop3A_331, %parallel_loop3A_332] {strides = array<i32>} : memref<64x512xf32, #tpu.memory_space<vmem>>, vector<16xf32>,
      %parallel_loop3A_334 = arith.constant 51 : i32
      %parallel_loop3A_335 = arith.index_cast %parallel_loop3A_334 : i32 to index
      %parallel_loop3A_336 = arith.index_cast %parallel_loop3A_275 : i32 to index
      %parallel_loop3A_337 = tpu.vector_load %arg9[%parallel_loop3A_335, %parallel_loop3A_336] {strides = array<i32>} : memref<64x512xf32, #tpu.memory_space<vmem>>, vector<16xf32>,
      %parallel_loop3A_338 = arith.constant 51 : i32
      %parallel_loop3A_339 = arith.index_cast %parallel_loop3A_338 : i32 to index
      %parallel_loop3A_340 = arith.index_cast %parallel_loop3A_275 : i32 to index
      %parallel_loop3A_341 = tpu.vector_load %arg10[%parallel_loop3A_339, %parallel_loop3A_340] {strides = array<i32>} : memref<64x512xf32, #tpu.memory_space<vmem>>, vector<16xf32>,
      %parallel_loop3A_342 = arith.mulf %parallel_loop3A_329, %parallel_loop3A_323 : vector<16xf32>
      %parallel_loop3A_343 = arith.mulf %parallel_loop3A_342, %parallel_loop3A_333 : vector<16xf32>
      %parallel_loop3A_344 = arith.mulf %parallel_loop3A_337, %parallel_loop3A_325 : vector<16xf32>
      %parallel_loop3A_345 = arith.mulf %parallel_loop3A_344, %parallel_loop3A_341 : vector<16xf32>
      %parallel_loop3A_346 = arith.addf %parallel_loop3A_343, %parallel_loop3A_345 : vector<16xf32>
      %parallel_loop3A_347 = arith.addf %parallel_loop3A_281, %parallel_loop3A_346 : vector<16xf32>
      %parallel_loop3A_348 = arith.constant 26 : i32
      %parallel_loop3A_349 = vector.broadcast %parallel_loop3A_348 : i32 to vector<16xi32>
      %parallel_loop3A_350 = tpu.vector_load_idx %arg8[%parallel_loop3A_349, %parallel_loop3A_277] : memref<32x1000xi32, #tpu.memory_space<vmem>>[vector<16xi32>, vector<16xi32>], vector<16xi32>,
      %parallel_loop3A_351 = arith.constant 16 : i32
      %parallel_loop3A_352 = vector.broadcast %parallel_loop3A_351 : i32 to vector<16xi32>
      %parallel_loop3A_353 = arith.shli %parallel_loop3A_350, %parallel_loop3A_352 : vector<16xi32>
      %parallel_loop3A_354 = vector.bitcast %parallel_loop3A_353 : vector<16xi32> to vector<16xf32>
      %parallel_loop3A_355 = arith.andi %parallel_loop3A_350, %broadcast_in_dim3A_132 : vector<16xi32>
      %parallel_loop3A_356 = vector.bitcast %parallel_loop3A_355 : vector<16xi32> to vector<16xf32>
      %parallel_loop3A_357 = arith.constant 52 : i32
      %parallel_loop3A_358 = arith.index_cast %parallel_loop3A_357 : i32 to index
      %parallel_loop3A_359 = arith.index_cast %parallel_loop3A_275 : i32 to index
      %parallel_loop3A_360 = tpu.vector_load %arg9[%parallel_loop3A_358, %parallel_loop3A_359] {strides = array<i32>} : memref<64x512xf32, #tpu.memory_space<vmem>>, vector<16xf32>,
      %parallel_loop3A_361 = arith.constant 52 : i32
      %parallel_loop3A_362 = arith.index_cast %parallel_loop3A_361 : i32 to index
      %parallel_loop3A_363 = arith.index_cast %parallel_loop3A_275 : i32 to index
      %parallel_loop3A_364 = tpu.vector_load %arg10[%parallel_loop3A_362, %parallel_loop3A_363] {strides = array<i32>} : memref<64x512xf32, #tpu.memory_space<vmem>>, vector<16xf32>,
      %parallel_loop3A_365 = arith.constant 53 : i32
      %parallel_loop3A_366 = arith.index_cast %parallel_loop3A_365 : i32 to index
      %parallel_loop3A_367 = arith.index_cast %parallel_loop3A_275 : i32 to index
      %parallel_loop3A_368 = tpu.vector_load %arg9[%parallel_loop3A_366, %parallel_loop3A_367] {strides = array<i32>} : memref<64x512xf32, #tpu.memory_space<vmem>>, vector<16xf32>,
      %parallel_loop3A_369 = arith.constant 53 : i32
      %parallel_loop3A_370 = arith.index_cast %parallel_loop3A_369 : i32 to index
      %parallel_loop3A_371 = arith.index_cast %parallel_loop3A_275 : i32 to index
      %parallel_loop3A_372 = tpu.vector_load %arg10[%parallel_loop3A_370, %parallel_loop3A_371] {strides = array<i32>} : memref<64x512xf32, #tpu.memory_space<vmem>>, vector<16xf32>,
      %parallel_loop3A_373 = arith.mulf %parallel_loop3A_360, %parallel_loop3A_354 : vector<16xf32>
      %parallel_loop3A_374 = arith.mulf %parallel_loop3A_373, %parallel_loop3A_364 : vector<16xf32>
      %parallel_loop3A_375 = arith.mulf %parallel_loop3A_368, %parallel_loop3A_356 : vector<16xf32>
      %parallel_loop3A_376 = arith.mulf %parallel_loop3A_375, %parallel_loop3A_372 : vector<16xf32>
      %parallel_loop3A_377 = arith.addf %parallel_loop3A_374, %parallel_loop3A_376 : vector<16xf32>
      %parallel_loop3A_378 = arith.addf %parallel_loop3A_283, %parallel_loop3A_377 : vector<16xf32>
      %parallel_loop3A_379 = arith.constant 27 : i32
      %parallel_loop3A_380 = vector.broadcast %parallel_loop3A_379 : i32 to vector<16xi32>
      %parallel_loop3A_381 = tpu.vector_load_idx %arg8[%parallel_loop3A_380, %parallel_loop3A_277] : memref<32x1000xi32, #tpu.memory_space<vmem>>[vector<16xi32>, vector<16xi32>], vector<16xi32>,
      %parallel_loop3A_382 = arith.constant 16 : i32
      %parallel_loop3A_383 = vector.broadcast %parallel_loop3A_382 : i32 to vector<16xi32>
      %parallel_loop3A_384 = arith.shli %parallel_loop3A_381, %parallel_loop3A_383 : vector<16xi32>
      %parallel_loop3A_385 = vector.bitcast %parallel_loop3A_384 : vector<16xi32> to vector<16xf32>
      %parallel_loop3A_386 = arith.andi %parallel_loop3A_381, %broadcast_in_dim3A_132 : vector<16xi32>
      %parallel_loop3A_387 = vector.bitcast %parallel_loop3A_386 : vector<16xi32> to vector<16xf32>
      %parallel_loop3A_388 = arith.constant 54 : i32
      %parallel_loop3A_389 = arith.index_cast %parallel_loop3A_388 : i32 to index
      %parallel_loop3A_390 = arith.index_cast %parallel_loop3A_275 : i32 to index
      %parallel_loop3A_391 = tpu.vector_load %arg9[%parallel_loop3A_389, %parallel_loop3A_390] {strides = array<i32>} : memref<64x512xf32, #tpu.memory_space<vmem>>, vector<16xf32>,
      %parallel_loop3A_392 = arith.constant 54 : i32
      %parallel_loop3A_393 = arith.index_cast %parallel_loop3A_392 : i32 to index
      %parallel_loop3A_394 = arith.index_cast %parallel_loop3A_275 : i32 to index
      %parallel_loop3A_395 = tpu.vector_load %arg10[%parallel_loop3A_393, %parallel_loop3A_394] {strides = array<i32>} : memref<64x512xf32, #tpu.memory_space<vmem>>, vector<16xf32>,
      %parallel_loop3A_396 = arith.constant 55 : i32
      %parallel_loop3A_397 = arith.index_cast %parallel_loop3A_396 : i32 to index
      %parallel_loop3A_398 = arith.index_cast %parallel_loop3A_275 : i32 to index
      %parallel_loop3A_399 = tpu.vector_load %arg9[%parallel_loop3A_397, %parallel_loop3A_398] {strides = array<i32>} : memref<64x512xf32, #tpu.memory_space<vmem>>, vector<16xf32>,
      %parallel_loop3A_400 = arith.constant 55 : i32
      %parallel_loop3A_401 = arith.index_cast %parallel_loop3A_400 : i32 to index
      %parallel_loop3A_402 = arith.index_cast %parallel_loop3A_275 : i32 to index
      %parallel_loop3A_403 = tpu.vector_load %arg10[%parallel_loop3A_401, %parallel_loop3A_402] {strides = array<i32>} : memref<64x512xf32, #tpu.memory_space<vmem>>, vector<16xf32>,
      %parallel_loop3A_404 = arith.mulf %parallel_loop3A_391, %parallel_loop3A_385 : vector<16xf32>
      %parallel_loop3A_405 = arith.mulf %parallel_loop3A_404, %parallel_loop3A_395 : vector<16xf32>
      %parallel_loop3A_406 = arith.mulf %parallel_loop3A_399, %parallel_loop3A_387 : vector<16xf32>
      %parallel_loop3A_407 = arith.mulf %parallel_loop3A_406, %parallel_loop3A_403 : vector<16xf32>
      %parallel_loop3A_408 = arith.addf %parallel_loop3A_405, %parallel_loop3A_407 : vector<16xf32>
      %parallel_loop3A_409 = arith.addf %parallel_loop3A_285, %parallel_loop3A_408 : vector<16xf32>
      %parallel_loop3A_410 = arith.constant 28 : i32
      %parallel_loop3A_411 = vector.broadcast %parallel_loop3A_410 : i32 to vector<16xi32>
      %parallel_loop3A_412 = tpu.vector_load_idx %arg8[%parallel_loop3A_411, %parallel_loop3A_277] : memref<32x1000xi32, #tpu.memory_space<vmem>>[vector<16xi32>, vector<16xi32>], vector<16xi32>,
      %parallel_loop3A_413 = arith.constant 16 : i32
      %parallel_loop3A_414 = vector.broadcast %parallel_loop3A_413 : i32 to vector<16xi32>
      %parallel_loop3A_415 = arith.shli %parallel_loop3A_412, %parallel_loop3A_414 : vector<16xi32>
      %parallel_loop3A_416 = vector.bitcast %parallel_loop3A_415 : vector<16xi32> to vector<16xf32>
      %parallel_loop3A_417 = arith.andi %parallel_loop3A_412, %broadcast_in_dim3A_132 : vector<16xi32>
      %parallel_loop3A_418 = vector.bitcast %parallel_loop3A_417 : vector<16xi32> to vector<16xf32>
      %parallel_loop3A_419 = arith.constant 56 : i32
      %parallel_loop3A_420 = arith.index_cast %parallel_loop3A_419 : i32 to index
      %parallel_loop3A_421 = arith.index_cast %parallel_loop3A_275 : i32 to index
      %parallel_loop3A_422 = tpu.vector_load %arg9[%parallel_loop3A_420, %parallel_loop3A_421] {strides = array<i32>} : memref<64x512xf32, #tpu.memory_space<vmem>>, vector<16xf32>,
      %parallel_loop3A_423 = arith.constant 56 : i32
      %parallel_loop3A_424 = arith.index_cast %parallel_loop3A_423 : i32 to index
      %parallel_loop3A_425 = arith.index_cast %parallel_loop3A_275 : i32 to index
      %parallel_loop3A_426 = tpu.vector_load %arg10[%parallel_loop3A_424, %parallel_loop3A_425] {strides = array<i32>} : memref<64x512xf32, #tpu.memory_space<vmem>>, vector<16xf32>,
      %parallel_loop3A_427 = arith.constant 57 : i32
      %parallel_loop3A_428 = arith.index_cast %parallel_loop3A_427 : i32 to index
      %parallel_loop3A_429 = arith.index_cast %parallel_loop3A_275 : i32 to index
      %parallel_loop3A_430 = tpu.vector_load %arg9[%parallel_loop3A_428, %parallel_loop3A_429] {strides = array<i32>} : memref<64x512xf32, #tpu.memory_space<vmem>>, vector<16xf32>,
      %parallel_loop3A_431 = arith.constant 57 : i32
      %parallel_loop3A_432 = arith.index_cast %parallel_loop3A_431 : i32 to index
      %parallel_loop3A_433 = arith.index_cast %parallel_loop3A_275 : i32 to index
      %parallel_loop3A_434 = tpu.vector_load %arg10[%parallel_loop3A_432, %parallel_loop3A_433] {strides = array<i32>} : memref<64x512xf32, #tpu.memory_space<vmem>>, vector<16xf32>,
      %parallel_loop3A_435 = arith.mulf %parallel_loop3A_422, %parallel_loop3A_416 : vector<16xf32>
      %parallel_loop3A_436 = arith.mulf %parallel_loop3A_435, %parallel_loop3A_426 : vector<16xf32>
      %parallel_loop3A_437 = arith.mulf %parallel_loop3A_430, %parallel_loop3A_418 : vector<16xf32>
      %parallel_loop3A_438 = arith.mulf %parallel_loop3A_437, %parallel_loop3A_434 : vector<16xf32>
      %parallel_loop3A_439 = arith.addf %parallel_loop3A_436, %parallel_loop3A_438 : vector<16xf32>
      %parallel_loop3A_440 = arith.addf %parallel_loop3A_316, %parallel_loop3A_439 : vector<16xf32>
      %parallel_loop3A_441 = arith.constant 29 : i32
      %parallel_loop3A_442 = vector.broadcast %parallel_loop3A_441 : i32 to vector<16xi32>
      %parallel_loop3A_443 = tpu.vector_load_idx %arg8[%parallel_loop3A_442, %parallel_loop3A_277] : memref<32x1000xi32, #tpu.memory_space<vmem>>[vector<16xi32>, vector<16xi32>], vector<16xi32>,
      %parallel_loop3A_444 = arith.constant 16 : i32
      %parallel_loop3A_445 = vector.broadcast %parallel_loop3A_444 : i32 to vector<16xi32>
      %parallel_loop3A_446 = arith.shli %parallel_loop3A_443, %parallel_loop3A_445 : vector<16xi32>
      %parallel_loop3A_447 = vector.bitcast %parallel_loop3A_446 : vector<16xi32> to vector<16xf32>
      %parallel_loop3A_448 = arith.andi %parallel_loop3A_443, %broadcast_in_dim3A_132 : vector<16xi32>
      %parallel_loop3A_449 = vector.bitcast %parallel_loop3A_448 : vector<16xi32> to vector<16xf32>
      %parallel_loop3A_450 = arith.constant 58 : i32
      %parallel_loop3A_451 = arith.index_cast %parallel_loop3A_450 : i32 to index
      %parallel_loop3A_452 = arith.index_cast %parallel_loop3A_275 : i32 to index
      %parallel_loop3A_453 = tpu.vector_load %arg9[%parallel_loop3A_451, %parallel_loop3A_452] {strides = array<i32>} : memref<64x512xf32, #tpu.memory_space<vmem>>, vector<16xf32>,
      %parallel_loop3A_454 = arith.constant 58 : i32
      %parallel_loop3A_455 = arith.index_cast %parallel_loop3A_454 : i32 to index
      %parallel_loop3A_456 = arith.index_cast %parallel_loop3A_275 : i32 to index
      %parallel_loop3A_457 = tpu.vector_load %arg10[%parallel_loop3A_455, %parallel_loop3A_456] {strides = array<i32>} : memref<64x512xf32, #tpu.memory_space<vmem>>, vector<16xf32>,
      %parallel_loop3A_458 = arith.constant 59 : i32
      %parallel_loop3A_459 = arith.index_cast %parallel_loop3A_458 : i32 to index
      %parallel_loop3A_460 = arith.index_cast %parallel_loop3A_275 : i32 to index
      %parallel_loop3A_461 = tpu.vector_load %arg9[%parallel_loop3A_459, %parallel_loop3A_460] {strides = array<i32>} : memref<64x512xf32, #tpu.memory_space<vmem>>, vector<16xf32>,
      %parallel_loop3A_462 = arith.constant 59 : i32
      %parallel_loop3A_463 = arith.index_cast %parallel_loop3A_462 : i32 to index
      %parallel_loop3A_464 = arith.index_cast %parallel_loop3A_275 : i32 to index
      %parallel_loop3A_465 = tpu.vector_load %arg10[%parallel_loop3A_463, %parallel_loop3A_464] {strides = array<i32>} : memref<64x512xf32, #tpu.memory_space<vmem>>, vector<16xf32>,
      %parallel_loop3A_466 = arith.mulf %parallel_loop3A_453, %parallel_loop3A_447 : vector<16xf32>
      %parallel_loop3A_467 = arith.mulf %parallel_loop3A_466, %parallel_loop3A_457 : vector<16xf32>
      %parallel_loop3A_468 = arith.mulf %parallel_loop3A_461, %parallel_loop3A_449 : vector<16xf32>
      %parallel_loop3A_469 = arith.mulf %parallel_loop3A_468, %parallel_loop3A_465 : vector<16xf32>
      %parallel_loop3A_470 = arith.addf %parallel_loop3A_467, %parallel_loop3A_469 : vector<16xf32>
      %parallel_loop3A_471 = arith.addf %parallel_loop3A_347, %parallel_loop3A_470 : vector<16xf32>
      %parallel_loop3A_472 = arith.constant 30 : i32
      %parallel_loop3A_473 = vector.broadcast %parallel_loop3A_472 : i32 to vector<16xi32>
      %parallel_loop3A_474 = tpu.vector_load_idx %arg8[%parallel_loop3A_473, %parallel_loop3A_277] : memref<32x1000xi32, #tpu.memory_space<vmem>>[vector<16xi32>, vector<16xi32>], vector<16xi32>,
      %parallel_loop3A_475 = arith.constant 16 : i32
      %parallel_loop3A_476 = vector.broadcast %parallel_loop3A_475 : i32 to vector<16xi32>
      %parallel_loop3A_477 = arith.shli %parallel_loop3A_474, %parallel_loop3A_476 : vector<16xi32>
      %parallel_loop3A_478 = vector.bitcast %parallel_loop3A_477 : vector<16xi32> to vector<16xf32>
      %parallel_loop3A_479 = arith.andi %parallel_loop3A_474, %broadcast_in_dim3A_132 : vector<16xi32>
      %parallel_loop3A_480 = vector.bitcast %parallel_loop3A_479 : vector<16xi32> to vector<16xf32>
      %parallel_loop3A_481 = arith.constant 60 : i32
      %parallel_loop3A_482 = arith.index_cast %parallel_loop3A_481 : i32 to index
      %parallel_loop3A_483 = arith.index_cast %parallel_loop3A_275 : i32 to index
      %parallel_loop3A_484 = tpu.vector_load %arg9[%parallel_loop3A_482, %parallel_loop3A_483] {strides = array<i32>} : memref<64x512xf32, #tpu.memory_space<vmem>>, vector<16xf32>,
      %parallel_loop3A_485 = arith.constant 60 : i32
      %parallel_loop3A_486 = arith.index_cast %parallel_loop3A_485 : i32 to index
      %parallel_loop3A_487 = arith.index_cast %parallel_loop3A_275 : i32 to index
      %parallel_loop3A_488 = tpu.vector_load %arg10[%parallel_loop3A_486, %parallel_loop3A_487] {strides = array<i32>} : memref<64x512xf32, #tpu.memory_space<vmem>>, vector<16xf32>,
      %parallel_loop3A_489 = arith.constant 61 : i32
      %parallel_loop3A_490 = arith.index_cast %parallel_loop3A_489 : i32 to index
      %parallel_loop3A_491 = arith.index_cast %parallel_loop3A_275 : i32 to index
      %parallel_loop3A_492 = tpu.vector_load %arg9[%parallel_loop3A_490, %parallel_loop3A_491] {strides = array<i32>} : memref<64x512xf32, #tpu.memory_space<vmem>>, vector<16xf32>,
      %parallel_loop3A_493 = arith.constant 61 : i32
      %parallel_loop3A_494 = arith.index_cast %parallel_loop3A_493 : i32 to index
      %parallel_loop3A_495 = arith.index_cast %parallel_loop3A_275 : i32 to index
      %parallel_loop3A_496 = tpu.vector_load %arg10[%parallel_loop3A_494, %parallel_loop3A_495] {strides = array<i32>} : memref<64x512xf32, #tpu.memory_space<vmem>>, vector<16xf32>,
      %parallel_loop3A_497 = arith.mulf %parallel_loop3A_484, %parallel_loop3A_478 : vector<16xf32>
      %parallel_loop3A_498 = arith.mulf %parallel_loop3A_497, %parallel_loop3A_488 : vector<16xf32>
      %parallel_loop3A_499 = arith.mulf %parallel_loop3A_492, %parallel_loop3A_480 : vector<16xf32>
      %parallel_loop3A_500 = arith.mulf %parallel_loop3A_499, %parallel_loop3A_496 : vector<16xf32>
      %parallel_loop3A_501 = arith.addf %parallel_loop3A_498, %parallel_loop3A_500 : vector<16xf32>
      %parallel_loop3A_502 = arith.addf %parallel_loop3A_378, %parallel_loop3A_501 : vector<16xf32>
      %parallel_loop3A_503 = arith.constant 31 : i32
      %parallel_loop3A_504 = vector.broadcast %parallel_loop3A_503 : i32 to vector<16xi32>
      %parallel_loop3A_505 = tpu.vector_load_idx %arg8[%parallel_loop3A_504, %parallel_loop3A_277] : memref<32x1000xi32, #tpu.memory_space<vmem>>[vector<16xi32>, vector<16xi32>], vector<16xi32>,
      %parallel_loop3A_506 = arith.constant 16 : i32
      %parallel_loop3A_507 = vector.broadcast %parallel_loop3A_506 : i32 to vector<16xi32>
      %parallel_loop3A_508 = arith.shli %parallel_loop3A_505, %parallel_loop3A_507 : vector<16xi32>
      %parallel_loop3A_509 = vector.bitcast %parallel_loop3A_508 : vector<16xi32> to vector<16xf32>
      %parallel_loop3A_510 = arith.andi %parallel_loop3A_505, %broadcast_in_dim3A_132 : vector<16xi32>
      %parallel_loop3A_511 = vector.bitcast %parallel_loop3A_510 : vector<16xi32> to vector<16xf32>
      %parallel_loop3A_512 = arith.constant 62 : i32
      %parallel_loop3A_513 = arith.index_cast %parallel_loop3A_512 : i32 to index
      %parallel_loop3A_514 = arith.index_cast %parallel_loop3A_275 : i32 to index
      %parallel_loop3A_515 = tpu.vector_load %arg9[%parallel_loop3A_513, %parallel_loop3A_514] {strides = array<i32>} : memref<64x512xf32, #tpu.memory_space<vmem>>, vector<16xf32>,
      %parallel_loop3A_516 = arith.constant 62 : i32
      %parallel_loop3A_517 = arith.index_cast %parallel_loop3A_516 : i32 to index
      %parallel_loop3A_518 = arith.index_cast %parallel_loop3A_275 : i32 to index
      %parallel_loop3A_519 = tpu.vector_load %arg10[%parallel_loop3A_517, %parallel_loop3A_518] {strides = array<i32>} : memref<64x512xf32, #tpu.memory_space<vmem>>, vector<16xf32>,
      %parallel_loop3A_520 = arith.constant 63 : i32
      %parallel_loop3A_521 = arith.index_cast %parallel_loop3A_520 : i32 to index
      %parallel_loop3A_522 = arith.index_cast %parallel_loop3A_275 : i32 to index
      %parallel_loop3A_523 = tpu.vector_load %arg9[%parallel_loop3A_521, %parallel_loop3A_522] {strides = array<i32>} : memref<64x512xf32, #tpu.memory_space<vmem>>, vector<16xf32>,
      %parallel_loop3A_524 = arith.constant 63 : i32
      %parallel_loop3A_525 = arith.index_cast %parallel_loop3A_524 : i32 to index
      %parallel_loop3A_526 = arith.index_cast %parallel_loop3A_275 : i32 to index
      %parallel_loop3A_527 = tpu.vector_load %arg10[%parallel_loop3A_525, %parallel_loop3A_526] {strides = array<i32>} : memref<64x512xf32, #tpu.memory_space<vmem>>, vector<16xf32>,
      %parallel_loop3A_528 = arith.mulf %parallel_loop3A_515, %parallel_loop3A_509 : vector<16xf32>
      %parallel_loop3A_529 = arith.mulf %parallel_loop3A_528, %parallel_loop3A_519 : vector<16xf32>
      %parallel_loop3A_530 = arith.mulf %parallel_loop3A_523, %parallel_loop3A_511 : vector<16xf32>
      %parallel_loop3A_531 = arith.mulf %parallel_loop3A_530, %parallel_loop3A_527 : vector<16xf32>
      %parallel_loop3A_532 = arith.addf %parallel_loop3A_529, %parallel_loop3A_531 : vector<16xf32>
      %parallel_loop3A_533 = arith.addf %parallel_loop3A_409, %parallel_loop3A_532 : vector<16xf32>
      %parallel_loop3A_534 = arith.addf %parallel_loop3A_440, %parallel_loop3A_471 : vector<16xf32>
      %parallel_loop3A_535 = arith.addf %parallel_loop3A_502, %parallel_loop3A_533 : vector<16xf32>
      %parallel_loop3A_536 = arith.addf %parallel_loop3A_534, %parallel_loop3A_535 : vector<16xf32>
      %parallel_loop3A_537 = arith.index_cast %parallel_loop3A_275 : i32 to index
      %parallel_loop3A_538 = tpu.vector_load %arg11[%parallel_loop3A_537] {strides = array<i32>} : memref<512xf32, #tpu.memory_space<vmem>>, vector<16xf32>,
      %parallel_loop3A_539 = arith.addf %parallel_loop3A_536, %parallel_loop3A_538 : vector<16xf32>
      %parallel_loop3A_540 = arith.index_cast %parallel_loop3A_275 : i32 to index
      %parallel_loop3A_541 = tpu.vector_load %arg11[%parallel_loop3A_540] {strides = array<i32>} : memref<512xf32, #tpu.memory_space<vmem>>, vector<16xf32>,
      tpu.vector_store %arg11[%parallel_loop3A_540], %parallel_loop3A_539 {strides = array<i32>} : memref<512xf32, #tpu.memory_space<vmem>>, vector<16xf32>,
    } {sc.loop_unroll_factor = 2 : i64, sc.parallel_access}
    "tpu.trace_stop"() : () -> ()
    "tpu.region"() ({
      %run_scoped3A = tpu.sem_alloc : memref<!tpu.dma_semaphore, #tpu.memory_space<semaphore_mem>>
      %dma_start3A_273 = tpu.memref_slice %arg6[%mul3A_2] : memref<16384xf32, #tpu.memory_space<hbm>> -> memref<512xf32, #tpu.memory_space<hbm>>
      %dma_start3A_274 = tpu.memref_slice %arg6[%mul3A_2] : memref<16384xf32, #tpu.memory_space<hbm>> -> memref<512xf32, #tpu.memory_space<hbm>>
      tpu.enqueue_dma source(%arg11 : memref<512xf32, #tpu.memory_space<vmem>>) target(%dma_start3A_274 : memref<512xf32, #tpu.memory_space<hbm>>) target_semaphore(%run_scoped3A : memref<!tpu.dma_semaphore, #tpu.memory_space<semaphore_mem>>)
      %dma_wait3A_275 = tpu.memref_slice %arg6[%mul3A_2] : memref<16384xf32, #tpu.memory_space<hbm>> -> memref<512xf32, #tpu.memory_space<hbm>>
      %dma_wait3A_276 = tpu.memref_slice %arg6[%mul3A_2] : memref<16384xf32, #tpu.memory_space<hbm>> -> memref<512xf32, #tpu.memory_space<hbm>>
      tpu.wait_dma2 semaphore(%run_scoped3A : memref<!tpu.dma_semaphore, #tpu.memory_space<semaphore_mem>>) src(%arg11 : memref<512xf32, #tpu.memory_space<vmem>>) dst(%dma_wait3A_276 : memref<512xf32, #tpu.memory_space<hbm>>)
      tpu.yield
    }) : () -> ()
    return
  }
}

</mosaic_0001>

<sc_bundles>
// kernel: kernel.3.cloned.1.call-start
scs
__scs_entry_jumppad:
0x0: {  	(pc) =	sbr.rel $0x88, $3  }
0x1: {  	(tag) =	ssettag $0x0;
	lr =	simm.s32 $0x1  }
0x2: {  	[smem:$0x3F9D] =	sst lr;
	_ =	strace $0xD0000000  }
0x3: {  	_ = 	snop  }
0x4: {  	_ = 	snop  }
0x5: {  	_ = 	snop  }
0x6: {  	_ = 	snop  }
0x7: {  	_ = 	snop  }
__scs_overlays_trampoline_lowered:
0x8: {  	[smem:$0x3FAC] =	sst s0  }
0x9: {  	[smem:$0x3FAD] =	sst s1  }
0xa: {  	[smem:$0x3FAE] =	sst s2  }
0xb: {  	[smem:$0x3FAF] =	sst s3  }
0xc: {  	[smem:$0x3FB0] =	sst s4  }
0xd: {  	[smem:$0x3FB1] =	sst s5  }
0xe: {  	[smem:$0x3FB2] =	sst s6  }
0xf: {  	[smem:$0x3FB3] =	sst s7  }
0x10: {  	[smem:$0x3FB4] =	sst s8  }
0x11: {  	[smem:$0x3FB5] =	sst s9;
	s0 =	simm.s32 @!p0 $0x0  }
0x12: {  	s1 =	sld [smem:$0x3F9B];
	s0 =	simm.s32 @p0 $0x1  }
0x13: {  	[smem:$0x3FB6] =	sst s0;
	s0 =	simm.s32 @!p1 $0x0  }
0x14: {  	s2 =	sld [smem:$0x3F9A];
	s0 =	simm.s32 @p1 $0x1  }
0x15: {  	[smem:$0x3FB7] =	sst s0;
	s0 =	simm.s32 @!p2 $0x0  }
0x16: {  	s3 =	sld [smem:$0x3FDB];
	s0 =	simm.s32 @p2 $0x1  }
0x17: {  	s4 =	simm.s32 $0x1BF5;
	[smem:$0x3FB9] =	sst s0  }
0x18: {  	s0 =	sld [smem:$0x3F9C];
	_ =	swait.ge [sflag:s4], $0x0  }
0x19: {  	s7 =	sld [smem:$0x3F9D]  }
0x1a: {  	s8 =	sadd.s32 $0xFFFFE003, lr  }
0x1b: {  	s9 =	sadd.s32 $0xFFFFFEF7, lr;
	s5 =	simm.s32 $0xFFFFFFFF;
	p2 =	slt.u32 s8, $0xFFFFF086  }
0x1c: {  	p1 =	slt.u32 s9, $0xF7A;
	s5 =	simm.s32 @!p2 $0x0  }
0x1d: {  	s5 =	simm.s32 @p1 $0x1;
	p0 =	seq.s32 s7, s2  }
0x1e: {  	s7 =	smul.u32 @!p0 $0xF7A, s2;
	p2 =	seq.s32 @!p0 s5, $0x0  }
0x1f: {  	s9 =	smul.u32 $0xF7A, s1;
	s8 =	simm.s32 @!p0 $0x1BF5;
	p2 =	por !p2, p0  }
0x20: {  	[sflag:s8] =	ssyncset.s32 @!p0 $0xFFFFF086;
	s6 =	sadd.s32 @!p0 s3, s7;
	s7 =	simm.s32 @!p0 $0x108  }
0x21: {  	s3 =	sadd.s32 s3, s9;
	s6 =	sadd.s32 @!p0 $0x88, s6;
	s7 =	simm.s32 @p2 $0x1082  }
0x22: {  	[simem:s7], [sflag:s8] =	dma.local @!p0 [hbm:s6], $0xF7A  }
0x23: {  	s9 =	sor.u32 $0xD0000000, s2;
	s6 =	simm.s32 $0x108;
	_ =	swait.ge @!p0 [sflag:s8], $0x0  }
0x24: {  	s3 =	sadd.s32 $0x88, s3;
	s6 =	simm.s32 @!p1 $0x1082;
	[sflag:s4] =	ssyncset.s32 $0xFFFFF086  }
0x25: {  	[simem:s6], [sflag:s4] =	dma.local [hbm:s3], $0xF7A  }
0x26: {  	[smem:$0x3F9D] =	sst s1;
	(tag) =	ssettag s2;
	_ =	strace s9  }
0x27: {  	s1 =	sld [smem:$0x3FAD]  }
0x28: {  	s2 =	sld [smem:$0x3FAE]  }
0x29: {  	s4 =	sld [smem:$0x3FB0]  }
0x2a: {  	p0 =	seq.s32 s5, $0x0;
	s5 =	sld [smem:$0x3FB1]  }
0x2b: {  	s6 =	sld [smem:$0x3FB2]  }
0x2c: {  	s7 =	sld [smem:$0x3FB3]  }
0x2d: {  	s3 =	simm.s32 $0x108;
	s8 =	sld [smem:$0x3FB4]  }
0x2e: {  	s3 =	simm.s32 @!p0 $0x1082;
	s9 =	sld [smem:$0x3FB5]  }
0x2f: {  	lr =	sadd.s32 s0, s3;
	s0 =	sld [smem:$0x3FAC]  }
0x30: {  	s3 =	sld [smem:$0x3FAF]  }
0x31: {  	[smem:$0x3FB8] =	sst s10  }
0x32: {  	s10 =	sld [smem:$0x3FB6];
	_ =	sdelay $0x3  }
0x33: {  	p0 =	seq.s32 s10, $0x1;
	s10 =	sld [smem:$0x3FB8];
	_ =	sdelay $0x3  }
0x34: {  	[smem:$0x3FB8] =	sst s10  }
0x35: {  	s10 =	sld [smem:$0x3FB7];
	_ =	sdelay $0x3  }
0x36: {  	p1 =	seq.s32 s10, $0x1;
	s10 =	sld [smem:$0x3FB8];
	_ =	sdelay $0x3  }
0x37: {  	[smem:$0x3FB8] =	sst s10  }
0x38: {  	s10 =	sld [smem:$0x3FB9]  }
0x39: {  	_ = 	snop;
	(pc) =	sbr.ind lr, $3  }
0x3a: {  	_ = 	snop  }
0x3b: {  	_ = 	snop  }
0x3c: {  	p2 =	seq.s32 s10, $0x1;
	s10 =	sld [smem:$0x3FB8]  }
0x3d: {  	_ =	shalt  }
0x3e: {  	_ =	shalt  }
0x3f: {  	_ =	shalt  }
0x40: {  	_ =	shalt  }
0x41: {  	_ =	shalt  }
0x42: {  	_ =	shalt  }
0x43: {  	_ =	shalt  }
0x44: {  	_ =	shalt  }
0x45: {  	_ =	shalt  }
0x46: {  	_ =	shalt  }
0x47: {  	_ =	shalt  }
0x48: {  	_ =	shalt  }
0x49: {  	_ =	shalt  }
0x4a: {  	_ =	shalt  }
0x4b: {  	_ =	shalt  }
0x4c: {  	_ =	shalt  }
0x4d: {  	_ =	shalt  }
0x4e: {  	_ =	shalt  }
0x4f: {  	_ =	shalt  }
0x50: {  	_ =	shalt  }
0x51: {  	_ =	shalt  }
0x52: {  	_ =	shalt  }
0x53: {  	_ =	shalt  }
0x54: {  	_ =	shalt  }
0x55: {  	_ =	shalt  }
0x56: {  	_ =	shalt  }
0x57: {  	_ =	shalt  }
0x58: {  	_ =	shalt  }
0x59: {  	_ =	shalt  }
0x5a: {  	_ =	shalt  }
0x5b: {  	_ =	shalt  }
0x5c: {  	_ =	shalt  }
0x5d: {  	_ =	shalt  }
0x5e: {  	_ =	shalt  }
0x5f: {  	_ =	shalt  }
0x60: {  	_ =	shalt  }
0x61: {  	_ =	shalt  }
0x62: {  	_ =	shalt  }
0x63: {  	_ =	shalt  }
0x64: {  	_ =	shalt  }
0x65: {  	_ =	shalt  }
0x66: {  	_ =	shalt  }
0x67: {  	_ =	shalt  }
0x68: {  	_ =	shalt  }
0x69: {  	_ =	shalt  }
0x6a: {  	_ =	shalt  }
0x6b: {  	_ =	shalt  }
0x6c: {  	_ =	shalt  }
0x6d: {  	_ =	shalt  }
0x6e: {  	_ =	shalt  }
0x6f: {  	_ =	shalt  }
0x70: {  	_ =	shalt  }
0x71: {  	_ =	shalt  }
0x72: {  	_ =	shalt  }
0x73: {  	_ =	shalt  }
0x74: {  	_ =	shalt  }
0x75: {  	_ =	shalt  }
0x76: {  	_ =	shalt  }
0x77: {  	_ =	shalt  }
0x78: {  	_ =	shalt  }
0x79: {  	_ =	shalt  }
0x7a: {  	_ =	shalt  }
0x7b: {  	_ =	shalt  }
0x7c: {  	_ =	shalt  }
0x7d: {  	_ =	shalt  }
0x7e: {  	_ =	shalt  }
0x7f: {  	_ =	shalt  }
0x80: {  	_ =	shalt  }
0x81: {  	_ =	shalt  }
0x82: {  	_ =	shalt  }
0x83: {  	_ =	shalt  }
0x84: {  	_ =	shalt  }
0x85: {  	_ =	shalt  }
0x86: {  	_ =	shalt  }
0x87: {  	_ =	shalt  }
.Lfunc_end0:
.L_simem_size_0:
called_computation_lowered:
.L_overlay_start_0:
0x88: {  	s2 =	sld [smem:$0x3FD9]  }
0x89: {  	s3 =	sld [smem:$0x3FFE];
	_ =	sdelay $0x1  }
0x8a: {  	s1 =	srdreg.scid  }
0x8b: {  	s0 =	sand.u32 $0x1, s1  }
0x8c: {  	s17 =	sshll.u32 s0, $0xA;
	s2 =	sadd.s32 s3, s2  }
0x8d: {  	s2 =	sadd.s32 s2, s17  }
0x8e: {  	[smem:$0x3FC4] =	sst s2  }
0x8f: {  	_ = 	snop  }
0x90: {  	s2 =	sld [smem:$0x3FC9]  }
0x91: {  	s18 =	sld [smem:$0x3FC8]  }
0x92: {  	s4 =	sld [smem:$0x3FC7]  }
0x93: {  	s5 =	sld [smem:$0x3FD0];
	(tm) =	ssettm $0x1  }
0x94: {  	s6 =	sld [smem:$0x3FFB];
	_ =	sdelay $0x3  }
0x95: {  	_ =	strace s6  }
0x96: {  	s6 =	sld [smem:$0x3FFC];
	_ =	sdelay $0x3  }
0x97: {  	_ =	strace s6  }
0x98: {  	s6 =	sld [smem:$0x3FFD];
	_ =	sdelay $0x3  }
0x99: {  	_ =	strace s6  }
0x9a: {  	_ =	strace $0x8FFFFFFF  }
0x9b: {  	s19 =	sld [smem:$0x3FDB];
	_ =	sdelay $0x1  }
0x9c: {  	s7 =	simm.s32 $_scs_section_size  }
0x9d: {  	s8 =	simm.s32 $_size__tile_overlayer_lowered;
	s9 =	simm.s32 $_tile_overlayer_lowered  }
0x9e: {  	s22 =	simm.s32 $0x1BFF;
	s21 =	sshll.u32 s9, $0x1;
	s6 =	sadd.s32 s7, s19  }
0x9f: {  	s10 =	simm.s32 $0x0;
	s20 =	sshll.u32 s8, $0x1;
	s8 =	sadd.s32 s21, s6  }
0xa0: {  	[timem:s10], [sflag:s22] =	dma.local [hbm:s8], s20  }
0xa1: {  	_ =	swait.ge [sflag:s22], s20  }
0xa2: {  	s7 =	ssub.s32 $0x0, s20;
	[sflag:s22] =	ssyncset.done $0x0  }
0xa3: {  	[sflag:s22] =	ssyncadd.s32 s7;
	_ =	sdelay $0x1  }
0xa4: {  	s23 =	simm.s32 $0x1B8B  }
0xa5: {  	_ =	swait.ge [sflag:s23], $0x1  }
0xa6: {  	[sflag:s23] =	ssyncset.done $0x0  }
0xa7: {  	s25 =	simm.s32 $0x1B8E;
	s24 =	sld [smem:$0x3FFE];
	[sflag:s23] =	ssyncadd.s32 $0xFFFFFFFF  }
0xa8: {  	s26 =	simm.s32 $execute0_lowered;
	[smem:$0x3FD2] =	sst s25  }
0xa9: {  	s8 =	sshll.u32 s26, $0x1;
	_ =	strace $0x80000046;
	[dreg:$0x1] =	wrdreg $0xFFFFFFFF  }
0xaa: {  	s28 =	simm.s32 $_size_execute0_lowered;
	s6 =	sadd.s32 s6, s8;
	[dreg:$0x0] =	wrdreg $0x0  }
0xab: {  	s8 =	sshll.u32 s28, $0x1;
	[dreg:$0x2] =	wrdreg s6  }
0xac: {  	[dreg:$0x3] =	wrdreg s8  }
0xad: {  	[dreg:$0x4] =	wrdreg $0xC0  }
0xae: {  	_ =	task [dreg:s10], $0x5FFFF  }
0xaf: {  	[dreg:$0x1] =	wrdreg $0xFFFFFFFF  }
0xb0: {  	[dreg:$0x0] =	wrdreg $0x60  }
0xb1: {  	[dreg:$0x2] =	wrdreg s2  }
0xb2: {  	[dreg:$0x3] =	wrdreg s18  }
0xb3: {  	[dreg:$0x4] =	wrdreg s4  }
0xb4: {  	[dreg:$0x5] =	wrdreg s24  }
0xb5: {  	[dreg:$0x6] =	wrdreg s5  }
0xb6: {  	[dreg:$0x7] =	wrdreg $0x9  }
0xb7: {  	_ =	task.clear_ibuf [dreg:s10], $0x8FFFF;
	_ =	strace $0x90000046  }
0xb8: {  	s29 =	simm.s32 $0x9;
	_ =	strace $0x80000051  }
0xb9: {  	_ =	swait.ge [sflag:s29], $0x1  }
0xba: {  	[sflag:s29] =	ssyncadd.s32 $0xFFFFFFFF  }
0xbb: {  	_ =	strace $0x90000051  }
0xbc: {  	_ =	sfence  }
0xbd: {  	s30 =	sld [smem:$0x0];
	_ =	sdelay $0x2  }
0xbe: {  	s31 =	sshll.u32 s1, $0xD;
	s1 =	sshrl.u32 s1, $0x2  }
0xbf: {  	s3 =	sand.u32 $0x4000, s31;
	s1 =	sadd.s32 s1, s30  }
0xc0: {  	s0 =	sor.u32 s3, s0;
	s1 =	sshll.u32 s1, $0x11  }
0xc1: {  	s0 =	sor.u32 s1, s0  }
0xc2: {  	s0 =	sadd.s32 $0x8F2B, s0  }
0xc3: {  	[sflag:s0] =	ssyncadd.remote.s32 $0x1  }
0xc4: {  	_ =	sfence.sel $0xFFFF  }
0xc5: {  	[dreg:$0x0] =	wrdreg $0xFFFFFFFF;
	(pc) =	sbr.abs _section_cstart, $3  }
0xc6: {  	[dreg:$0x1] =	wrdreg $0xFFFFFFFF  }
0xc7: {  	_ =	task.clear_ibuf [dreg:s10], $0x2FFFF;
	_ =	strace $0x9FFFFFFF  }
0xc8: {  	(tm) =	ssettm $0x7FFFFFFF  }
0xc9: {  	_ =	shalt  }
tec
execute0_lowered:
.L_overlay_start_1:
0x0: {  	(tag) =	ssettag $0x1  }
0x1: {  	s0 =	rddreg [dreg:$0x0]  }
0x2: {  	s1 =	rddreg [dreg:$0x1]  }
0x3: {  	s3 =	rddreg [dreg:$0x2]  }
0x4: {  	s4 =	rddreg [dreg:$0x3]  }
0x5: {  	s5 =	rddreg [dreg:$0x4]  }
0x6: {  	s2 =	simm.s32 $0x0;
	s6 =	srdreg.scid;
	s8 =	stileid.u32  }
0x7: {  	s28 =	simm.s32 $0x0;
	[smem:$0x7FF] =	sst s2;
	s18 =	sadd.s32 $0x400, s4  }
0x8: {  	s23 =	sadd.s32 $0x800, s4;
	_ =	strace $0x80000047;
	[dreg:$0x6] =	wrdreg s18  }
0x9: {  	s6 =	sand.u32 $0x1, s6;
	s25 =	sadd.s32 $0xC00, s4;
	[dreg:$0xa] =	wrdreg s23  }
0xa: {  	s8 =	sshll.u32 s8, $0xA;
	s4 =	sadd.s32 $0x1000, s4;
	[dreg:$0xd] =	wrdreg s25  }
0xb: {  	s7 =	ssub.s32 $0x2, s6;
	s6 =	sshll.u32 s6, $0x9;
	[dreg:$0x10] =	wrdreg s4  }
0xc: {  	s18 =	simm.s32 $0x200;
	s9 =	sshrl.u32 s7, $0x1;
	s6 =	sor.u32 s6, s8  }
0xd: {  	s23 =	simm.s32 $0x4;
	s7 =	ssub.s32 s7, s9;
	s19 =	sshrl.u32 s6, $0x3  }
0xe: {  	s20 =	sadd.s32 s0, s6;
	s21 =	sor.u32 $0x8000, s6;
	s22 =	sadd.s32 s1, s6  }
0xf: {  	s26 =	sor.u32 $0x10000, s6;
	s30 =	sor.u32 $0x18000, s6;
	[dreg:$0x8] =	wrdreg s20  }
0x10: {  	s3 =	sadd.s32 s3, s19;
	[dreg:$0x9] =	wrdreg s22;
	s24 =	sadd.s32 s0, s21  }
0x11: {  	s29 =	sadd.s32 s0, s26;
	s0 =	sadd.s32 s0, s30;
	[dreg:$0x7] =	wrdreg s3  }
0x12: {  	s31 =	sadd.s32 s1, s30;
	s16 =	sadd.s32 s5, s19;
	[dreg:$0xb] =	wrdreg s24  }
0x13: {  	s17 =	smax.u32 s7, $0x1;
	s19 =	simm.s32 $0x1000;
	[dreg:$0xe] =	wrdreg s29  }
0x14: {  	s20 =	simm.s32 $0x20000;
	s22 =	simm.s32 $0x3;
	[dreg:$0x11] =	wrdreg s0  }
0x15: {  	s3 =	sadd.s32 s1, s21;
	[dreg:$0x12] =	wrdreg s31;
	s21 =	simm.s32 $0x2  }
0x16: {  	s24 =	simm.s32 $0x5;
	[dreg:$0xc] =	wrdreg s3;
	s3 =	sadd.s32 s1, s26  }
0x17: {  	s1 =	simm.s32 $0x1;
	s26 =	simm.s32 $0x6;
	[dreg:$0xf] =	wrdreg s3  }
.LBB2_1:
0x18: {  	s0 =	rddreg [dreg:$0x7]  }
0x19: {  	[tilespmem:s2], [sflag:$0x1] =	stream.linear.gather [hbm4b:s0+s2], $0x200, $0x38;
	[tilespmem:$0x18400] =	vst v63  }
0x1a: {  	s7 =	rddreg [dreg:$0x6]  }
0x1b: {  	[tilespmem:s18], [sflag:$0x2] =	stream.linear.gather [hbm4b:s7+s2], $0x2000, $0x38;
	[tilespmem:$0x18400] =	vst v63  }
0x1c: {  	s8 =	rddreg [dreg:$0x8];
	s3 =	simm.s32 $0x8200  }
0x1d: {  	[tilespmem:s3], [sflag:$0x2] =	stream.strided.gather [hbm4b:s8+s19], $0x2000, s20, s19, $0x38;
	[tilespmem:$0x18400] =	vst v63  }
0x1e: {  	s9 =	rddreg [dreg:$0x9];
	s10 =	simm.s32 $0x10200  }
0x1f: {  	[tilespmem:s10], [sflag:$0x2] =	stream.strided.gather [hbm4b:s9+s19], $0x2000, s20, s19, $0x38;
	[tilespmem:$0x18400] =	vst v63  }
0x20: {  	s11 =	rddreg [dreg:$0xa];
	s12 =	simm.s32 $0x2200  }
0x21: {  	[tilespmem:s12], [sflag:$0x3] =	stream.linear.gather [hbm4b:s11+s2], $0x2000, $0x38;
	[tilespmem:$0x18400] =	vst v63  }
0x22: {  	s13 =	rddreg [dreg:$0xb];
	s14 =	simm.s32 $0xA200  }
0x23: {  	[tilespmem:s14], [sflag:$0x3] =	stream.strided.gather [hbm4b:s13+s19], $0x2000, s20, s19, $0x38;
	[tilespmem:$0x18400] =	vst v63  }
0x24: {  	s15 =	rddreg [dreg:$0xc];
	s25 =	simm.s32 $0x12200  }
0x25: {  	[tilespmem:s25], [sflag:$0x3] =	stream.strided.gather [hbm4b:s15+s19], $0x2000, s20, s19, $0x38;
	[tilespmem:$0x18400] =	vst v63  }
0x26: {  	s4 =	simm.s32 $0x4200;
	s3 =	rddreg [dreg:$0xd]  }
0x27: {  	[tilespmem:s4], [sflag:$0x4] =	stream.linear.gather [hbm4b:s3+s2], $0x2000, $0x38;
	[tilespmem:$0x18400] =	vst v63  }
0x28: {  	s5 =	rddreg [dreg:$0xe];
	s6 =	simm.s32 $0xC200  }
0x29: {  	[tilespmem:s6], [sflag:$0x4] =	stream.strided.gather [hbm4b:s5+s19], $0x2000, s20, s19, $0x38;
	[tilespmem:$0x18400] =	vst v63  }
0x2a: {  	s7 =	rddreg [dreg:$0xf];
	s8 =	simm.s32 $0x14200  }
0x2b: {  	[tilespmem:s8], [sflag:$0x4] =	stream.strided.gather [hbm4b:s7+s19], $0x2000, s20, s19, $0x38;
	[tilespmem:$0x18400] =	vst v63  }
0x2c: {  	s9 =	rddreg [dreg:$0x10];
	s10 =	simm.s32 $0x6200  }
0x2d: {  	[tilespmem:s10], [sflag:$0x5] =	stream.linear.gather [hbm4b:s9+s2], $0x2000, $0x38;
	[tilespmem:$0x18400] =	vst v63  }
0x2e: {  	s11 =	rddreg [dreg:$0x11];
	s12 =	simm.s32 $0xE200  }
0x2f: {  	[tilespmem:s12], [sflag:$0x5] =	stream.strided.gather [hbm4b:s11+s19], $0x2000, s20, s19, $0x38;
	[tilespmem:$0x18400] =	vst v63  }
0x30: {  	s13 =	rddreg [dreg:$0x12];
	s14 =	simm.s32 $0x16200  }
0x31: {  	[tilespmem:s14], [sflag:$0x5] =	stream.strided.gather [hbm4b:s13+s19], $0x2000, s20, s19, $0x38;
	[tilespmem:$0x18400] =	vst v63  }
0x32: {  	_ =	strace $0x80000048  }
0x33: {  	_ =	swait.ge [sflag:s1], $0x200  }
0x34: {  	[sflag:s1] =	ssyncset.done $0x0  }
0x35: {  	[sflag:s1] =	ssyncadd.s32 $0xFFFFFE00  }
0x36: {  	_ =	strace $0x90000048  }
0x37: {  	_ =	strace $0x80000049  }
0x38: {  	_ =	swait.ge [sflag:s21], $0x2000  }
0x39: {  	[sflag:s21] =	ssyncset.done $0x0  }
0x3a: {  	[sflag:s21] =	ssyncadd.s32 $0xFFFFE000  }
0x3b: {  	_ =	swait.ge [sflag:s21], $0x2000  }
0x3c: {  	[sflag:s21] =	ssyncset.done $0x0  }
0x3d: {  	[sflag:s21] =	ssyncadd.s32 $0xFFFFE000  }
0x3e: {  	_ =	swait.ge [sflag:s21], $0x2000  }
0x3f: {  	s15 =	sand.u32 $0x60, s2;
	[sflag:s21] =	ssyncset.done $0x0  }
0x40: {  	s25 =	sand.u32 $0x180, s2;
	s4 =	sor.u32 $0x10, s15;
	[sflag:s21] =	ssyncadd.s32 $0xFFFFE000  }
0x41: {  	s29 =	sor.u32 s25, s4;
	_ =	strace $0x90000049  }
0x42: {  	s5 =	sand.u32 $0x3, s2;
	s7 =	sand.u32 $0xC00, s2;
	_ =	strace $0x8000004A  }
0x43: {  	s6 =	sor.u32 s2, s2;
	s5 =	sshll.u32 s5, $0x5;
	s0 =	sor.u32 s15, s7;
	v2 =	vld [tilespmem:s29+$0x0]  }
0x44: {  	s8 =	sor.u32 $0x1380, s6;
	s10 =	sadd.s32 $0x0, s5;
	v0 =	vld [tilespmem:s0+$0x10480]  }
0x45: {  	s5 =	sor.u32 $0x300, s10;
	v1 =	vld [tilespmem:s8+$0x10200]  }
0x46: {  	s30 =	sor.u32 s7, s4;
	v11 =	vld [tilespmem:s5+$0x10200]  }
0x47: {  	v3 =	vld [tilespmem:s30+$0x8300]  }
0x48: {  	s11 =	sadd.s32 $0x10, s10;
	v4 =	vld [tilespmem:s30+$0x8380]  }
0x49: {  	s12 =	sor.u32 $0x380, s11;
	v5 =	vld [tilespmem:s30+$0x8480]  }
0x4a: {  	v7 =	vld [tilespmem:s12+$0x8200]  }
0x4b: {  	v9 =	vld [tilespmem:s30+$0x11480]  }
0x4c: {  	s9 =	sor.u32 $0x300, s11;
	v10 =	vld [tilespmem:s30+$0x8400]  }
0x4d: {  	v12 =	vld [tilespmem:s9+$0x10200]  }
0x4e: {  	v13 =	vld [tilespmem:s9+$0x8200]  }
0x4f: {  	v14 =	vld [tilespmem:s30+$0x11400]  }
0x50: {  	v18 =	vld [tilespmem:s30+$0x8280]  }
0x51: {  	v19 =	vld [tilespmem:s30+$0x8200]  }
0x52: {  	v28 =	vld [tilespmem:s30+$0x11280]  }
0x53: {  	v29 =	vld [tilespmem:s30+$0x10380]  }
0x54: {  	v30 =	vld [tilespmem:s30+$0x11300]  }
0x55: {  	v31 =	vld [tilespmem:s30+$0x10400]  }
0x56: {  	v32 =	vld [tilespmem:s30+$0x10480]  }
0x57: {  	v33 =	vld [tilespmem:s30+$0x9200]  }
0x58: {  	v34 =	vld [tilespmem:s30+$0x9280]  }
0x59: {  	v35 =	vld [tilespmem:s30+$0x9300]  }
0x5a: {  	v36 =	vld [tilespmem:s30+$0x9380]  }
0x5b: {  	v37 =	vld [tilespmem:s30+$0x9400]  }
0x5c: {  	v38 =	vld [tilespmem:s30+$0x9480]  }
0x5d: {  	v39 =	vld [tilespmem:s30+$0x11200]  }
0x5e: {  	v40 =	vld [tilespmem:s12+$0x10200]  }
0x5f: {  	s6 =	sor.u32 $0x380, s6;
	v41 =	vld [tilespmem:s30+$0x11380]  }
0x60: {  	v42 =	vld [tilespmem:s6+$0x10200]  }
0x61: {  	v43 =	vld [tilespmem:s0+$0x9400];
	v6 =	vshll.u32 v2, $0x3  }
0x62: {  	v44 =	vld [tilespmem:s0+$0x11300];
	v2 =	vand.u32 $0x7F, v2;
	v6 =	vand.u32 $0xFFFFFC00, v6  }
0x63: {  	v45 =	vld [tilespmem:s2+$0x0];
	v2 =	vor.u32 v2, v6  }
0x64: {  	v59 =	vld [tilespmem:s0+$0x8400];
	v6 =	vor.u32 $0x80, v2  }
0x65: {  	v60 =	vld [tilespmem:s0+$0x8300];
	v21 =	vor.u32 $0x300, v2  }
0x66: {  	v46 =	vld [tilespmem:s5+$0x8200];
	v8 =	vor.u32 $0x100, v2  }
0x67: {  	v47 =	vld [tilespmem:s0+$0x8280];
	v15 =	vor.u32 $0x180, v2  }
0x68: {  	v16 =	vor.u32 $0x200, v2;
	v17 =	vor.u32 $0x280, v2;
	v20 =	vld.idx.msk [tilespmem:v2+s18+$0x0], $0xffff;
	v2 =	vor.u32 $0x380, v2  }
0x69: {  	v22 =	vld.idx.msk [tilespmem:v6+s18+$0x0], $0xffff  }
0x6a: {  	v21 =	vld.idx.msk [tilespmem:v21+s18+$0x0], $0xffff  }
0x6b: {  	v23 =	vld.idx.msk [tilespmem:v8+s18+$0x0], $0xffff  }
0x6c: {  	v24 =	vld.idx.msk [tilespmem:v15+s18+$0x0], $0xffff  }
0x6d: {  	v27 =	vld.idx.msk [tilespmem:v2+s18+$0x0], $0xffff;
	v2 =	vshll.u32 v20, $0x10  }
0x6e: {  	s13 =	sand.u32 $0xFFFFFC00, s2;
	v54 =	vld [tilespmem:s6+$0x8200];
	v2 =	vmul.f32 v2, v19  }
0x6f: {  	s9 =	sadd.s32 $0x0, s13;
	v25 =	vld.idx.msk [tilespmem:v16+s18+$0x0], $0xffff;
	v19 =	vand.u32 $0xFFFF0000, v22;
	v61 =	vshll.u32 v21, $0x10;
	v21 =	vand.u32 $0xFFFF0000, v21  }
0x70: {  	v57 =	vld [tilespmem:s0+$0x9480];
	s14 =	sor.u32 $0x1180, s9;
	s9 =	sor.u32 $0x180, s9;
	v19 =	vmul.f32 v19, v4;
	v4 =	vshll.u32 v23, $0x10;
	v23 =	vand.u32 $0xFFFF0000, v23  }
0x71: {  	v55 =	vld [tilespmem:s9+$0x10200];
	v4 =	vmul.f32 v4, v10;
	v10 =	vshll.u32 v24, $0x10;
	v5 =	vmul.f32 v23, v5  }
0x72: {  	v58 =	vand.u32 $0x7F, v45;
	v26 =	vld.idx.msk [tilespmem:v17+s18+$0x0], $0xffff;
	v21 =	vmul.f32 v21, v38;
	v10 =	vmul.f32 v10, v13  }
0x73: {  	v15 =	vld [tilespmem:s14+$0x10200];
	v22 =	vshll.u32 v22, $0x10;
	v4 =	vmul.f32 v4, v31;
	v5 =	vmul.f32 v32, v5  }
0x74: {  	s15 =	sor.u32 $0x1300, s11;
	v17 =	vld [tilespmem:s14+$0x8200];
	v24 =	vand.u32 $0xFFFF0000, v24;
	v13 =	vand.u32 $0xFFFF0000, v25;
	v10 =	vmul.f32 v10, v12  }
0x75: {  	v8 =	vld [tilespmem:s15+$0x8200];
	v12 =	vshll.u32 v25, $0x10;
	v25 =	vadd.f32 v5, v4;
	v5 =	vshll.u32 v45, $0x3  }
0x76: {  	v16 =	vld [tilespmem:s0+$0x11480];
	v3 =	vmul.f32 v22, v3;
	v7 =	vmul.f32 v24, v7;
	v5 =	vand.u32 $0xFFFFFC00, v5  }
0x77: {  	v22 =	vld [tilespmem:s0+$0x10400];
	v9 =	vmul.f32 v9, v21;
	v4 =	vmul.f32 v13, v34;
	v34 =	vor.u32 v58, v5  }
0x78: {  	v23 =	vld [tilespmem:s0+$0x9300];
	v7 =	vmul.f32 v40, v7;
	v13 =	vshll.u32 v26, $0x10;
	v5 =	vor.u32 $0x180, v34  }
0x79: {  	v24 =	vld [tilespmem:s0+$0x10300];
	v26 =	vand.u32 $0xFFFF0000, v26;
	v13 =	vmul.f32 v13, v35;
	v62 =	vor.u32 $0x80, v34  }
0x7a: {  	v32 =	vld [tilespmem:s8+$0x8200];
	v26 =	vmul.f32 v26, v36;
	v36 =	vmul.f32 v61, v37;
	v63 =	vor.u32 $0x100, v34  }
0x7b: {  	v12 =	vmul.f32 v12, v33;
	v52 =	vadd.f32 v7, v10;
	v13 =	vmul.f32 v13, v30;
	v30 =	vld [tilespmem:s0+$0x8200]  }
0x7c: {  	v10 =	vmul.f32 v29, v19;
	v14 =	vmul.f32 v36, v14;
	v50 =	vor.u32 $0x380, v34;
	v49 =	vld.idx.msk [tilespmem:v34+s18+$0x0], $0xffff  }
0x7d: {  	v4 =	vmul.f32 v28, v4;
	v12 =	vmul.f32 v12, v39;
	v21 =	vld.idx.msk [tilespmem:v5+s18+$0x0], $0xffff  }
0x7e: {  	v48 =	vor.u32 $0x280, v34;
	v51 =	vor.u32 $0x300, v34;
	v9 =	vadd.f32 v9, v14;
	v33 =	vld.idx.msk [tilespmem:v62+s18+$0x0], $0xffff  }
0x7f: {  	v5 =	vadd.f32 v4, v12;
	v12 =	vmul.f32 v41, v26;
	v4 =	vand.u32 $0xFFFF0000, v20;
	v14 =	vld.idx.msk [tilespmem:v63+s18+$0x0], $0xffff  }
0x80: {  	v28 =	vld [tilespmem:s0+$0x10200];
	v26 =	vor.u32 $0x200, v34;
	v4 =	vmul.f32 v4, v18;
	v18 =	vadd.f32 $0.0e+00, v25  }
0x81: {  	v53 =	vld.idx.msk [tilespmem:v50+s18+$0x0], $0xffff;
	v7 =	vadd.f32 v12, v13;
	v13 =	vshll.u32 v27, $0x10;
	v12 =	vand.u32 $0xFFFF0000, v27  }
0x82: {  	v31 =	vld [tilespmem:s9+$0x8200];
	v9 =	vadd.f32 v9, v18;
	v19 =	vshll.u32 v49, $0x10;
	v25 =	vand.u32 $0xFFFF0000, v49  }
0x83: {  	v20 =	vld.idx.msk [tilespmem:v48+s18+$0x0], $0xffff;
	v18 =	vmul.f32 v19, v30;
	v19 =	vshll.u32 v21, $0x10;
	v21 =	vand.u32 $0xFFFF0000, v21  }
0x84: {  	v29 =	vld [tilespmem:s0+$0x10280];
	v25 =	vmul.f32 v25, v47;
	v30 =	vshll.u32 v33, $0x10;
	v56 =	vand.u32 $0xFFFF0000, v14  }
0x85: {  	v27 =	vld.idx.msk [tilespmem:v51+s18+$0x0], $0xffff;
	v28 =	vmul.f32 v18, v28;
	v18 =	vmul.f32 v30, v60;
	v30 =	vshll.u32 v14, $0x10  }
0x86: {  	v26 =	vld.idx.msk [tilespmem:v26+s18+$0x0], $0xffff;
	v37 =	vand.u32 $0xFFFF0000, v53;
	v19 =	vmul.f32 v19, v46;
	v14 =	vmul.f32 v30, v59  }
0x87: {  	v33 =	vand.u32 $0xFFFF0000, v33;
	v32 =	vmul.f32 v37, v32;
	v30 =	vld [tilespmem:s0+$0x9200];
	v18 =	vmul.f32 v18, v24  }
0x88: {  	v61 =	vld [tilespmem:s0+$0x11400];
	v24 =	vmul.f32 v33, v31;
	v31 =	vshll.u32 v20, $0x10;
	v14 =	vmul.f32 v14, v22  }
0x89: {  	v20 =	vand.u32 $0xFFFF0000, v20;
	v22 =	vmul.f32 v19, v11;
	v11 =	vmul.f32 v29, v25;
	v29 =	vld [tilespmem:s0+$0x11200]  }
0x8a: {  	v60 =	vld [tilespmem:s0+$0x9280];
	v19 =	vshll.u32 v27, $0x10;
	v23 =	vmul.f32 v31, v23;
	v25 =	vmul.f32 v21, v54  }
0x8b: {  	s7 =	sor.u32 $0x1380, s11;
	v31 =	vld [tilespmem:s0+$0x8480];
	v58 =	vshll.u32 v26, $0x10;
	v21 =	vmul.f32 v55, v24;
	v63 =	vmul.f32 v19, v43  }
0x8c: {  	v6 =	vld [tilespmem:s7+$0x8200];
	v59 =	vadd.f32 v11, v28;
	v11 =	vmul.f32 v23, v44;
	v23 =	vmul.f32 v58, v30  }
0x8d: {  	s25 =	sor.u32 $0x1300, s10;
	v27 =	vand.u32 $0xFFFF0000, v27;
	v62 =	vmul.f32 v42, v25;
	v28 =	vld [tilespmem:s0+$0x11280];
	v30 =	vmul.f32 v20, v17  }
0x8e: {  	v26 =	vand.u32 $0xFFFF0000, v26;
	v17 =	vmul.f32 v27, v57;
	v24 =	vmul.f32 v23, v29;
	v29 =	vld [tilespmem:s25+$0x8200]  }
0x8f: {  	s31 =	simm.s32 $0x18200;
	v25 =	vshll.u32 v53, $0x10;
	v33 =	vmul.f32 v26, v60;
	v27 =	vld [tilespmem:s25+$0x10200];
	v26 =	vmul.f32 v63, v61  }
0x90: {  	s3 =	simm.s32 $0x20;
	s4 =	simm.s32 $0x18220;
	s5 =	simm.s32 $0x100;
	v19 =	vadd.f32 $0.0e+00, v59;
	v20 =	vmul.f32 v56, v31;
	v17 =	vmul.f32 v16, v17;
	v23 =	vld [tilespmem:s15+$0x10200]  }
0x91: {  	s6 =	simm.s32 $0x1;
	s0 =	simm.s32 $0x0;
	v31 =	vadd.f32 v62, v22;
	v30 =	vmul.f32 v15, v30;
	v22 =	vld [tilespmem:s30+$0x10200];
	v15 =	vadd.f32 $0.0e+00, v52;
	s25 =	simm.s32 $0x20  }
.LBB2_2:
0x92: {  	s8 =	sand.u32 $0x3, s6;
	s9 =	sand.u32 $0x60, s25;
	s12 =	sor.u32 s25, s5;
	v16 =	vadd.f32 v21, v18;
	v18 =	vmul.f32 v28, v33;
	v21 =	vld [tilespmem:s7+$0x10200];
	v8 =	vmul.f32 v13, v8  }
0x93: {  	s7 =	sand.u32 $0xC00, s5;
	s11 =	sand.u32 $0x180, s25;
	v13 =	vadd.f32 $0.0e+00, v31;
	s10 =	sor.u32 $0x10, s9;
	v25 =	vmul.f32 v25, v29;
	v28 =	vmul.f32 v1, v32;
	v29 =	vld [tilespmem:s30+$0x10280]  }
0x94: {  	v11 =	vadd.f32 v30, v11;
	v6 =	vmul.f32 v12, v6;
	s13 =	sshll.u32 s8, $0x5;
	s8 =	sor.u32 s9, s7;
	s14 =	sor.u32 s11, s10;
	v1 =	vadd.f32 v18, v24;
	v18 =	vld [tilespmem:s30+$0x10300]  }
0x95: {  	s9 =	sadd.s32 s13, s5;
	s11 =	sor.u32 $0x1380, s12;
	s30 =	sor.u32 s7, s10;
	v16 =	vadd.f32 $0.0e+00, v16;
	v8 =	vmul.f32 v8, v23;
	v12 =	vld [tilespmem:s14+$0x0];
	v24 =	vmul.f32 v25, v27  }
0x96: {  	s0 =	sadd.s32 $0x2, s0;
	v20 =	vmul.f32 v0, v20;
	v17 =	vadd.f32 v17, v26;
	s10 =	sor.u32 $0x300, s9;
	s7 =	sadd.s32 $0x10, s9;
	v0 =	vld [tilespmem:s8+$0x10480];
	v19 =	vadd.f32 v1, v19  }
0x97: {  	p0 =	slt.u32 s0, $0x1E;
	v16 =	vadd.f32 v11, v16;
	v1 =	vld [tilespmem:s11+$0x10200];
	v23 =	vadd.f32 v28, v24;
	v6 =	vmul.f32 v21, v6  }
0x98: {  	v14 =	vadd.f32 v20, v14;
	v2 =	vmul.f32 v2, v22;
	v11 =	vld [tilespmem:s10+$0x10200];
	v4 =	vmul.f32 v29, v4  }
0x99: {  	v16 =	vadd.f32 v16, v19;
	v20 =	vld [tilespmem:s30+$0x8300];
	v3 =	vmul.f32 v3, v18;
	v6 =	vadd.f32 v6, v8  }
0x9a: {  	s15 =	sor.u32 $0x300, s7;
	v14 =	vadd.f32 $0.0e+00, v14;
	v8 =	vshll.u32 v12, $0x3;
	v18 =	vld [tilespmem:s30+$0x8380];
	v2 =	vadd.f32 v4, v2  }
0x9b: {  	s13 =	sor.u32 $0x380, s7;
	v4 =	vand.u32 $0x7F, v12;
	v8 =	vand.u32 $0xFFFFFC00, v8;
	v19 =	vld [tilespmem:s30+$0x8480];
	v3 =	vadd.f32 v10, v3  }
0x9c: {  	v12 =	vadd.f32 v23, v13;
	v10 =	vadd.f32 v17, v14;
	v4 =	vor.u32 v4, v8;
	v8 =	vld [tilespmem:s13+$0x8200]  }
0x9d: {  	v2 =	vadd.f32 $0.0e+00, v2;
	v13 =	vor.u32 $0x80, v4;
	v14 =	vld [tilespmem:s30+$0x11480];
	v3 =	vadd.f32 $0.0e+00, v3  }
0x9e: {  	v6 =	vadd.f32 v6, v15;
	v17 =	vor.u32 $0x100, v4;
	v10 =	vadd.f32 v12, v10;
	v21 =	vld [tilespmem:s30+$0x8400]  }
0x9f: {  	v12 =	vor.u32 $0x180, v4;
	v2 =	vadd.f32 v5, v2;
	v15 =	vld [tilespmem:s15+$0x10200];
	v3 =	vadd.f32 v7, v3  }
0xa0: {  	v6 =	vadd.f32 v6, v9;
	v7 =	vor.u32 $0x200, v4;
	v10 =	vadd.f32 v10, v16;
	v5 =	vld [tilespmem:s15+$0x8200]  }
0xa1: {  	v9 =	vor.u32 $0x280, v4;
	v16 =	vld [tilespmem:s30+$0x11400];
	v2 =	vadd.f32 v3, v2  }
0xa2: {  	v3 =	vor.u32 $0x300, v4;
	v22 =	vld [tilespmem:s30+$0x8280];
	[tilespmem:s31+$0x0] =	vst v10;
	s31 =	smov.u32 s4  }
0xa3: {  	v23 =	vor.u32 $0x380, v4;
	v10 =	vld [tilespmem:s30+$0x8200];
	v2 =	vadd.f32 v6, v2  }
0xa4: {  	v4 =	vld.idx.msk [tilespmem:v4+s18+$0x0], $0xffff  }
0xa5: {  	v6 =	vld.idx.msk [tilespmem:v13+s18+$0x0], $0xffff;
	[tilespmem:s29+$0x18200] =	vst v2;
	s29 =	smov.u32 s14  }
0xa6: {  	v13 =	vld.idx.msk [tilespmem:v17+s18+$0x0], $0xffff  }
0xa7: {  	v17 =	vld.idx.msk [tilespmem:v12+s18+$0x0], $0xffff  }
0xa8: {  	v7 =	vld.idx.msk [tilespmem:v7+s18+$0x0], $0xffff  }
0xa9: {  	v24 =	vld.idx.msk [tilespmem:v9+s18+$0x0], $0xffff  }
0xaa: {  	v2 =	vshll.u32 v4, $0x10;
	v4 =	vand.u32 $0xFFFF0000, v4;
	v25 =	vld.idx.msk [tilespmem:v3+s18+$0x0], $0xffff  }
0xab: {  	v2 =	vmul.f32 v2, v10;
	v3 =	vshll.u32 v6, $0x10;
	v6 =	vand.u32 $0xFFFF0000, v6;
	v9 =	vld.idx.msk [tilespmem:v23+s18+$0x0], $0xffff  }
0xac: {  	v10 =	vmul.f32 v6, v18;
	v6 =	vshll.u32 v13, $0x10;
	v13 =	vand.u32 $0xFFFF0000, v13;
	v18 =	vld [tilespmem:s30+$0x11280]  }
0xad: {  	v6 =	vmul.f32 v6, v21;
	v21 =	vshll.u32 v17, $0x10;
	v17 =	vand.u32 $0xFFFF0000, v17;
	v12 =	vld [tilespmem:s30+$0x10380]  }
0xae: {  	v5 =	vmul.f32 v21, v5;
	v21 =	vmul.f32 v17, v8;
	v17 =	vld [tilespmem:s30+$0x11300]  }
0xaf: {  	v3 =	vmul.f32 v3, v20;
	v13 =	vmul.f32 v13, v19;
	v8 =	vld [tilespmem:s30+$0x10400]  }
0xb0: {  	v4 =	vmul.f32 v4, v22;
	v20 =	vmul.f32 v5, v15;
	v19 =	vld [tilespmem:s30+$0x10480]  }
0xb1: {  	v5 =	vld [tilespmem:s30+$0x9200]  }
0xb2: {  	v15 =	vld [tilespmem:s30+$0x9280]  }
0xb3: {  	v22 =	vld [tilespmem:s30+$0x9300]  }
0xb4: {  	v23 =	vld [tilespmem:s30+$0x9380]  }
0xb5: {  	v6 =	vmul.f32 v6, v8;
	v8 =	vmul.f32 v19, v13;
	v13 =	vld [tilespmem:s30+$0x9400]  }
0xb6: {  	v19 =	vshll.u32 v7, $0x10;
	v7 =	vand.u32 $0xFFFF0000, v7;
	v26 =	vld [tilespmem:s30+$0x9480]  }
0xb7: {  	v27 =	vadd.f32 v8, v6;
	v28 =	vld [tilespmem:s30+$0x11200];
	v6 =	vmul.f32 v7, v15;
	v7 =	vshll.u32 v24, $0x10  }
0xb8: {  	v8 =	vand.u32 $0xFFFF0000, v24;
	v29 =	vld [tilespmem:s13+$0x10200];
	v7 =	vmul.f32 v7, v22  }
0xb9: {  	s14 =	sand.u32 $0xFFFFFC00, s5;
	s13 =	sor.u32 $0x1300, s7;
	v18 =	vmul.f32 v18, v6;
	v22 =	vld [tilespmem:s30+$0x11380];
	v23 =	vmul.f32 v8, v23;
	v6 =	vshll.u32 v25, $0x10  }
0xba: {  	s14 =	sadd.s32 s14, s25;
	v5 =	vmul.f32 v19, v5;
	v15 =	vand.u32 $0xFFFF0000, v25;
	s7 =	sor.u32 $0x1380, s7;
	v13 =	vmul.f32 v6, v13;
	v8 =	vld [tilespmem:s13+$0x8200]  }
0xbb: {  	s15 =	sor.u32 $0x1180, s14;
	v7 =	vmul.f32 v7, v17;
	v19 =	vmul.f32 v15, v26;
	v6 =	vld [tilespmem:s7+$0x8200]  }
0xbc: {  	v15 =	vld [tilespmem:s15+$0x10200];
	v5 =	vmul.f32 v5, v28;
	v13 =	vmul.f32 v13, v16  }
0xbd: {  	s12 =	sor.u32 $0x380, s12;
	v17 =	vld [tilespmem:s8+$0x11480];
	v16 =	vmul.f32 v29, v21;
	v14 =	vmul.f32 v14, v19  }
0xbe: {  	v19 =	vld [tilespmem:s12+$0x10200];
	v5 =	vadd.f32 v18, v5;
	v18 =	vmul.f32 v22, v23  }
0xbf: {  	v22 =	vld [tilespmem:s8+$0x9400];
	v16 =	vadd.f32 v16, v20;
	v14 =	vadd.f32 v14, v13  }
0xc0: {  	v20 =	vld [tilespmem:s15+$0x8200];
	v7 =	vadd.f32 v18, v7  }
0xc1: {  	v23 =	vld [tilespmem:s8+$0x11300]  }
0xc2: {  	v13 =	vld [tilespmem:s3+$0x0]  }
0xc3: {  	v21 =	vld [tilespmem:s8+$0x9300]  }
0xc4: {  	v24 =	vld [tilespmem:s8+$0x10400]  }
0xc5: {  	v18 =	vld [tilespmem:s8+$0x10300]  }
0xc6: {  	s14 =	sor.u32 $0x180, s14;
	v32 =	vld [tilespmem:s11+$0x8200]  }
0xc7: {  	v25 =	vshll.u32 v13, $0x3;
	v26 =	vld [tilespmem:s14+$0x8200]  }
0xc8: {  	v13 =	vand.u32 $0x7F, v13;
	v25 =	vand.u32 $0xFFFFFC00, v25;
	v28 =	vld [tilespmem:s8+$0x8400]  }
0xc9: {  	v13 =	vor.u32 v13, v25;
	v25 =	vld [tilespmem:s8+$0x8300]  }
0xca: {  	v29 =	vld [tilespmem:s8+$0x10200];
	v30 =	vor.u32 $0x80, v13;
	v31 =	vor.u32 $0x100, v13;
	v33 =	vor.u32 $0x180, v13  }
0xcb: {  	v35 =	vor.u32 $0x200, v13;
	v34 =	vld [tilespmem:s10+$0x8200]  }
0xcc: {  	v36 =	vld [tilespmem:s8+$0x8280]  }
0xcd: {  	v38 =	vor.u32 $0x280, v13;
	v37 =	vld [tilespmem:s8+$0x8200]  }
0xce: {  	v40 =	vor.u32 $0x380, v13;
	v39 =	vld.idx.msk [tilespmem:v13+s18+$0x0], $0xffff  }
0xcf: {  	v41 =	vor.u32 $0x300, v13;
	v33 =	vld.idx.msk [tilespmem:v33+s18+$0x0], $0xffff  }
0xd0: {  	v30 =	vld.idx.msk [tilespmem:v30+s18+$0x0], $0xffff  }
0xd1: {  	v31 =	vld.idx.msk [tilespmem:v31+s18+$0x0], $0xffff  }
0xd2: {  	v27 =	vadd.f32 $0.0e+00, v27;
	v38 =	vld.idx.msk [tilespmem:v38+s18+$0x0], $0xffff  }
0xd3: {  	v10 =	vmul.f32 v12, v10;
	v12 =	vand.u32 $0xFFFF0000, v9;
	v13 =	vshll.u32 v9, $0x10;
	v40 =	vld.idx.msk [tilespmem:v40+s18+$0x0], $0xffff  }
0xd4: {  	v9 =	vadd.f32 v14, v27;
	v42 =	vshll.u32 v39, $0x10;
	v39 =	vand.u32 $0xFFFF0000, v39;
	v41 =	vld.idx.msk [tilespmem:v41+s18+$0x0], $0xffff  }
0xd5: {  	v14 =	vmul.f32 v42, v37;
	v27 =	vshll.u32 v33, $0x10;
	v33 =	vand.u32 $0xFFFF0000, v33;
	v35 =	vld.idx.msk [tilespmem:v35+s18+$0x0], $0xffff  }
0xd6: {  	v36 =	vmul.f32 v39, v36;
	v39 =	vshll.u32 v30, $0x10;
	v30 =	vand.u32 $0xFFFF0000, v30;
	v37 =	vld [tilespmem:s8+$0x10280]  }
0xd7: {  	v29 =	vmul.f32 v14, v29;
	v14 =	vmul.f32 v39, v25;
	v25 =	vshll.u32 v31, $0x10;
	v39 =	vld [tilespmem:s12+$0x8200]  }
0xd8: {  	v27 =	vmul.f32 v27, v34;
	v31 =	vand.u32 $0xFFFF0000, v31;
	v25 =	vmul.f32 v25, v28;
	v42 =	vld [tilespmem:s14+$0x10200]  }
0xd9: {  	v26 =	vmul.f32 v30, v26;
	v30 =	vshll.u32 v38, $0x10;
	v18 =	vmul.f32 v14, v18;
	v28 =	vld [tilespmem:s8+$0x9200]  }
0xda: {  	v27 =	vmul.f32 v27, v11;
	v14 =	vmul.f32 v25, v24;
	v34 =	vshll.u32 v41, $0x10;
	v24 =	vld [tilespmem:s8+$0x9480]  }
0xdb: {  	v30 =	vmul.f32 v30, v21;
	v25 =	vand.u32 $0xFFFF0000, v38;
	v11 =	vmul.f32 v37, v36;
	v36 =	vld [tilespmem:s8+$0x11200]  }
0xdc: {  	v38 =	vshll.u32 v35, $0x10;
	v37 =	vld [tilespmem:s8+$0x8480];
	v33 =	vmul.f32 v33, v39;
	v39 =	vand.u32 $0xFFFF0000, v41  }
0xdd: {  	v41 =	vadd.f32 v11, v29;
	v21 =	vmul.f32 v42, v26;
	v26 =	vld [tilespmem:s8+$0x9280];
	v11 =	vmul.f32 v30, v23  }
0xde: {  	v30 =	vand.u32 $0xFFFF0000, v35;
	v35 =	vmul.f32 v25, v20;
	v23 =	vmul.f32 v38, v28;
	v38 =	vld [tilespmem:s8+$0x11400]  }
.Ltmp0:
0xdf: {  	v25 =	vshll.u32 v40, $0x10;
	v33 =	vmul.f32 v19, v33;
	v28 =	vld [tilespmem:s8+$0x11280];
	v39 =	vmul.f32 v39, v24;
	s8 =	sor.u32 $0x1300, s9;
	(pc) =	sbr.rel @p0 .LBB2_2-.Ltmp0, $4  }
0xe0: {  	v22 =	vmul.f32 v34, v22;
	v34 =	vand.u32 $0xFFFF0000, v40;
	v24 =	vmul.f32 v23, v36;
	v29 =	vld [tilespmem:s8+$0x8200]  }
0xe1: {  	v19 =	vadd.f32 $0.0e+00, v41;
	v20 =	vmul.f32 v31, v37;
	v17 =	vmul.f32 v17, v39;
	v23 =	vld [tilespmem:s13+$0x10200]  }
0xe2: {  	s4 =	sadd.s32 $0x20, s4;
	s3 =	sadd.s32 $0x20, s3;
	v31 =	vadd.f32 v33, v27;
	v33 =	vmul.f32 v30, v26;
	v30 =	vmul.f32 v15, v35;
	v27 =	vld [tilespmem:s8+$0x10200]  }
0xe3: {  	s6 =	sadd.s32 $0x1, s6;
	s5 =	sadd.s32 $0x100, s5;
	s25 =	sadd.s32 $0x20, s25;
	v32 =	vmul.f32 v34, v32;
	v15 =	vadd.f32 $0.0e+00, v16;
	v26 =	vmul.f32 v22, v38;
	v22 =	vld [tilespmem:s30+$0x10200]  }
0xe4: {  	v16 =	vadd.f32 v21, v18;
	v18 =	vmul.f32 v28, v33;
	v21 =	vld [tilespmem:s30+$0x10280]  }
0xe5: {  	v8 =	vmul.f32 v13, v8;
	v13 =	vadd.f32 $0.0e+00, v31;
	v28 =	vld [tilespmem:s30+$0x10300];
	v6 =	vmul.f32 v12, v6  }
0xe6: {  	v11 =	vadd.f32 v30, v11;
	v0 =	vmul.f32 v0, v20;
	v25 =	vmul.f32 v25, v29;
	v29 =	vld [tilespmem:s7+$0x10200]  }
0xe7: {  	v1 =	vmul.f32 v1, v32;
	v17 =	vadd.f32 v17, v26;
	v18 =	vadd.f32 v18, v24  }
0xe8: {  	v12 =	vadd.f32 $0.0e+00, v16;
	v8 =	vmul.f32 v8, v23;
	v0 =	vadd.f32 v0, v14  }
0xe9: {  	v16 =	vmul.f32 v25, v27;
	v18 =	vadd.f32 v18, v19;
	v2 =	vmul.f32 v2, v22  }
0xea: {  	v11 =	vadd.f32 v11, v12;
	v4 =	vmul.f32 v21, v4;
	v3 =	vmul.f32 v3, v28  }
0xeb: {  	v0 =	vadd.f32 $0.0e+00, v0;
	v1 =	vadd.f32 v1, v16;
	v6 =	vmul.f32 v29, v6  }
0xec: {  	v2 =	vadd.f32 v4, v2;
	v3 =	vadd.f32 v10, v3  }
0xed: {  	v0 =	vadd.f32 v17, v0;
	v4 =	vadd.f32 v6, v8  }
0xee: {  	v2 =	vadd.f32 $0.0e+00, v2;
	v3 =	vadd.f32 $0.0e+00, v3  }
0xef: {  	v1 =	vadd.f32 v1, v13;
	v4 =	vadd.f32 v4, v15  }
0xf0: {  	v2 =	vadd.f32 v5, v2;
	v3 =	vadd.f32 v7, v3  }
0xf1: {  	v0 =	vadd.f32 v1, v0;
	v5 =	vadd.f32 v11, v18  }
0xf2: {  	v1 =	vadd.f32 v4, v9;
	v2 =	vadd.f32 v3, v2  }
0xf3: {  	v0 =	vadd.f32 v0, v5  }
0xf4: {  	v1 =	vadd.f32 v1, v2  }
0xf5: {  	[tilespmem:s31+$0x0] =	vst v0  }
0xf6: {  	[tilespmem:s29+$0x18200] =	vst v1  }
0xf7: {  	_ =	strace $0x9000004A  }
0xf8: {  	_ =	strace $0x8000004B  }
0xf9: {  	_ =	swait.ge [sflag:s22], $0x2000  }
0xfa: {  	[sflag:s22] =	ssyncset.done $0x0  }
0xfb: {  	[sflag:s22] =	ssyncadd.s32 $0xFFFFE000  }
0xfc: {  	_ =	swait.ge [sflag:s22], $0x2000  }
0xfd: {  	[sflag:s22] =	ssyncset.done $0x0  }
0xfe: {  	[sflag:s22] =	ssyncadd.s32 $0xFFFFE000  }
0xff: {  	_ =	swait.ge [sflag:s22], $0x2000  }
0x100: {  	s5 =	simm.s32 $0x0;
	[sflag:s22] =	ssyncset.done $0x0  }
0x101: {  	s3 =	sand.u32 $0x60, s5;
	[sflag:s22] =	ssyncadd.s32 $0xFFFFE000  }
0x102: {  	s4 =	sand.u32 $0xC00, s5;
	s6 =	sand.u32 $0x180, s5;
	_ =	strace $0x9000004B  }
0x103: {  	s0 =	sor.u32 s3, s4;
	s3 =	sor.u32 $0x10, s3;
	_ =	strace $0x8000004C  }
0x104: {  	s29 =	sor.u32 s6, s3;
	v11 =	vld [tilespmem:s0+$0x13480]  }
0x105: {  	s25 =	sor.u32 s4, s3;
	v0 =	vld [tilespmem:s29+$0x18200]  }
0x106: {  	v6 =	vld [tilespmem:s25+$0xA280]  }
0x107: {  	v9 =	vld [tilespmem:s25+$0xA200]  }
0x108: {  	v2 =	vld [tilespmem:s29+$0x0]  }
0x109: {  	v8 =	vld [tilespmem:s25+$0x13480]  }
0x10a: {  	v10 =	vld [tilespmem:s25+$0xA300]  }
0x10b: {  	v12 =	vld [tilespmem:s25+$0xA380]  }
0x10c: {  	v17 =	vld [tilespmem:s25+$0xA400]  }
0x10d: {  	s30 =	simm.s32 $0x18200;
	v19 =	vld [tilespmem:s25+$0xA480]  }
0x10e: {  	v1 =	vld [tilespmem:s30+$0x0]  }
0x10f: {  	v20 =	vld [tilespmem:s25+$0x13200]  }
0x110: {  	v4 =	vld [tilespmem:s0+$0x13280]  }
0x111: {  	v21 =	vld [tilespmem:s25+$0x12200]  }
0x112: {  	v5 =	vld [tilespmem:s0+$0x13400]  }
0x113: {  	v27 =	vld [tilespmem:s25+$0x12280]  }
0x114: {  	v28 =	vld [tilespmem:s25+$0x12300]  }
0x115: {  	v29 =	vld [tilespmem:s25+$0x12380]  }
0x116: {  	v30 =	vld [tilespmem:s25+$0x12400]  }
0x117: {  	v31 =	vld [tilespmem:s25+$0x12480]  }
0x118: {  	v59 =	vld [tilespmem:s25+$0xB200]  }
0x119: {  	v60 =	vld [tilespmem:s25+$0xB280]  }
0x11a: {  	s4 =	sand.u32 $0x3, s5;
	v34 =	vld [tilespmem:s25+$0xB300]  }
0x11b: {  	s3 =	sshll.u32 s4, $0x5;
	v35 =	vld [tilespmem:s25+$0xB380]  }
0x11c: {  	s6 =	sadd.s32 $0x0, s3;
	v36 =	vld [tilespmem:s25+$0xB400]  }
0x11d: {  	s9 =	sor.u32 $0x3300, s6;
	v37 =	vld [tilespmem:s25+$0xB480]  }
0x11e: {  	v38 =	vld [tilespmem:s9+$0x8200]  }
0x11f: {  	v39 =	vld [tilespmem:s9+$0x10200]  }
0x120: {  	v40 =	vld [tilespmem:s25+$0x13280]  }
0x121: {  	s11 =	sand.u32 $0xFFFFFC00, s5;
	v41 =	vld [tilespmem:s25+$0x13300]  }
0x122: {  	s7 =	sadd.s32 $0x0, s11;
	v42 =	vld [tilespmem:s25+$0x13380]  }
0x123: {  	s12 =	sor.u32 $0x3180, s7;
	v43 =	vld [tilespmem:s25+$0x13400];
	v3 =	vshll.u32 v2, $0x3  }
0x124: {  	v46 =	vld [tilespmem:s12+$0x10200];
	v2 =	vand.u32 $0x7F, v2;
	v3 =	vand.u32 $0xFFFFFC00, v3  }
0x125: {  	v47 =	vld [tilespmem:s5+$0x0];
	v14 =	vor.u32 v2, v3  }
0x126: {  	s8 =	sor.u32 s5, s5;
	v48 =	vld [tilespmem:s0+$0x13300];
	v7 =	vadd.s32 $0x2000, v14  }
0x127: {  	s10 =	sor.u32 $0x2380, s8;
	v53 =	vld [tilespmem:s0+$0xA400];
	v13 =	vadd.s32 $0x2080, v14  }
0x128: {  	s8 =	sor.u32 $0x3380, s8;
	v33 =	vld [tilespmem:s10+$0x8200];
	v15 =	vadd.s32 $0x2100, v14  }
0x129: {  	v56 =	vld [tilespmem:s8+$0x8200]  }
0x12a: {  	v2 =	vld [tilespmem:s0+$0x13200];
	v16 =	vadd.s32 $0x2180, v14  }
0x12b: {  	v18 =	vadd.s32 $0x2200, v14;
	v22 =	vld.idx.msk [tilespmem:v7+s18+$0x0], $0xffff  }
0x12c: {  	s3 =	sadd.s32 $0x10, s6;
	v23 =	vld.idx.msk [tilespmem:v13+s18+$0x0], $0xffff  }
0x12d: {  	s31 =	sor.u32 $0x3300, s3;
	v24 =	vld.idx.msk [tilespmem:v15+s18+$0x0], $0xffff  }
0x12e: {  	v3 =	vld [tilespmem:s31+$0x8200];
	v7 =	vadd.s32 $0x2280, v14  }
0x12f: {  	v13 =	vld.idx.msk [tilespmem:v16+s18+$0x0], $0xffff;
	v15 =	vadd.s32 $0x2300, v14  }
0x130: {  	v25 =	vld.idx.msk [tilespmem:v18+s18+$0x0], $0xffff;
	v45 =	vshll.u32 v22, $0x10;
	v22 =	vand.u32 $0xFFFF0000, v22  }
0x131: {  	v16 =	vld [tilespmem:s8+$0x10200];
	v61 =	vshll.u32 v23, $0x10;
	v23 =	vand.u32 $0xFFFF0000, v23;
	v9 =	vmul.f32 v45, v9  }
0x132: {  	v18 =	vld [tilespmem:s0+$0xA300];
	v62 =	vshll.u32 v24, $0x10;
	v10 =	vmul.f32 v61, v10;
	v6 =	vmul.f32 v22, v6  }
0x133: {  	v26 =	vld.idx.msk [tilespmem:v7+s18+$0x0], $0xffff;
	v12 =	vmul.f32 v23, v12;
	v17 =	vmul.f32 v62, v17  }
0x134: {  	v44 =	vld.idx.msk [tilespmem:v15+s18+$0x0], $0xffff;
	v9 =	vmul.f32 v9, v21;
	v6 =	vmul.f32 v27, v6  }
0x135: {  	v7 =	vld [tilespmem:s10+$0x10200];
	v10 =	vmul.f32 v10, v28;
	v12 =	vmul.f32 v29, v12  }
0x136: {  	v15 =	vld [tilespmem:s0+$0xB480];
	v21 =	vand.u32 $0xFFFF0000, v24;
	v6 =	vadd.f32 v6, v9;
	v9 =	vshll.u32 v47, $0x3  }
0x137: {  	s13 =	sor.u32 $0x2180, s7;
	v23 =	vld [tilespmem:s12+$0x8200];
	v10 =	vadd.f32 v12, v10;
	v12 =	vand.u32 $0x7F, v47;
	v9 =	vand.u32 $0xFFFFFC00, v9  }
0x138: {  	v22 =	vld [tilespmem:s13+$0x10200];
	v19 =	vmul.f32 v21, v19;
	v21 =	vor.u32 v12, v9  }
0x139: {  	v61 =	vld [tilespmem:s0+$0xA280];
	v17 =	vmul.f32 v17, v30;
	v49 =	vshll.u32 v44, $0x10;
	v29 =	vadd.s32 $0x2380, v21  }
0x13a: {  	v27 =	vld [tilespmem:s0+$0x12480];
	v44 =	vand.u32 $0xFFFF0000, v44;
	v19 =	vmul.f32 v31, v19;
	v63 =	vadd.s32 $0x2100, v21  }
0x13b: {  	v24 =	vld [tilespmem:s0+$0xB300];
	v31 =	vshll.u32 v26, $0x10;
	v26 =	vand.u32 $0xFFFF0000, v26;
	v54 =	vadd.s32 $0x2000, v21  }
0x13c: {  	s4 =	sor.u32 $0x2300, s6;
	v28 =	vld [tilespmem:s0+$0xA480];
	v36 =	vmul.f32 v49, v36;
	v37 =	vmul.f32 v44, v37;
	v55 =	vadd.s32 $0x2080, v21  }
0x13d: {  	v47 =	vld [tilespmem:s4+$0x8200];
	v9 =	vshll.u32 v25, $0x10;
	v12 =	vand.u32 $0xFFFF0000, v25;
	v31 =	vmul.f32 v31, v34  }
0x13e: {  	v26 =	vmul.f32 v26, v35;
	v52 =	vadd.s32 $0x2180, v21;
	v9 =	vmul.f32 v9, v59;
	v29 =	vld.idx.msk [tilespmem:v29+s18+$0x0], $0xffff  }
0x13f: {  	v12 =	vmul.f32 v12, v60;
	v50 =	vadd.s32 $0x2200, v21;
	v60 =	vmul.f32 v8, v37;
	v57 =	vld.idx.msk [tilespmem:v63+s18+$0x0], $0xffff  }
0x140: {  	v58 =	vadd.s32 $0x2280, v21;
	v31 =	vmul.f32 v31, v41;
	v26 =	vmul.f32 v42, v26;
	v32 =	vld.idx.msk [tilespmem:v54+s18+$0x0], $0xffff  }
0x141: {  	v8 =	vadd.f32 v19, v17;
	v9 =	vmul.f32 v9, v20;
	v12 =	vmul.f32 v40, v12;
	v17 =	vld.idx.msk [tilespmem:v55+s18+$0x0], $0xffff  }
0x142: {  	v25 =	vld [tilespmem:s13+$0x8200];
	v59 =	vadd.f32 $0.0e+00, v10;
	v20 =	vadd.f32 v26, v31;
	v31 =	vmul.f32 v36, v43  }
0x143: {  	v34 =	vadd.s32 $0x2380, v14;
	v19 =	vadd.s32 $0x2300, v21;
	v10 =	vadd.f32 v12, v9;
	v26 =	vld.idx.msk [tilespmem:v52+s18+$0x0], $0xffff  }
0x144: {  	v9 =	vadd.f32 v20, v59;
	v12 =	vadd.f32 v60, v31;
	v20 =	vld.idx.msk [tilespmem:v50+s18+$0x0], $0xffff;
	v21 =	vshll.u32 v29, $0x10  }
0x145: {  	v31 =	vld.idx.msk [tilespmem:v58+s18+$0x0], $0xffff;
	v29 =	vand.u32 $0xFFFF0000, v29;
	v62 =	vshll.u32 v57, $0x10;
	v63 =	vand.u32 $0xFFFF0000, v57  }
0x146: {  	v60 =	vld [tilespmem:s0+$0xB280];
	v49 =	vshll.u32 v32, $0x10;
	v32 =	vand.u32 $0xFFFF0000, v32;
	v51 =	vshll.u32 v17, $0x10  }
0x147: {  	v30 =	vld [tilespmem:s0+$0xB400];
	v17 =	vand.u32 $0xFFFF0000, v17;
	v38 =	vmul.f32 v21, v38;
	v29 =	vmul.f32 v29, v56  }
0x148: {  	v50 =	vld [tilespmem:s0+$0x12400];
	v21 =	vshll.u32 v26, $0x10;
	v35 =	vmul.f32 v62, v53;
	v17 =	vmul.f32 v17, v25  }
0x149: {  	v54 =	vld [tilespmem:s0+$0xA200];
	v26 =	vand.u32 $0xFFFF0000, v26;
	v25 =	vmul.f32 v63, v28;
	v18 =	vmul.f32 v51, v18  }
0x14a: {  	v58 =	vand.u32 $0xFFFF0000, v20;
	v53 =	vld.idx.msk [tilespmem:v19+s18+$0x0], $0xffff;
	v52 =	vmul.f32 v21, v47;
	v19 =	vmul.f32 v26, v33  }
0x14b: {  	v55 =	vand.u32 $0xFFFF0000, v31;
	v28 =	vld [tilespmem:s4+$0x10200];
	v26 =	vmul.f32 v32, v61;
	v32 =	vmul.f32 v58, v60  }
0x14c: {  	v56 =	vld [tilespmem:s0+$0x12200];
	v22 =	vmul.f32 v22, v17;
	v17 =	vshll.u32 v31, $0x10;
	v57 =	vmul.f32 v38, v39  }
0x14d: {  	v21 =	vshll.u32 v20, $0x10;
	v31 =	vld [tilespmem:s0+$0x12280];
	v35 =	vmul.f32 v35, v50;
	v20 =	vmul.f32 v17, v24  }
0x14e: {  	v59 =	vld [tilespmem:s0+$0x12300];
	v25 =	vmul.f32 v27, v25;
	v24 =	vmul.f32 v55, v23  }
0x14f: {  	s7 =	sor.u32 $0x3380, s3;
	v14 =	vld [tilespmem:s0+$0xB200];
	v27 =	vmul.f32 v49, v54;
	v20 =	vmul.f32 v20, v48  }
0x150: {  	v63 =	vadd.f32 v25, v35;
	v25 =	vld [tilespmem:s7+$0x8200];
	v23 =	vmul.f32 v52, v28;
	v28 =	vmul.f32 v46, v24  }
0x151: {  	s14 =	sor.u32 $0x2380, s3;
	v17 =	vshll.u32 v13, $0x10;
	v62 =	vand.u32 $0xFFFF0000, v53;
	v24 =	vld.idx.msk [tilespmem:v34+s18+$0x0], $0xffff;
	v33 =	vmul.f32 v27, v56  }
0x152: {  	s15 =	sor.u32 $0x2300, s3;
	v31 =	vmul.f32 v31, v26;
	v20 =	vadd.f32 v28, v20;
	v28 =	vmul.f32 v16, v29;
	v26 =	vld [tilespmem:s14+$0x8200]  }
0x153: {  	v61 =	vshll.u32 v53, $0x10;
	v29 =	vmul.f32 v18, v59;
	v18 =	vmul.f32 v62, v15;
	v16 =	vld [tilespmem:s15+$0x8200]  }
0x154: {  	s6 =	simm.s32 $0x20;
	s3 =	simm.s32 $0x18220;
	s25 =	simm.s32 $0x20;
	v27 =	vand.u32 $0xFFFF0000, v13;
	v15 =	vld [tilespmem:s14+$0x10200];
	v33 =	vadd.f32 v31, v33;
	v31 =	vmul.f32 v61, v30  }
0x155: {  	s5 =	simm.s32 $0x1;
	s4 =	simm.s32 $0x100;
	s0 =	simm.s32 $0x0;
	v13 =	vadd.f32 v28, v57;
	v28 =	vadd.f32 $0.0e+00, v63;
	v30 =	vmul.f32 v11, v18;
	v18 =	vld [tilespmem:s15+$0x10200]  }
.LBB2_4:
0x156: {  	s8 =	sand.u32 $0x3, s5;
	s9 =	sand.u32 $0x60, s6;
	s10 =	sand.u32 $0xC00, s4;
	v33 =	vadd.f32 $0.0e+00, v33;
	v14 =	vmul.f32 v21, v14;
	v5 =	vmul.f32 v31, v5;
	v21 =	vld [tilespmem:s7+$0x10200]  }
0x157: {  	v22 =	vadd.f32 v22, v29;
	v7 =	vmul.f32 v7, v19;
	s7 =	sor.u32 s9, s10;
	s12 =	sor.u32 $0x10, s9;
	s9 =	sand.u32 $0x180, s6;
	v4 =	vmul.f32 v4, v32;
	v19 =	vld [tilespmem:s31+$0x10200]  }
0x158: {  	s0 =	sadd.s32 $0x2, s0;
	s8 =	sshll.u32 s8, $0x5;
	v26 =	vmul.f32 v27, v26;
	v27 =	vand.u32 $0xFFFF0000, v24;
	v11 =	vld [tilespmem:s7+$0x13480];
	s11 =	sor.u32 s9, s12;
	v5 =	vadd.f32 v30, v5  }
0x159: {  	p0 =	slt.u32 s0, $0x1E;
	s9 =	sadd.s32 s8, s4;
	s10 =	sor.u32 s10, s12;
	v7 =	vadd.f32 v7, v23;
	v2 =	vmul.f32 v14, v2;
	v14 =	vshll.u32 v24, $0x10;
	v29 =	vld [tilespmem:s11+$0x18200]  }
0x15a: {  	v3 =	vmul.f32 v14, v3;
	v14 =	vmul.f32 v27, v25;
	v23 =	vld [tilespmem:s10+$0xA280];
	v5 =	vadd.f32 v5, v28  }
0x15b: {  	v22 =	vadd.f32 $0.0e+00, v22;
	v2 =	vadd.f32 v4, v2;
	v4 =	vmul.f32 v15, v26;
	v24 =	vld [tilespmem:s10+$0xA200]  }
0x15c: {  	v7 =	vadd.f32 $0.0e+00, v7;
	v14 =	vmul.f32 v21, v14;
	v25 =	vld [tilespmem:s11+$0x0];
	v3 =	vmul.f32 v3, v19  }
0x15d: {  	v16 =	vmul.f32 v17, v16;
	v2 =	vadd.f32 v2, v33;
	v19 =	vadd.f32 v20, v22;
	v15 =	vld [tilespmem:s10+$0x13480]  }
0x15e: {  	v7 =	vadd.f32 v13, v7;
	v17 =	vld [tilespmem:s10+$0xA300];
	v3 =	vadd.f32 v14, v3  }
0x15f: {  	v6 =	vadd.f32 $0.0e+00, v6;
	v13 =	vmul.f32 v16, v18;
	v20 =	vld [tilespmem:s10+$0xA380]  }
0x160: {  	v2 =	vadd.f32 v19, v2;
	v5 =	vadd.f32 v7, v5;
	v16 =	vld [tilespmem:s10+$0xA400]  }
0x161: {  	v8 =	vadd.f32 $0.0e+00, v8;
	v4 =	vadd.f32 v4, v13;
	v7 =	vshll.u32 v25, $0x3;
	v18 =	vld [tilespmem:s10+$0xA480]  }
0x162: {  	v5 =	vadd.f32 v5, v2;
	v14 =	vand.u32 $0x7F, v25;
	v13 =	vld [tilespmem:s3+$0x0];
	v7 =	vand.u32 $0xFFFFFC00, v7  }
0x163: {  	v6 =	vadd.f32 v10, v6;
	v14 =	vor.u32 v14, v7;
	v19 =	vld [tilespmem:s10+$0x13200];
	v7 =	vadd.f32 $0.0e+00, v4  }
0x164: {  	v22 =	vadd.f32 v5, v1;
	v5 =	vadd.f32 v12, v8;
	v2 =	vld [tilespmem:s7+$0x13200];
	v10 =	vadd.s32 $0x2000, v14  }
0x165: {  	s8 =	sadd.s32 $0x10, s9;
	v8 =	vadd.s32 $0x2080, v14;
	v4 =	vld [tilespmem:s7+$0x13280];
	v7 =	vadd.f32 v3, v7  }
0x166: {  	s31 =	sor.u32 $0x3300, s8;
	v6 =	vadd.f32 v9, v6;
	v21 =	vadd.s32 $0x2100, v14;
	v12 =	vld [tilespmem:s10+$0x12200];
	[tilespmem:s30+$0x0] =	vst v22;
	s30 =	smov.u32 s3  }
0x167: {  	v9 =	vadd.s32 $0x2180, v14;
	v3 =	vld [tilespmem:s31+$0x8200];
	v7 =	vadd.f32 v7, v5;
	v1 =	vmov v13  }
0x168: {  	v22 =	vadd.s32 $0x2200, v14;
	v5 =	vld [tilespmem:s7+$0x13400]  }
0x169: {  	v25 =	vadd.s32 $0x2280, v14;
	v10 =	vld.idx.msk [tilespmem:v10+s18+$0x0], $0xffff;
	v6 =	vadd.f32 v7, v6  }
0x16a: {  	v7 =	vld.idx.msk [tilespmem:v8+s18+$0x0], $0xffff  }
0x16b: {  	v8 =	vld.idx.msk [tilespmem:v21+s18+$0x0], $0xffff;
	v6 =	vadd.f32 v6, v0;
	v0 =	vmov v29  }
0x16c: {  	v13 =	vld.idx.msk [tilespmem:v9+s18+$0x0], $0xffff  }
0x16d: {  	v9 =	vld.idx.msk [tilespmem:v22+s18+$0x0], $0xffff;
	[tilespmem:s29+$0x18200] =	vst v6;
	s29 =	smov.u32 s11  }
0x16e: {  	v21 =	vld.idx.msk [tilespmem:v25+s18+$0x0], $0xffff  }
0x16f: {  	v6 =	vshll.u32 v10, $0x10;
	v10 =	vand.u32 $0xFFFF0000, v10;
	v22 =	vld [tilespmem:s10+$0x12280]  }
0x170: {  	v6 =	vmul.f32 v6, v24;
	v24 =	vshll.u32 v7, $0x10;
	v7 =	vand.u32 $0xFFFF0000, v7;
	v25 =	vld [tilespmem:s10+$0x12300]  }
0x171: {  	v17 =	vmul.f32 v24, v17;
	v7 =	vmul.f32 v7, v20;
	v20 =	vshll.u32 v8, $0x10;
	v26 =	vld [tilespmem:s10+$0x12380]  }
0x172: {  	v10 =	vmul.f32 v10, v23;
	v8 =	vand.u32 $0xFFFF0000, v8;
	v16 =	vmul.f32 v20, v16;
	v23 =	vld [tilespmem:s10+$0x12400]  }
0x173: {  	v6 =	vmul.f32 v6, v12;
	v8 =	vmul.f32 v8, v18;
	v12 =	vld [tilespmem:s10+$0x12480]  }
0x174: {  	v10 =	vmul.f32 v22, v10;
	v18 =	vld [tilespmem:s10+$0xB200]  }
0x175: {  	v17 =	vmul.f32 v17, v25;
	v20 =	vld [tilespmem:s10+$0xB280]  }
0x176: {  	v6 =	vadd.f32 v10, v6;
	v7 =	vmul.f32 v26, v7;
	v10 =	vld [tilespmem:s10+$0xB300]  }
0x177: {  	v22 =	vld [tilespmem:s10+$0xB380]  }
0x178: {  	s12 =	sor.u32 s6, s4;
	v16 =	vmul.f32 v16, v23;
	v24 =	vadd.f32 v7, v17;
	v8 =	vmul.f32 v12, v8;
	v12 =	vld [tilespmem:s10+$0xB400]  }
0x179: {  	s11 =	sor.u32 $0x2380, s12;
	v23 =	vld [tilespmem:s10+$0xB480]  }
0x17a: {  	s13 =	sor.u32 $0x3300, s9;
	v7 =	vld [tilespmem:s11+$0x10200];
	v8 =	vadd.f32 v8, v16  }
0x17b: {  	v25 =	vld [tilespmem:s13+$0x8200]  }
0x17c: {  	v16 =	vadd.s32 $0x2300, v14;
	v17 =	vld [tilespmem:s13+$0x10200]  }
0x17d: {  	v26 =	vld [tilespmem:s10+$0x13280]  }
0x17e: {  	v27 =	vld [tilespmem:s10+$0x13300]  }
0x17f: {  	v28 =	vshll.u32 v9, $0x10;
	v29 =	vld [tilespmem:s10+$0x13380]  }
0x180: {  	v9 =	vand.u32 $0xFFFF0000, v9;
	v28 =	vmul.f32 v28, v18;
	v30 =	vld [tilespmem:s10+$0x13400]  }
0x181: {  	v18 =	vshll.u32 v21, $0x10;
	v9 =	vmul.f32 v9, v20;
	v20 =	vand.u32 $0xFFFF0000, v21;
	v21 =	vld.idx.msk [tilespmem:v16+s18+$0x0], $0xffff  }
0x182: {  	s12 =	sor.u32 $0x3380, s12;
	v10 =	vmul.f32 v18, v10;
	v22 =	vmul.f32 v20, v22;
	s10 =	sand.u32 $0xFFFFFC00, s4;
	v16 =	vld [tilespmem:s7+$0xB480]  }
0x183: {  	v19 =	vmul.f32 v28, v19;
	s10 =	sadd.s32 s10, s6;
	v9 =	vmul.f32 v26, v9;
	v18 =	vld [tilespmem:s12+$0x10200]  }
0x184: {  	s13 =	sor.u32 $0x3180, s10;
	v26 =	vmul.f32 v10, v27;
	v20 =	vld [tilespmem:s7+$0xA300];
	v22 =	vmul.f32 v29, v22  }
0x185: {  	v10 =	vadd.f32 v9, v19;
	v27 =	vld [tilespmem:s13+$0x10200]  }
0x186: {  	v9 =	vadd.f32 $0.0e+00, v24;
	v19 =	vld [tilespmem:s25+$0x0];
	v22 =	vadd.f32 v22, v26  }
0x187: {  	v26 =	vshll.u32 v21, $0x10;
	v21 =	vand.u32 $0xFFFF0000, v21;
	v24 =	vld [tilespmem:s7+$0x13300]  }
0x188: {  	v12 =	vmul.f32 v26, v12;
	v21 =	vmul.f32 v21, v23;
	v28 =	vld [tilespmem:s13+$0x8200];
	v9 =	vadd.f32 v22, v9  }
0x189: {  	v23 =	vld [tilespmem:s7+$0x12480]  }
0x18a: {  	s10 =	sor.u32 $0x2180, s10;
	v12 =	vmul.f32 v12, v30;
	v15 =	vmul.f32 v15, v21;
	v26 =	vld [tilespmem:s7+$0xB300]  }
0x18b: {  	v21 =	vshll.u32 v19, $0x3;
	v22 =	vld [tilespmem:s10+$0x10200]  }
0x18c: {  	v19 =	vand.u32 $0x7F, v19;
	v12 =	vadd.f32 v15, v12;
	v21 =	vand.u32 $0xFFFFFC00, v21;
	v29 =	vld [tilespmem:s7+$0xA480]  }
0x18d: {  	v15 =	vor.u32 v19, v21;
	v30 =	vld [tilespmem:s7+$0xB400]  }
0x18e: {  	s9 =	sor.u32 $0x2300, s9;
	v19 =	vadd.s32 $0x2000, v15;
	v21 =	vadd.s32 $0x2080, v15;
	v31 =	vld [tilespmem:s10+$0x8200];
	v32 =	vadd.s32 $0x2380, v15  }
0x18f: {  	v33 =	vadd.s32 $0x2100, v15;
	v34 =	vadd.s32 $0x2180, v15;
	v35 =	vld [tilespmem:s9+$0x8200]  }
0x190: {  	v36 =	vld [tilespmem:s7+$0xA400]  }
0x191: {  	v37 =	vld [tilespmem:s11+$0x8200]  }
0x192: {  	v38 =	vld [tilespmem:s12+$0x8200]  }
0x193: {  	v39 =	vadd.s32 $0x2200, v15;
	v32 =	vld.idx.msk [tilespmem:v32+s18+$0x0], $0xffff  }
0x194: {  	v40 =	vadd.s32 $0x2280, v15;
	v33 =	vld.idx.msk [tilespmem:v33+s18+$0x0], $0xffff  }
0x195: {  	v34 =	vld.idx.msk [tilespmem:v34+s18+$0x0], $0xffff  }
0x196: {  	v19 =	vld.idx.msk [tilespmem:v19+s18+$0x0], $0xffff  }
0x197: {  	v21 =	vld.idx.msk [tilespmem:v21+s18+$0x0], $0xffff  }
0x198: {  	v15 =	vadd.s32 $0x2300, v15;
	v39 =	vld.idx.msk [tilespmem:v39+s18+$0x0], $0xffff  }
0x199: {  	v42 =	vadd.s32 $0x2380, v14;
	v41 =	vshll.u32 v32, $0x10;
	v32 =	vand.u32 $0xFFFF0000, v32;
	v40 =	vld.idx.msk [tilespmem:v40+s18+$0x0], $0xffff  }
0x19a: {  	v44 =	vshll.u32 v33, $0x10;
	v33 =	vand.u32 $0xFFFF0000, v33;
	v25 =	vmul.f32 v41, v25;
	v43 =	vld [tilespmem:s7+$0xA280]  }
0x19b: {  	v32 =	vmul.f32 v32, v38;
	v41 =	vshll.u32 v34, $0x10;
	v34 =	vand.u32 $0xFFFF0000, v34;
	v14 =	vld [tilespmem:s7+$0xB200]  }
0x19c: {  	v36 =	vmul.f32 v44, v36;
	v38 =	vshll.u32 v19, $0x10;
	v45 =	vand.u32 $0xFFFF0000, v19;
	v46 =	vld [tilespmem:s7+$0x12400]  }
0x19d: {  	v35 =	vmul.f32 v41, v35;
	v44 =	vshll.u32 v21, $0x10;
	v19 =	vand.u32 $0xFFFF0000, v21;
	v15 =	vld.idx.msk [tilespmem:v15+s18+$0x0], $0xffff  }
0x19e: {  	v31 =	vmul.f32 v19, v31;
	v19 =	vmul.f32 v34, v37;
	v21 =	vshll.u32 v39, $0x10;
	v41 =	vld [tilespmem:s7+$0xA200]  }
0x19f: {  	v29 =	vmul.f32 v33, v29;
	v37 =	vand.u32 $0xFFFF0000, v40;
	v34 =	vmul.f32 v45, v43;
	v33 =	vld [tilespmem:s9+$0x10200]  }
0x1a0: {  	v22 =	vmul.f32 v22, v31;
	v31 =	vshll.u32 v40, $0x10;
	v40 =	vmul.f32 v25, v17;
	v43 =	vld [tilespmem:s7+$0x12200]  }
0x1a1: {  	v26 =	vmul.f32 v31, v26;
	v45 =	vld [tilespmem:s7+$0x12280];
	v25 =	vmul.f32 v36, v46;
	v36 =	vand.u32 $0xFFFF0000, v39  }
0x1a2: {  	v29 =	vmul.f32 v23, v29;
	v28 =	vmul.f32 v37, v28;
	v17 =	vshll.u32 v13, $0x10;
	v31 =	vld [tilespmem:s7+$0x12300]  }
0x1a3: {  	v26 =	vmul.f32 v26, v24;
	v39 =	vshll.u32 v15, $0x10;
	v37 =	vmul.f32 v38, v41;
	v38 =	vld [tilespmem:s7+$0xB280]  }
0x1a4: {  	v27 =	vmul.f32 v27, v28;
	v15 =	vand.u32 $0xFFFF0000, v15;
	s7 =	sor.u32 $0x3380, s8;
	v23 =	vmul.f32 v35, v33;
	v24 =	vld.idx.msk [tilespmem:v42+s18+$0x0], $0xffff  }
.Ltmp1:
0x1a5: {  	s9 =	sor.u32 $0x2380, s8;
	v33 =	vmul.f32 v44, v20;
	v35 =	vadd.f32 v29, v25;
	v28 =	vmul.f32 v37, v43;
	v25 =	vld [tilespmem:s7+$0x8200];
	(pc) =	sbr.rel @p0 .LBB2_4-.Ltmp1, $4  }
0x1a6: {  	v18 =	vmul.f32 v18, v32;
	s8 =	sor.u32 $0x2300, s8;
	v20 =	vadd.f32 v27, v26;
	v34 =	vmul.f32 v45, v34;
	v26 =	vld [tilespmem:s9+$0x8200]  }
0x1a7: {  	v27 =	vand.u32 $0xFFFF0000, v13;
	v37 =	vmul.f32 v15, v16;
	v29 =	vmul.f32 v33, v31;
	v16 =	vld [tilespmem:s8+$0x8200]  }
0x1a8: {  	s3 =	sadd.s32 $0x20, s3;
	s25 =	sadd.s32 $0x20, s25;
	v13 =	vadd.f32 v18, v40;
	v31 =	vmul.f32 v39, v30;
	v33 =	vadd.f32 v34, v28;
	v15 =	vld [tilespmem:s9+$0x10200]  }
0x1a9: {  	s5 =	sadd.s32 $0x1, s5;
	s4 =	sadd.s32 $0x100, s4;
	s6 =	sadd.s32 $0x20, s6;
	v30 =	vmul.f32 v11, v37;
	v28 =	vadd.f32 $0.0e+00, v35;
	v32 =	vmul.f32 v36, v38;
	v18 =	vld [tilespmem:s8+$0x10200]  }
0x1aa: {  	v11 =	vadd.f32 $0.0e+00, v33;
	v14 =	vmul.f32 v21, v14;
	v5 =	vmul.f32 v31, v5  }
0x1ab: {  	v22 =	vadd.f32 v22, v29;
	v7 =	vmul.f32 v7, v19;
	v6 =	vadd.f32 $0.0e+00, v6  }
0x1ac: {  	v21 =	vld [tilespmem:s7+$0x10200];
	v8 =	vadd.f32 $0.0e+00, v8;
	v4 =	vmul.f32 v4, v32;
	v26 =	vmul.f32 v27, v26  }
0x1ad: {  	v19 =	vld [tilespmem:s31+$0x10200];
	v27 =	vand.u32 $0xFFFF0000, v24;
	v2 =	vmul.f32 v14, v2;
	v14 =	vshll.u32 v24, $0x10  }
0x1ae: {  	v5 =	vadd.f32 v30, v5;
	v3 =	vmul.f32 v14, v3;
	v14 =	vmul.f32 v17, v16  }
0x1af: {  	v7 =	vadd.f32 v7, v23;
	v6 =	vadd.f32 v10, v6;
	v16 =	vmul.f32 v27, v25  }
0x1b0: {  	v2 =	vadd.f32 v4, v2;
	v4 =	vmul.f32 v15, v26;
	v14 =	vmul.f32 v14, v18  }
0x1b1: {  	v17 =	vadd.f32 $0.0e+00, v22;
	v5 =	vadd.f32 v5, v28  }
0x1b2: {  	v3 =	vmul.f32 v3, v19;
	v15 =	vmul.f32 v21, v16;
	v4 =	vadd.f32 v4, v14  }
0x1b3: {  	v7 =	vadd.f32 $0.0e+00, v7;
	v2 =	vadd.f32 v2, v11  }
0x1b4: {  	v3 =	vadd.f32 v15, v3;
	v4 =	vadd.f32 $0.0e+00, v4  }
0x1b5: {  	v11 =	vadd.f32 v20, v17;
	v7 =	vadd.f32 v13, v7  }
0x1b6: {  	v8 =	vadd.f32 v12, v8;
	v3 =	vadd.f32 v3, v4  }
0x1b7: {  	v2 =	vadd.f32 v11, v2;
	v4 =	vadd.f32 v7, v5  }
0x1b8: {  	v5 =	vadd.f32 v9, v6;
	v3 =	vadd.f32 v3, v8  }
0x1b9: {  	v2 =	vadd.f32 v4, v2  }
0x1ba: {  	v3 =	vadd.f32 v3, v5  }
0x1bb: {  	v1 =	vadd.f32 v2, v1  }
0x1bc: {  	v0 =	vadd.f32 v3, v0  }
0x1bd: {  	[tilespmem:s30+$0x0] =	vst v1  }
0x1be: {  	[tilespmem:s29+$0x18200] =	vst v0  }
0x1bf: {  	_ =	strace $0x9000004C  }
0x1c0: {  	_ =	strace $0x8000004D  }
0x1c1: {  	_ =	swait.ge [sflag:s23], $0x2000  }
0x1c2: {  	[sflag:s23] =	ssyncset.done $0x0  }
0x1c3: {  	[sflag:s23] =	ssyncadd.s32 $0xFFFFE000  }
0x1c4: {  	_ =	swait.ge [sflag:s23], $0x2000  }
0x1c5: {  	[sflag:s23] =	ssyncset.done $0x0  }
0x1c6: {  	[sflag:s23] =	ssyncadd.s32 $0xFFFFE000  }
0x1c7: {  	_ =	swait.ge [sflag:s23], $0x2000  }
0x1c8: {  	s5 =	simm.s32 $0x0;
	[sflag:s23] =	ssyncset.done $0x0  }
0x1c9: {  	s3 =	sand.u32 $0x60, s5;
	[sflag:s23] =	ssyncadd.s32 $0xFFFFE000  }
0x1ca: {  	s4 =	sand.u32 $0xC00, s5;
	s6 =	sand.u32 $0x180, s5;
	_ =	strace $0x9000004D  }
0x1cb: {  	s0 =	sor.u32 s3, s4;
	s3 =	sor.u32 $0x10, s3;
	_ =	strace $0x8000004E  }
0x1cc: {  	s29 =	sor.u32 s6, s3;
	v11 =	vld [tilespmem:s0+$0x15480]  }
0x1cd: {  	s25 =	sor.u32 s4, s3;
	v0 =	vld [tilespmem:s29+$0x18200]  }
0x1ce: {  	v6 =	vld [tilespmem:s25+$0xC280]  }
0x1cf: {  	v9 =	vld [tilespmem:s25+$0xC200]  }
0x1d0: {  	v2 =	vld [tilespmem:s29+$0x0]  }
0x1d1: {  	v8 =	vld [tilespmem:s25+$0x15480]  }
0x1d2: {  	v10 =	vld [tilespmem:s25+$0xC300]  }
0x1d3: {  	v12 =	vld [tilespmem:s25+$0xC380]  }
0x1d4: {  	v17 =	vld [tilespmem:s25+$0xC400]  }
0x1d5: {  	s30 =	simm.s32 $0x18200;
	v19 =	vld [tilespmem:s25+$0xC480]  }
0x1d6: {  	v1 =	vld [tilespmem:s30+$0x0]  }
0x1d7: {  	v20 =	vld [tilespmem:s25+$0x15200]  }
0x1d8: {  	v4 =	vld [tilespmem:s0+$0x15280]  }
0x1d9: {  	v21 =	vld [tilespmem:s25+$0x14200]  }
0x1da: {  	v5 =	vld [tilespmem:s0+$0x15400]  }
0x1db: {  	v27 =	vld [tilespmem:s25+$0x14280]  }
0x1dc: {  	v28 =	vld [tilespmem:s25+$0x14300]  }
0x1dd: {  	v29 =	vld [tilespmem:s25+$0x14380]  }
0x1de: {  	v30 =	vld [tilespmem:s25+$0x14400]  }
0x1df: {  	v31 =	vld [tilespmem:s25+$0x14480]  }
0x1e0: {  	v59 =	vld [tilespmem:s25+$0xD200]  }
0x1e1: {  	v60 =	vld [tilespmem:s25+$0xD280]  }
0x1e2: {  	s4 =	sand.u32 $0x3, s5;
	v34 =	vld [tilespmem:s25+$0xD300]  }
0x1e3: {  	s3 =	sshll.u32 s4, $0x5;
	v35 =	vld [tilespmem:s25+$0xD380]  }
0x1e4: {  	s6 =	sadd.s32 $0x0, s3;
	v36 =	vld [tilespmem:s25+$0xD400]  }
0x1e5: {  	s9 =	sor.u32 $0x5300, s6;
	v37 =	vld [tilespmem:s25+$0xD480]  }
0x1e6: {  	v38 =	vld [tilespmem:s9+$0x8200]  }
0x1e7: {  	v39 =	vld [tilespmem:s9+$0x10200]  }
0x1e8: {  	v40 =	vld [tilespmem:s25+$0x15280]  }
0x1e9: {  	s11 =	sand.u32 $0xFFFFFC00, s5;
	v41 =	vld [tilespmem:s25+$0x15300]  }
0x1ea: {  	s7 =	sadd.s32 $0x0, s11;
	v42 =	vld [tilespmem:s25+$0x15380]  }
0x1eb: {  	s12 =	sor.u32 $0x5180, s7;
	v43 =	vld [tilespmem:s25+$0x15400];
	v3 =	vshll.u32 v2, $0x3  }
0x1ec: {  	v46 =	vld [tilespmem:s12+$0x10200];
	v2 =	vand.u32 $0x7F, v2;
	v3 =	vand.u32 $0xFFFFFC00, v3  }
0x1ed: {  	v47 =	vld [tilespmem:s5+$0x0];
	v14 =	vor.u32 v2, v3  }
0x1ee: {  	s8 =	sor.u32 s5, s5;
	v48 =	vld [tilespmem:s0+$0x15300];
	v7 =	vadd.s32 $0x4000, v14  }
0x1ef: {  	s10 =	sor.u32 $0x4380, s8;
	v53 =	vld [tilespmem:s0+$0xC400];
	v13 =	vadd.s32 $0x4080, v14  }
0x1f0: {  	s8 =	sor.u32 $0x5380, s8;
	v33 =	vld [tilespmem:s10+$0x8200];
	v15 =	vadd.s32 $0x4100, v14  }
0x1f1: {  	v56 =	vld [tilespmem:s8+$0x8200]  }
0x1f2: {  	v2 =	vld [tilespmem:s0+$0x15200];
	v16 =	vadd.s32 $0x4180, v14  }
0x1f3: {  	v18 =	vadd.s32 $0x4200, v14;
	v22 =	vld.idx.msk [tilespmem:v7+s18+$0x0], $0xffff  }
0x1f4: {  	s3 =	sadd.s32 $0x10, s6;
	v23 =	vld.idx.msk [tilespmem:v13+s18+$0x0], $0xffff  }
0x1f5: {  	s31 =	sor.u32 $0x5300, s3;
	v24 =	vld.idx.msk [tilespmem:v15+s18+$0x0], $0xffff  }
0x1f6: {  	v3 =	vld [tilespmem:s31+$0x8200];
	v7 =	vadd.s32 $0x4280, v14  }
0x1f7: {  	v13 =	vld.idx.msk [tilespmem:v16+s18+$0x0], $0xffff;
	v15 =	vadd.s32 $0x4300, v14  }
0x1f8: {  	v25 =	vld.idx.msk [tilespmem:v18+s18+$0x0], $0xffff;
	v45 =	vshll.u32 v22, $0x10;
	v22 =	vand.u32 $0xFFFF0000, v22  }
0x1f9: {  	v16 =	vld [tilespmem:s8+$0x10200];
	v61 =	vshll.u32 v23, $0x10;
	v23 =	vand.u32 $0xFFFF0000, v23;
	v9 =	vmul.f32 v45, v9  }
0x1fa: {  	v18 =	vld [tilespmem:s0+$0xC300];
	v62 =	vshll.u32 v24, $0x10;
	v10 =	vmul.f32 v61, v10;
	v6 =	vmul.f32 v22, v6  }
0x1fb: {  	v26 =	vld.idx.msk [tilespmem:v7+s18+$0x0], $0xffff;
	v12 =	vmul.f32 v23, v12;
	v17 =	vmul.f32 v62, v17  }
0x1fc: {  	v44 =	vld.idx.msk [tilespmem:v15+s18+$0x0], $0xffff;
	v9 =	vmul.f32 v9, v21;
	v6 =	vmul.f32 v27, v6  }
0x1fd: {  	v7 =	vld [tilespmem:s10+$0x10200];
	v10 =	vmul.f32 v10, v28;
	v12 =	vmul.f32 v29, v12  }
0x1fe: {  	v15 =	vld [tilespmem:s0+$0xD480];
	v21 =	vand.u32 $0xFFFF0000, v24;
	v6 =	vadd.f32 v6, v9;
	v9 =	vshll.u32 v47, $0x3  }
0x1ff: {  	s13 =	sor.u32 $0x4180, s7;
	v23 =	vld [tilespmem:s12+$0x8200];
	v10 =	vadd.f32 v12, v10;
	v12 =	vand.u32 $0x7F, v47;
	v9 =	vand.u32 $0xFFFFFC00, v9  }
0x200: {  	v22 =	vld [tilespmem:s13+$0x10200];
	v19 =	vmul.f32 v21, v19;
	v21 =	vor.u32 v12, v9  }
0x201: {  	v61 =	vld [tilespmem:s0+$0xC280];
	v17 =	vmul.f32 v17, v30;
	v49 =	vshll.u32 v44, $0x10;
	v29 =	vadd.s32 $0x4380, v21  }
0x202: {  	v27 =	vld [tilespmem:s0+$0x14480];
	v44 =	vand.u32 $0xFFFF0000, v44;
	v19 =	vmul.f32 v31, v19;
	v63 =	vadd.s32 $0x4100, v21  }
0x203: {  	v24 =	vld [tilespmem:s0+$0xD300];
	v31 =	vshll.u32 v26, $0x10;
	v26 =	vand.u32 $0xFFFF0000, v26;
	v54 =	vadd.s32 $0x4000, v21  }
0x204: {  	s4 =	sor.u32 $0x4300, s6;
	v28 =	vld [tilespmem:s0+$0xC480];
	v36 =	vmul.f32 v49, v36;
	v37 =	vmul.f32 v44, v37;
	v55 =	vadd.s32 $0x4080, v21  }
0x205: {  	v47 =	vld [tilespmem:s4+$0x8200];
	v9 =	vshll.u32 v25, $0x10;
	v12 =	vand.u32 $0xFFFF0000, v25;
	v31 =	vmul.f32 v31, v34  }
0x206: {  	v26 =	vmul.f32 v26, v35;
	v52 =	vadd.s32 $0x4180, v21;
	v9 =	vmul.f32 v9, v59;
	v29 =	vld.idx.msk [tilespmem:v29+s18+$0x0], $0xffff  }
0x207: {  	v12 =	vmul.f32 v12, v60;
	v50 =	vadd.s32 $0x4200, v21;
	v60 =	vmul.f32 v8, v37;
	v57 =	vld.idx.msk [tilespmem:v63+s18+$0x0], $0xffff  }
0x208: {  	v58 =	vadd.s32 $0x4280, v21;
	v31 =	vmul.f32 v31, v41;
	v26 =	vmul.f32 v42, v26;
	v32 =	vld.idx.msk [tilespmem:v54+s18+$0x0], $0xffff  }
0x209: {  	v8 =	vadd.f32 v19, v17;
	v9 =	vmul.f32 v9, v20;
	v12 =	vmul.f32 v40, v12;
	v17 =	vld.idx.msk [tilespmem:v55+s18+$0x0], $0xffff  }
0x20a: {  	v25 =	vld [tilespmem:s13+$0x8200];
	v59 =	vadd.f32 $0.0e+00, v10;
	v20 =	vadd.f32 v26, v31;
	v31 =	vmul.f32 v36, v43  }
0x20b: {  	v34 =	vadd.s32 $0x4380, v14;
	v19 =	vadd.s32 $0x4300, v21;
	v10 =	vadd.f32 v12, v9;
	v26 =	vld.idx.msk [tilespmem:v52+s18+$0x0], $0xffff  }
0x20c: {  	v9 =	vadd.f32 v20, v59;
	v12 =	vadd.f32 v60, v31;
	v20 =	vld.idx.msk [tilespmem:v50+s18+$0x0], $0xffff;
	v21 =	vshll.u32 v29, $0x10  }
0x20d: {  	v31 =	vld.idx.msk [tilespmem:v58+s18+$0x0], $0xffff;
	v29 =	vand.u32 $0xFFFF0000, v29;
	v62 =	vshll.u32 v57, $0x10;
	v63 =	vand.u32 $0xFFFF0000, v57  }
0x20e: {  	v60 =	vld [tilespmem:s0+$0xD280];
	v49 =	vshll.u32 v32, $0x10;
	v32 =	vand.u32 $0xFFFF0000, v32;
	v51 =	vshll.u32 v17, $0x10  }
0x20f: {  	v30 =	vld [tilespmem:s0+$0xD400];
	v17 =	vand.u32 $0xFFFF0000, v17;
	v38 =	vmul.f32 v21, v38;
	v29 =	vmul.f32 v29, v56  }
0x210: {  	v50 =	vld [tilespmem:s0+$0x14400];
	v21 =	vshll.u32 v26, $0x10;
	v35 =	vmul.f32 v62, v53;
	v17 =	vmul.f32 v17, v25  }
0x211: {  	v54 =	vld [tilespmem:s0+$0xC200];
	v26 =	vand.u32 $0xFFFF0000, v26;
	v25 =	vmul.f32 v63, v28;
	v18 =	vmul.f32 v51, v18  }
0x212: {  	v58 =	vand.u32 $0xFFFF0000, v20;
	v53 =	vld.idx.msk [tilespmem:v19+s18+$0x0], $0xffff;
	v52 =	vmul.f32 v21, v47;
	v19 =	vmul.f32 v26, v33  }
0x213: {  	v55 =	vand.u32 $0xFFFF0000, v31;
	v28 =	vld [tilespmem:s4+$0x10200];
	v26 =	vmul.f32 v32, v61;
	v32 =	vmul.f32 v58, v60  }
0x214: {  	v56 =	vld [tilespmem:s0+$0x14200];
	v22 =	vmul.f32 v22, v17;
	v17 =	vshll.u32 v31, $0x10;
	v57 =	vmul.f32 v38, v39  }
0x215: {  	v21 =	vshll.u32 v20, $0x10;
	v31 =	vld [tilespmem:s0+$0x14280];
	v35 =	vmul.f32 v35, v50;
	v20 =	vmul.f32 v17, v24  }
0x216: {  	v59 =	vld [tilespmem:s0+$0x14300];
	v25 =	vmul.f32 v27, v25;
	v24 =	vmul.f32 v55, v23  }
0x217: {  	s7 =	sor.u32 $0x5380, s3;
	v14 =	vld [tilespmem:s0+$0xD200];
	v27 =	vmul.f32 v49, v54;
	v20 =	vmul.f32 v20, v48  }
0x218: {  	v63 =	vadd.f32 v25, v35;
	v25 =	vld [tilespmem:s7+$0x8200];
	v23 =	vmul.f32 v52, v28;
	v28 =	vmul.f32 v46, v24  }
0x219: {  	s14 =	sor.u32 $0x4380, s3;
	v17 =	vshll.u32 v13, $0x10;
	v62 =	vand.u32 $0xFFFF0000, v53;
	v24 =	vld.idx.msk [tilespmem:v34+s18+$0x0], $0xffff;
	v33 =	vmul.f32 v27, v56  }
0x21a: {  	s15 =	sor.u32 $0x4300, s3;
	v31 =	vmul.f32 v31, v26;
	v20 =	vadd.f32 v28, v20;
	v28 =	vmul.f32 v16, v29;
	v26 =	vld [tilespmem:s14+$0x8200]  }
0x21b: {  	v61 =	vshll.u32 v53, $0x10;
	v29 =	vmul.f32 v18, v59;
	v18 =	vmul.f32 v62, v15;
	v16 =	vld [tilespmem:s15+$0x8200]  }
0x21c: {  	s6 =	simm.s32 $0x20;
	s3 =	simm.s32 $0x18220;
	s25 =	simm.s32 $0x20;
	v27 =	vand.u32 $0xFFFF0000, v13;
	v15 =	vld [tilespmem:s14+$0x10200];
	v33 =	vadd.f32 v31, v33;
	v31 =	vmul.f32 v61, v30  }
0x21d: {  	s5 =	simm.s32 $0x1;
	s4 =	simm.s32 $0x100;
	s0 =	simm.s32 $0x0;
	v13 =	vadd.f32 v28, v57;
	v28 =	vadd.f32 $0.0e+00, v63;
	v30 =	vmul.f32 v11, v18;
	v18 =	vld [tilespmem:s15+$0x10200]  }
.LBB2_6:
0x21e: {  	s8 =	sand.u32 $0x3, s5;
	s9 =	sand.u32 $0x60, s6;
	s10 =	sand.u32 $0xC00, s4;
	v33 =	vadd.f32 $0.0e+00, v33;
	v14 =	vmul.f32 v21, v14;
	v5 =	vmul.f32 v31, v5;
	v21 =	vld [tilespmem:s7+$0x10200]  }
0x21f: {  	v22 =	vadd.f32 v22, v29;
	v7 =	vmul.f32 v7, v19;
	s7 =	sor.u32 s9, s10;
	s12 =	sor.u32 $0x10, s9;
	s9 =	sand.u32 $0x180, s6;
	v4 =	vmul.f32 v4, v32;
	v19 =	vld [tilespmem:s31+$0x10200]  }
0x220: {  	s0 =	sadd.s32 $0x2, s0;
	s8 =	sshll.u32 s8, $0x5;
	v26 =	vmul.f32 v27, v26;
	v27 =	vand.u32 $0xFFFF0000, v24;
	v11 =	vld [tilespmem:s7+$0x15480];
	s11 =	sor.u32 s9, s12;
	v5 =	vadd.f32 v30, v5  }
0x221: {  	p0 =	slt.u32 s0, $0x1E;
	s9 =	sadd.s32 s8, s4;
	s10 =	sor.u32 s10, s12;
	v7 =	vadd.f32 v7, v23;
	v2 =	vmul.f32 v14, v2;
	v14 =	vshll.u32 v24, $0x10;
	v29 =	vld [tilespmem:s11+$0x18200]  }
0x222: {  	v3 =	vmul.f32 v14, v3;
	v14 =	vmul.f32 v27, v25;
	v23 =	vld [tilespmem:s10+$0xC280];
	v5 =	vadd.f32 v5, v28  }
0x223: {  	v22 =	vadd.f32 $0.0e+00, v22;
	v2 =	vadd.f32 v4, v2;
	v4 =	vmul.f32 v15, v26;
	v24 =	vld [tilespmem:s10+$0xC200]  }
0x224: {  	v7 =	vadd.f32 $0.0e+00, v7;
	v14 =	vmul.f32 v21, v14;
	v25 =	vld [tilespmem:s11+$0x0];
	v3 =	vmul.f32 v3, v19  }
0x225: {  	v16 =	vmul.f32 v17, v16;
	v2 =	vadd.f32 v2, v33;
	v19 =	vadd.f32 v20, v22;
	v15 =	vld [tilespmem:s10+$0x15480]  }
0x226: {  	v7 =	vadd.f32 v13, v7;
	v17 =	vld [tilespmem:s10+$0xC300];
	v3 =	vadd.f32 v14, v3  }
0x227: {  	v6 =	vadd.f32 $0.0e+00, v6;
	v13 =	vmul.f32 v16, v18;
	v20 =	vld [tilespmem:s10+$0xC380]  }
0x228: {  	v2 =	vadd.f32 v19, v2;
	v5 =	vadd.f32 v7, v5;
	v16 =	vld [tilespmem:s10+$0xC400]  }
0x229: {  	v8 =	vadd.f32 $0.0e+00, v8;
	v4 =	vadd.f32 v4, v13;
	v7 =	vshll.u32 v25, $0x3;
	v18 =	vld [tilespmem:s10+$0xC480]  }
0x22a: {  	v5 =	vadd.f32 v5, v2;
	v14 =	vand.u32 $0x7F, v25;
	v13 =	vld [tilespmem:s3+$0x0];
	v7 =	vand.u32 $0xFFFFFC00, v7  }
0x22b: {  	v6 =	vadd.f32 v10, v6;
	v14 =	vor.u32 v14, v7;
	v19 =	vld [tilespmem:s10+$0x15200];
	v7 =	vadd.f32 $0.0e+00, v4  }
0x22c: {  	v22 =	vadd.f32 v5, v1;
	v5 =	vadd.f32 v12, v8;
	v2 =	vld [tilespmem:s7+$0x15200];
	v10 =	vadd.s32 $0x4000, v14  }
0x22d: {  	s8 =	sadd.s32 $0x10, s9;
	v8 =	vadd.s32 $0x4080, v14;
	v4 =	vld [tilespmem:s7+$0x15280];
	v7 =	vadd.f32 v3, v7  }
0x22e: {  	s31 =	sor.u32 $0x5300, s8;
	v6 =	vadd.f32 v9, v6;
	v21 =	vadd.s32 $0x4100, v14;
	v12 =	vld [tilespmem:s10+$0x14200];
	[tilespmem:s30+$0x0] =	vst v22;
	s30 =	smov.u32 s3  }
0x22f: {  	v9 =	vadd.s32 $0x4180, v14;
	v3 =	vld [tilespmem:s31+$0x8200];
	v7 =	vadd.f32 v7, v5;
	v1 =	vmov v13  }
0x230: {  	v22 =	vadd.s32 $0x4200, v14;
	v5 =	vld [tilespmem:s7+$0x15400]  }
0x231: {  	v25 =	vadd.s32 $0x4280, v14;
	v10 =	vld.idx.msk [tilespmem:v10+s18+$0x0], $0xffff;
	v6 =	vadd.f32 v7, v6  }
0x232: {  	v7 =	vld.idx.msk [tilespmem:v8+s18+$0x0], $0xffff  }
0x233: {  	v8 =	vld.idx.msk [tilespmem:v21+s18+$0x0], $0xffff;
	v6 =	vadd.f32 v6, v0;
	v0 =	vmov v29  }
0x234: {  	v13 =	vld.idx.msk [tilespmem:v9+s18+$0x0], $0xffff  }
0x235: {  	v9 =	vld.idx.msk [tilespmem:v22+s18+$0x0], $0xffff;
	[tilespmem:s29+$0x18200] =	vst v6;
	s29 =	smov.u32 s11  }
0x236: {  	v21 =	vld.idx.msk [tilespmem:v25+s18+$0x0], $0xffff  }
0x237: {  	v6 =	vshll.u32 v10, $0x10;
	v10 =	vand.u32 $0xFFFF0000, v10;
	v22 =	vld [tilespmem:s10+$0x14280]  }
0x238: {  	v6 =	vmul.f32 v6, v24;
	v24 =	vshll.u32 v7, $0x10;
	v7 =	vand.u32 $0xFFFF0000, v7;
	v25 =	vld [tilespmem:s10+$0x14300]  }
0x239: {  	v17 =	vmul.f32 v24, v17;
	v7 =	vmul.f32 v7, v20;
	v20 =	vshll.u32 v8, $0x10;
	v26 =	vld [tilespmem:s10+$0x14380]  }
0x23a: {  	v10 =	vmul.f32 v10, v23;
	v8 =	vand.u32 $0xFFFF0000, v8;
	v16 =	vmul.f32 v20, v16;
	v23 =	vld [tilespmem:s10+$0x14400]  }
0x23b: {  	v6 =	vmul.f32 v6, v12;
	v8 =	vmul.f32 v8, v18;
	v12 =	vld [tilespmem:s10+$0x14480]  }
0x23c: {  	v10 =	vmul.f32 v22, v10;
	v18 =	vld [tilespmem:s10+$0xD200]  }
0x23d: {  	v17 =	vmul.f32 v17, v25;
	v20 =	vld [tilespmem:s10+$0xD280]  }
0x23e: {  	v6 =	vadd.f32 v10, v6;
	v7 =	vmul.f32 v26, v7;
	v10 =	vld [tilespmem:s10+$0xD300]  }
0x23f: {  	v22 =	vld [tilespmem:s10+$0xD380]  }
0x240: {  	s12 =	sor.u32 s6, s4;
	v16 =	vmul.f32 v16, v23;
	v24 =	vadd.f32 v7, v17;
	v8 =	vmul.f32 v12, v8;
	v12 =	vld [tilespmem:s10+$0xD400]  }
0x241: {  	s11 =	sor.u32 $0x4380, s12;
	v23 =	vld [tilespmem:s10+$0xD480]  }
0x242: {  	s13 =	sor.u32 $0x5300, s9;
	v7 =	vld [tilespmem:s11+$0x10200];
	v8 =	vadd.f32 v8, v16  }
0x243: {  	v25 =	vld [tilespmem:s13+$0x8200]  }
0x244: {  	v16 =	vadd.s32 $0x4300, v14;
	v17 =	vld [tilespmem:s13+$0x10200]  }
0x245: {  	v26 =	vld [tilespmem:s10+$0x15280]  }
0x246: {  	v27 =	vld [tilespmem:s10+$0x15300]  }
0x247: {  	v28 =	vshll.u32 v9, $0x10;
	v29 =	vld [tilespmem:s10+$0x15380]  }
0x248: {  	v9 =	vand.u32 $0xFFFF0000, v9;
	v28 =	vmul.f32 v28, v18;
	v30 =	vld [tilespmem:s10+$0x15400]  }
0x249: {  	v18 =	vshll.u32 v21, $0x10;
	v9 =	vmul.f32 v9, v20;
	v20 =	vand.u32 $0xFFFF0000, v21;
	v21 =	vld.idx.msk [tilespmem:v16+s18+$0x0], $0xffff  }
0x24a: {  	s12 =	sor.u32 $0x5380, s12;
	v10 =	vmul.f32 v18, v10;
	v22 =	vmul.f32 v20, v22;
	s10 =	sand.u32 $0xFFFFFC00, s4;
	v16 =	vld [tilespmem:s7+$0xD480]  }
0x24b: {  	v19 =	vmul.f32 v28, v19;
	s10 =	sadd.s32 s10, s6;
	v9 =	vmul.f32 v26, v9;
	v18 =	vld [tilespmem:s12+$0x10200]  }
0x24c: {  	s13 =	sor.u32 $0x5180, s10;
	v26 =	vmul.f32 v10, v27;
	v20 =	vld [tilespmem:s7+$0xC300];
	v22 =	vmul.f32 v29, v22  }
0x24d: {  	v10 =	vadd.f32 v9, v19;
	v27 =	vld [tilespmem:s13+$0x10200]  }
0x24e: {  	v9 =	vadd.f32 $0.0e+00, v24;
	v19 =	vld [tilespmem:s25+$0x0];
	v22 =	vadd.f32 v22, v26  }
0x24f: {  	v26 =	vshll.u32 v21, $0x10;
	v21 =	vand.u32 $0xFFFF0000, v21;
	v24 =	vld [tilespmem:s7+$0x15300]  }
0x250: {  	v12 =	vmul.f32 v26, v12;
	v21 =	vmul.f32 v21, v23;
	v28 =	vld [tilespmem:s13+$0x8200];
	v9 =	vadd.f32 v22, v9  }
0x251: {  	v23 =	vld [tilespmem:s7+$0x14480]  }
0x252: {  	s10 =	sor.u32 $0x4180, s10;
	v12 =	vmul.f32 v12, v30;
	v15 =	vmul.f32 v15, v21;
	v26 =	vld [tilespmem:s7+$0xD300]  }
0x253: {  	v21 =	vshll.u32 v19, $0x3;
	v22 =	vld [tilespmem:s10+$0x10200]  }
0x254: {  	v19 =	vand.u32 $0x7F, v19;
	v12 =	vadd.f32 v15, v12;
	v21 =	vand.u32 $0xFFFFFC00, v21;
	v29 =	vld [tilespmem:s7+$0xC480]  }
0x255: {  	v15 =	vor.u32 v19, v21;
	v30 =	vld [tilespmem:s7+$0xD400]  }
0x256: {  	s9 =	sor.u32 $0x4300, s9;
	v19 =	vadd.s32 $0x4000, v15;
	v21 =	vadd.s32 $0x4080, v15;
	v31 =	vld [tilespmem:s10+$0x8200];
	v32 =	vadd.s32 $0x4380, v15  }
0x257: {  	v33 =	vadd.s32 $0x4100, v15;
	v34 =	vadd.s32 $0x4180, v15;
	v35 =	vld [tilespmem:s9+$0x8200]  }
0x258: {  	v36 =	vld [tilespmem:s7+$0xC400]  }
0x259: {  	v37 =	vld [tilespmem:s11+$0x8200]  }
0x25a: {  	v38 =	vld [tilespmem:s12+$0x8200]  }
0x25b: {  	v39 =	vadd.s32 $0x4200, v15;
	v32 =	vld.idx.msk [tilespmem:v32+s18+$0x0], $0xffff  }
0x25c: {  	v40 =	vadd.s32 $0x4280, v15;
	v33 =	vld.idx.msk [tilespmem:v33+s18+$0x0], $0xffff  }
0x25d: {  	v34 =	vld.idx.msk [tilespmem:v34+s18+$0x0], $0xffff  }
0x25e: {  	v19 =	vld.idx.msk [tilespmem:v19+s18+$0x0], $0xffff  }
0x25f: {  	v21 =	vld.idx.msk [tilespmem:v21+s18+$0x0], $0xffff  }
0x260: {  	v15 =	vadd.s32 $0x4300, v15;
	v39 =	vld.idx.msk [tilespmem:v39+s18+$0x0], $0xffff  }
0x261: {  	v42 =	vadd.s32 $0x4380, v14;
	v41 =	vshll.u32 v32, $0x10;
	v32 =	vand.u32 $0xFFFF0000, v32;
	v40 =	vld.idx.msk [tilespmem:v40+s18+$0x0], $0xffff  }
0x262: {  	v44 =	vshll.u32 v33, $0x10;
	v33 =	vand.u32 $0xFFFF0000, v33;
	v25 =	vmul.f32 v41, v25;
	v43 =	vld [tilespmem:s7+$0xC280]  }
0x263: {  	v32 =	vmul.f32 v32, v38;
	v41 =	vshll.u32 v34, $0x10;
	v34 =	vand.u32 $0xFFFF0000, v34;
	v14 =	vld [tilespmem:s7+$0xD200]  }
0x264: {  	v36 =	vmul.f32 v44, v36;
	v38 =	vshll.u32 v19, $0x10;
	v45 =	vand.u32 $0xFFFF0000, v19;
	v46 =	vld [tilespmem:s7+$0x14400]  }
0x265: {  	v35 =	vmul.f32 v41, v35;
	v44 =	vshll.u32 v21, $0x10;
	v19 =	vand.u32 $0xFFFF0000, v21;
	v15 =	vld.idx.msk [tilespmem:v15+s18+$0x0], $0xffff  }
0x266: {  	v31 =	vmul.f32 v19, v31;
	v19 =	vmul.f32 v34, v37;
	v21 =	vshll.u32 v39, $0x10;
	v41 =	vld [tilespmem:s7+$0xC200]  }
0x267: {  	v29 =	vmul.f32 v33, v29;
	v37 =	vand.u32 $0xFFFF0000, v40;
	v34 =	vmul.f32 v45, v43;
	v33 =	vld [tilespmem:s9+$0x10200]  }
0x268: {  	v22 =	vmul.f32 v22, v31;
	v31 =	vshll.u32 v40, $0x10;
	v40 =	vmul.f32 v25, v17;
	v43 =	vld [tilespmem:s7+$0x14200]  }
0x269: {  	v26 =	vmul.f32 v31, v26;
	v45 =	vld [tilespmem:s7+$0x14280];
	v25 =	vmul.f32 v36, v46;
	v36 =	vand.u32 $0xFFFF0000, v39  }
0x26a: {  	v29 =	vmul.f32 v23, v29;
	v28 =	vmul.f32 v37, v28;
	v17 =	vshll.u32 v13, $0x10;
	v31 =	vld [tilespmem:s7+$0x14300]  }
0x26b: {  	v26 =	vmul.f32 v26, v24;
	v39 =	vshll.u32 v15, $0x10;
	v37 =	vmul.f32 v38, v41;
	v38 =	vld [tilespmem:s7+$0xD280]  }
0x26c: {  	v27 =	vmul.f32 v27, v28;
	v15 =	vand.u32 $0xFFFF0000, v15;
	s7 =	sor.u32 $0x5380, s8;
	v23 =	vmul.f32 v35, v33;
	v24 =	vld.idx.msk [tilespmem:v42+s18+$0x0], $0xffff  }
.Ltmp2:
0x26d: {  	s9 =	sor.u32 $0x4380, s8;
	v33 =	vmul.f32 v44, v20;
	v35 =	vadd.f32 v29, v25;
	v28 =	vmul.f32 v37, v43;
	v25 =	vld [tilespmem:s7+$0x8200];
	(pc) =	sbr.rel @p0 .LBB2_6-.Ltmp2, $4  }
0x26e: {  	v18 =	vmul.f32 v18, v32;
	s8 =	sor.u32 $0x4300, s8;
	v20 =	vadd.f32 v27, v26;
	v34 =	vmul.f32 v45, v34;
	v26 =	vld [tilespmem:s9+$0x8200]  }
0x26f: {  	v27 =	vand.u32 $0xFFFF0000, v13;
	v37 =	vmul.f32 v15, v16;
	v29 =	vmul.f32 v33, v31;
	v16 =	vld [tilespmem:s8+$0x8200]  }
0x270: {  	s3 =	sadd.s32 $0x20, s3;
	s25 =	sadd.s32 $0x20, s25;
	v13 =	vadd.f32 v18, v40;
	v31 =	vmul.f32 v39, v30;
	v33 =	vadd.f32 v34, v28;
	v15 =	vld [tilespmem:s9+$0x10200]  }
0x271: {  	s5 =	sadd.s32 $0x1, s5;
	s4 =	sadd.s32 $0x100, s4;
	s6 =	sadd.s32 $0x20, s6;
	v30 =	vmul.f32 v11, v37;
	v28 =	vadd.f32 $0.0e+00, v35;
	v32 =	vmul.f32 v36, v38;
	v18 =	vld [tilespmem:s8+$0x10200]  }
0x272: {  	v11 =	vadd.f32 $0.0e+00, v33;
	v14 =	vmul.f32 v21, v14;
	v5 =	vmul.f32 v31, v5  }
0x273: {  	v22 =	vadd.f32 v22, v29;
	v7 =	vmul.f32 v7, v19;
	v6 =	vadd.f32 $0.0e+00, v6  }
0x274: {  	v21 =	vld [tilespmem:s7+$0x10200];
	v8 =	vadd.f32 $0.0e+00, v8;
	v4 =	vmul.f32 v4, v32;
	v26 =	vmul.f32 v27, v26  }
0x275: {  	v19 =	vld [tilespmem:s31+$0x10200];
	v27 =	vand.u32 $0xFFFF0000, v24;
	v2 =	vmul.f32 v14, v2;
	v14 =	vshll.u32 v24, $0x10  }
0x276: {  	v5 =	vadd.f32 v30, v5;
	v3 =	vmul.f32 v14, v3;
	v14 =	vmul.f32 v17, v16  }
0x277: {  	v7 =	vadd.f32 v7, v23;
	v6 =	vadd.f32 v10, v6;
	v16 =	vmul.f32 v27, v25  }
0x278: {  	v2 =	vadd.f32 v4, v2;
	v4 =	vmul.f32 v15, v26;
	v14 =	vmul.f32 v14, v18  }
0x279: {  	v17 =	vadd.f32 $0.0e+00, v22;
	v5 =	vadd.f32 v5, v28  }
0x27a: {  	v3 =	vmul.f32 v3, v19;
	v15 =	vmul.f32 v21, v16;
	v4 =	vadd.f32 v4, v14  }
0x27b: {  	v7 =	vadd.f32 $0.0e+00, v7;
	v2 =	vadd.f32 v2, v11  }
0x27c: {  	v3 =	vadd.f32 v15, v3;
	v4 =	vadd.f32 $0.0e+00, v4  }
0x27d: {  	v11 =	vadd.f32 v20, v17;
	v7 =	vadd.f32 v13, v7  }
0x27e: {  	v8 =	vadd.f32 v12, v8;
	v3 =	vadd.f32 v3, v4  }
0x27f: {  	v2 =	vadd.f32 v11, v2;
	v4 =	vadd.f32 v7, v5  }
0x280: {  	v5 =	vadd.f32 v9, v6;
	v3 =	vadd.f32 v3, v8  }
0x281: {  	v2 =	vadd.f32 v4, v2  }
0x282: {  	v3 =	vadd.f32 v3, v5  }
0x283: {  	v1 =	vadd.f32 v2, v1  }
0x284: {  	v0 =	vadd.f32 v3, v0  }
0x285: {  	[tilespmem:s30+$0x0] =	vst v1  }
0x286: {  	[tilespmem:s29+$0x18200] =	vst v0  }
0x287: {  	_ =	strace $0x9000004E  }
0x288: {  	_ =	strace $0x8000004F  }
0x289: {  	_ =	swait.ge [sflag:s24], $0x2000  }
0x28a: {  	[sflag:s24] =	ssyncset.done $0x0  }
0x28b: {  	[sflag:s24] =	ssyncadd.s32 $0xFFFFE000  }
0x28c: {  	_ =	swait.ge [sflag:s24], $0x2000  }
0x28d: {  	[sflag:s24] =	ssyncset.done $0x0  }
0x28e: {  	[sflag:s24] =	ssyncadd.s32 $0xFFFFE000  }
0x28f: {  	_ =	swait.ge [sflag:s24], $0x2000  }
0x290: {  	s5 =	simm.s32 $0x0;
	[sflag:s24] =	ssyncset.done $0x0  }
0x291: {  	s3 =	sand.u32 $0x60, s5;
	[sflag:s24] =	ssyncadd.s32 $0xFFFFE000  }
0x292: {  	s4 =	sand.u32 $0xC00, s5;
	s6 =	sand.u32 $0x180, s5;
	_ =	strace $0x9000004F  }
0x293: {  	s0 =	sor.u32 s3, s4;
	s3 =	sor.u32 $0x10, s3;
	_ =	strace $0x80000050  }
0x294: {  	s29 =	sor.u32 s6, s3;
	v11 =	vld [tilespmem:s0+$0x17480]  }
0x295: {  	s25 =	sor.u32 s4, s3;
	v0 =	vld [tilespmem:s29+$0x18200]  }
0x296: {  	v6 =	vld [tilespmem:s25+$0xE280]  }
0x297: {  	v9 =	vld [tilespmem:s25+$0xE200]  }
0x298: {  	v2 =	vld [tilespmem:s29+$0x0]  }
0x299: {  	v8 =	vld [tilespmem:s25+$0x17480]  }
0x29a: {  	v10 =	vld [tilespmem:s25+$0xE300]  }
0x29b: {  	v12 =	vld [tilespmem:s25+$0xE380]  }
0x29c: {  	v17 =	vld [tilespmem:s25+$0xE400]  }
0x29d: {  	s30 =	simm.s32 $0x18200;
	v19 =	vld [tilespmem:s25+$0xE480]  }
0x29e: {  	v1 =	vld [tilespmem:s30+$0x0]  }
0x29f: {  	v20 =	vld [tilespmem:s25+$0x17200]  }
0x2a0: {  	v4 =	vld [tilespmem:s0+$0x17280]  }
0x2a1: {  	v21 =	vld [tilespmem:s25+$0x16200]  }
0x2a2: {  	v5 =	vld [tilespmem:s0+$0x17400]  }
0x2a3: {  	v27 =	vld [tilespmem:s25+$0x16280]  }
0x2a4: {  	v28 =	vld [tilespmem:s25+$0x16300]  }
0x2a5: {  	v29 =	vld [tilespmem:s25+$0x16380]  }
0x2a6: {  	v30 =	vld [tilespmem:s25+$0x16400]  }
0x2a7: {  	v31 =	vld [tilespmem:s25+$0x16480]  }
0x2a8: {  	v59 =	vld [tilespmem:s25+$0xF200]  }
0x2a9: {  	v60 =	vld [tilespmem:s25+$0xF280]  }
0x2aa: {  	s4 =	sand.u32 $0x3, s5;
	v34 =	vld [tilespmem:s25+$0xF300]  }
0x2ab: {  	s3 =	sshll.u32 s4, $0x5;
	v35 =	vld [tilespmem:s25+$0xF380]  }
0x2ac: {  	s6 =	sadd.s32 $0x0, s3;
	v36 =	vld [tilespmem:s25+$0xF400]  }
0x2ad: {  	s9 =	sor.u32 $0x7300, s6;
	v37 =	vld [tilespmem:s25+$0xF480]  }
0x2ae: {  	v38 =	vld [tilespmem:s9+$0x8200]  }
0x2af: {  	v39 =	vld [tilespmem:s9+$0x10200]  }
0x2b0: {  	v40 =	vld [tilespmem:s25+$0x17280]  }
0x2b1: {  	s11 =	sand.u32 $0xFFFFFC00, s5;
	v41 =	vld [tilespmem:s25+$0x17300]  }
0x2b2: {  	s7 =	sadd.s32 $0x0, s11;
	v42 =	vld [tilespmem:s25+$0x17380]  }
0x2b3: {  	s12 =	sor.u32 $0x7180, s7;
	v43 =	vld [tilespmem:s25+$0x17400];
	v3 =	vshll.u32 v2, $0x3  }
0x2b4: {  	v46 =	vld [tilespmem:s12+$0x10200];
	v2 =	vand.u32 $0x7F, v2;
	v3 =	vand.u32 $0xFFFFFC00, v3  }
0x2b5: {  	v47 =	vld [tilespmem:s5+$0x0];
	v14 =	vor.u32 v2, v3  }
0x2b6: {  	s8 =	sor.u32 s5, s5;
	v48 =	vld [tilespmem:s0+$0x17300];
	v7 =	vadd.s32 $0x6000, v14  }
0x2b7: {  	s10 =	sor.u32 $0x6380, s8;
	v53 =	vld [tilespmem:s0+$0xE400];
	v13 =	vadd.s32 $0x6080, v14  }
0x2b8: {  	s8 =	sor.u32 $0x7380, s8;
	v33 =	vld [tilespmem:s10+$0x8200];
	v15 =	vadd.s32 $0x6100, v14  }
0x2b9: {  	v56 =	vld [tilespmem:s8+$0x8200]  }
0x2ba: {  	v2 =	vld [tilespmem:s0+$0x17200];
	v16 =	vadd.s32 $0x6180, v14  }
0x2bb: {  	v18 =	vadd.s32 $0x6200, v14;
	v22 =	vld.idx.msk [tilespmem:v7+s18+$0x0], $0xffff  }
0x2bc: {  	s3 =	sadd.s32 $0x10, s6;
	v23 =	vld.idx.msk [tilespmem:v13+s18+$0x0], $0xffff  }
0x2bd: {  	s31 =	sor.u32 $0x7300, s3;
	v24 =	vld.idx.msk [tilespmem:v15+s18+$0x0], $0xffff  }
0x2be: {  	v3 =	vld [tilespmem:s31+$0x8200];
	v7 =	vadd.s32 $0x6280, v14  }
0x2bf: {  	v13 =	vld.idx.msk [tilespmem:v16+s18+$0x0], $0xffff;
	v15 =	vadd.s32 $0x6300, v14  }
0x2c0: {  	v25 =	vld.idx.msk [tilespmem:v18+s18+$0x0], $0xffff;
	v45 =	vshll.u32 v22, $0x10;
	v22 =	vand.u32 $0xFFFF0000, v22  }
0x2c1: {  	v16 =	vld [tilespmem:s8+$0x10200];
	v61 =	vshll.u32 v23, $0x10;
	v23 =	vand.u32 $0xFFFF0000, v23;
	v9 =	vmul.f32 v45, v9  }
0x2c2: {  	v18 =	vld [tilespmem:s0+$0xE300];
	v62 =	vshll.u32 v24, $0x10;
	v10 =	vmul.f32 v61, v10;
	v6 =	vmul.f32 v22, v6  }
0x2c3: {  	v26 =	vld.idx.msk [tilespmem:v7+s18+$0x0], $0xffff;
	v12 =	vmul.f32 v23, v12;
	v17 =	vmul.f32 v62, v17  }
0x2c4: {  	v44 =	vld.idx.msk [tilespmem:v15+s18+$0x0], $0xffff;
	v9 =	vmul.f32 v9, v21;
	v6 =	vmul.f32 v27, v6  }
0x2c5: {  	v7 =	vld [tilespmem:s10+$0x10200];
	v10 =	vmul.f32 v10, v28;
	v12 =	vmul.f32 v29, v12  }
0x2c6: {  	v15 =	vld [tilespmem:s0+$0xF480];
	v21 =	vand.u32 $0xFFFF0000, v24;
	v6 =	vadd.f32 v6, v9;
	v9 =	vshll.u32 v47, $0x3  }
0x2c7: {  	s13 =	sor.u32 $0x6180, s7;
	v23 =	vld [tilespmem:s12+$0x8200];
	v10 =	vadd.f32 v12, v10;
	v12 =	vand.u32 $0x7F, v47;
	v9 =	vand.u32 $0xFFFFFC00, v9  }
0x2c8: {  	v22 =	vld [tilespmem:s13+$0x10200];
	v19 =	vmul.f32 v21, v19;
	v21 =	vor.u32 v12, v9  }
0x2c9: {  	v61 =	vld [tilespmem:s0+$0xE280];
	v17 =	vmul.f32 v17, v30;
	v49 =	vshll.u32 v44, $0x10;
	v29 =	vadd.s32 $0x6380, v21  }
0x2ca: {  	v27 =	vld [tilespmem:s0+$0x16480];
	v44 =	vand.u32 $0xFFFF0000, v44;
	v19 =	vmul.f32 v31, v19;
	v63 =	vadd.s32 $0x6100, v21  }
0x2cb: {  	v24 =	vld [tilespmem:s0+$0xF300];
	v31 =	vshll.u32 v26, $0x10;
	v26 =	vand.u32 $0xFFFF0000, v26;
	v54 =	vadd.s32 $0x6000, v21  }
0x2cc: {  	s4 =	sor.u32 $0x6300, s6;
	v28 =	vld [tilespmem:s0+$0xE480];
	v36 =	vmul.f32 v49, v36;
	v37 =	vmul.f32 v44, v37;
	v55 =	vadd.s32 $0x6080, v21  }
0x2cd: {  	v47 =	vld [tilespmem:s4+$0x8200];
	v9 =	vshll.u32 v25, $0x10;
	v12 =	vand.u32 $0xFFFF0000, v25;
	v31 =	vmul.f32 v31, v34  }
0x2ce: {  	v26 =	vmul.f32 v26, v35;
	v52 =	vadd.s32 $0x6180, v21;
	v9 =	vmul.f32 v9, v59;
	v29 =	vld.idx.msk [tilespmem:v29+s18+$0x0], $0xffff  }
0x2cf: {  	v12 =	vmul.f32 v12, v60;
	v50 =	vadd.s32 $0x6200, v21;
	v60 =	vmul.f32 v8, v37;
	v57 =	vld.idx.msk [tilespmem:v63+s18+$0x0], $0xffff  }
0x2d0: {  	v58 =	vadd.s32 $0x6280, v21;
	v31 =	vmul.f32 v31, v41;
	v26 =	vmul.f32 v42, v26;
	v32 =	vld.idx.msk [tilespmem:v54+s18+$0x0], $0xffff  }
0x2d1: {  	v8 =	vadd.f32 v19, v17;
	v9 =	vmul.f32 v9, v20;
	v12 =	vmul.f32 v40, v12;
	v17 =	vld.idx.msk [tilespmem:v55+s18+$0x0], $0xffff  }
0x2d2: {  	v25 =	vld [tilespmem:s13+$0x8200];
	v59 =	vadd.f32 $0.0e+00, v10;
	v20 =	vadd.f32 v26, v31;
	v31 =	vmul.f32 v36, v43  }
0x2d3: {  	v34 =	vadd.s32 $0x6380, v14;
	v19 =	vadd.s32 $0x6300, v21;
	v10 =	vadd.f32 v12, v9;
	v26 =	vld.idx.msk [tilespmem:v52+s18+$0x0], $0xffff  }
0x2d4: {  	v9 =	vadd.f32 v20, v59;
	v12 =	vadd.f32 v60, v31;
	v20 =	vld.idx.msk [tilespmem:v50+s18+$0x0], $0xffff;
	v21 =	vshll.u32 v29, $0x10  }
0x2d5: {  	v31 =	vld.idx.msk [tilespmem:v58+s18+$0x0], $0xffff;
	v29 =	vand.u32 $0xFFFF0000, v29;
	v62 =	vshll.u32 v57, $0x10;
	v63 =	vand.u32 $0xFFFF0000, v57  }
0x2d6: {  	v60 =	vld [tilespmem:s0+$0xF280];
	v49 =	vshll.u32 v32, $0x10;
	v32 =	vand.u32 $0xFFFF0000, v32;
	v51 =	vshll.u32 v17, $0x10  }
0x2d7: {  	v30 =	vld [tilespmem:s0+$0xF400];
	v17 =	vand.u32 $0xFFFF0000, v17;
	v38 =	vmul.f32 v21, v38;
	v29 =	vmul.f32 v29, v56  }
0x2d8: {  	v50 =	vld [tilespmem:s0+$0x16400];
	v21 =	vshll.u32 v26, $0x10;
	v35 =	vmul.f32 v62, v53;
	v17 =	vmul.f32 v17, v25  }
0x2d9: {  	v54 =	vld [tilespmem:s0+$0xE200];
	v26 =	vand.u32 $0xFFFF0000, v26;
	v25 =	vmul.f32 v63, v28;
	v18 =	vmul.f32 v51, v18  }
0x2da: {  	v58 =	vand.u32 $0xFFFF0000, v20;
	v53 =	vld.idx.msk [tilespmem:v19+s18+$0x0], $0xffff;
	v52 =	vmul.f32 v21, v47;
	v19 =	vmul.f32 v26, v33  }
0x2db: {  	v55 =	vand.u32 $0xFFFF0000, v31;
	v28 =	vld [tilespmem:s4+$0x10200];
	v26 =	vmul.f32 v32, v61;
	v32 =	vmul.f32 v58, v60  }
0x2dc: {  	v56 =	vld [tilespmem:s0+$0x16200];
	v22 =	vmul.f32 v22, v17;
	v17 =	vshll.u32 v31, $0x10;
	v57 =	vmul.f32 v38, v39  }
0x2dd: {  	v21 =	vshll.u32 v20, $0x10;
	v31 =	vld [tilespmem:s0+$0x16280];
	v35 =	vmul.f32 v35, v50;
	v20 =	vmul.f32 v17, v24  }
0x2de: {  	v59 =	vld [tilespmem:s0+$0x16300];
	v25 =	vmul.f32 v27, v25;
	v24 =	vmul.f32 v55, v23  }
0x2df: {  	s7 =	sor.u32 $0x7380, s3;
	v14 =	vld [tilespmem:s0+$0xF200];
	v27 =	vmul.f32 v49, v54;
	v20 =	vmul.f32 v20, v48  }
0x2e0: {  	v63 =	vadd.f32 v25, v35;
	v25 =	vld [tilespmem:s7+$0x8200];
	v23 =	vmul.f32 v52, v28;
	v28 =	vmul.f32 v46, v24  }
0x2e1: {  	s14 =	sor.u32 $0x6380, s3;
	v17 =	vshll.u32 v13, $0x10;
	v62 =	vand.u32 $0xFFFF0000, v53;
	v24 =	vld.idx.msk [tilespmem:v34+s18+$0x0], $0xffff;
	v33 =	vmul.f32 v27, v56  }
0x2e2: {  	s15 =	sor.u32 $0x6300, s3;
	v31 =	vmul.f32 v31, v26;
	v20 =	vadd.f32 v28, v20;
	v28 =	vmul.f32 v16, v29;
	v26 =	vld [tilespmem:s14+$0x8200]  }
0x2e3: {  	v61 =	vshll.u32 v53, $0x10;
	v29 =	vmul.f32 v18, v59;
	v18 =	vmul.f32 v62, v15;
	v16 =	vld [tilespmem:s15+$0x8200]  }
0x2e4: {  	s6 =	simm.s32 $0x20;
	s3 =	simm.s32 $0x18220;
	s25 =	simm.s32 $0x20;
	v27 =	vand.u32 $0xFFFF0000, v13;
	v15 =	vld [tilespmem:s14+$0x10200];
	v33 =	vadd.f32 v31, v33;
	v31 =	vmul.f32 v61, v30  }
0x2e5: {  	s5 =	simm.s32 $0x1;
	s4 =	simm.s32 $0x100;
	s0 =	simm.s32 $0x0;
	v13 =	vadd.f32 v28, v57;
	v28 =	vadd.f32 $0.0e+00, v63;
	v30 =	vmul.f32 v11, v18;
	v18 =	vld [tilespmem:s15+$0x10200]  }
.LBB2_8:
0x2e6: {  	s8 =	sand.u32 $0x3, s5;
	s9 =	sand.u32 $0x60, s6;
	s10 =	sand.u32 $0xC00, s4;
	v33 =	vadd.f32 $0.0e+00, v33;
	v14 =	vmul.f32 v21, v14;
	v5 =	vmul.f32 v31, v5;
	v21 =	vld [tilespmem:s7+$0x10200]  }
0x2e7: {  	v22 =	vadd.f32 v22, v29;
	v7 =	vmul.f32 v7, v19;
	s7 =	sor.u32 s9, s10;
	s12 =	sor.u32 $0x10, s9;
	s9 =	sand.u32 $0x180, s6;
	v4 =	vmul.f32 v4, v32;
	v19 =	vld [tilespmem:s31+$0x10200]  }
0x2e8: {  	s0 =	sadd.s32 $0x2, s0;
	s8 =	sshll.u32 s8, $0x5;
	v26 =	vmul.f32 v27, v26;
	v27 =	vand.u32 $0xFFFF0000, v24;
	v11 =	vld [tilespmem:s7+$0x17480];
	s11 =	sor.u32 s9, s12;
	v5 =	vadd.f32 v30, v5  }
0x2e9: {  	p0 =	slt.u32 s0, $0x1E;
	s9 =	sadd.s32 s8, s4;
	s10 =	sor.u32 s10, s12;
	v7 =	vadd.f32 v7, v23;
	v2 =	vmul.f32 v14, v2;
	v14 =	vshll.u32 v24, $0x10;
	v29 =	vld [tilespmem:s11+$0x18200]  }
0x2ea: {  	v3 =	vmul.f32 v14, v3;
	v14 =	vmul.f32 v27, v25;
	v23 =	vld [tilespmem:s10+$0xE280];
	v5 =	vadd.f32 v5, v28  }
0x2eb: {  	v22 =	vadd.f32 $0.0e+00, v22;
	v2 =	vadd.f32 v4, v2;
	v4 =	vmul.f32 v15, v26;
	v24 =	vld [tilespmem:s10+$0xE200]  }
0x2ec: {  	v7 =	vadd.f32 $0.0e+00, v7;
	v14 =	vmul.f32 v21, v14;
	v25 =	vld [tilespmem:s11+$0x0];
	v3 =	vmul.f32 v3, v19  }
0x2ed: {  	v16 =	vmul.f32 v17, v16;
	v2 =	vadd.f32 v2, v33;
	v19 =	vadd.f32 v20, v22;
	v15 =	vld [tilespmem:s10+$0x17480]  }
0x2ee: {  	v7 =	vadd.f32 v13, v7;
	v17 =	vld [tilespmem:s10+$0xE300];
	v3 =	vadd.f32 v14, v3  }
0x2ef: {  	v6 =	vadd.f32 $0.0e+00, v6;
	v13 =	vmul.f32 v16, v18;
	v20 =	vld [tilespmem:s10+$0xE380]  }
0x2f0: {  	v2 =	vadd.f32 v19, v2;
	v5 =	vadd.f32 v7, v5;
	v16 =	vld [tilespmem:s10+$0xE400]  }
0x2f1: {  	v8 =	vadd.f32 $0.0e+00, v8;
	v4 =	vadd.f32 v4, v13;
	v7 =	vshll.u32 v25, $0x3;
	v18 =	vld [tilespmem:s10+$0xE480]  }
0x2f2: {  	v5 =	vadd.f32 v5, v2;
	v14 =	vand.u32 $0x7F, v25;
	v13 =	vld [tilespmem:s3+$0x0];
	v7 =	vand.u32 $0xFFFFFC00, v7  }
0x2f3: {  	v6 =	vadd.f32 v10, v6;
	v14 =	vor.u32 v14, v7;
	v19 =	vld [tilespmem:s10+$0x17200];
	v7 =	vadd.f32 $0.0e+00, v4  }
0x2f4: {  	v22 =	vadd.f32 v5, v1;
	v5 =	vadd.f32 v12, v8;
	v2 =	vld [tilespmem:s7+$0x17200];
	v10 =	vadd.s32 $0x6000, v14  }
0x2f5: {  	s8 =	sadd.s32 $0x10, s9;
	v8 =	vadd.s32 $0x6080, v14;
	v4 =	vld [tilespmem:s7+$0x17280];
	v7 =	vadd.f32 v3, v7  }
0x2f6: {  	s31 =	sor.u32 $0x7300, s8;
	v6 =	vadd.f32 v9, v6;
	v21 =	vadd.s32 $0x6100, v14;
	v12 =	vld [tilespmem:s10+$0x16200];
	[tilespmem:s30+$0x0] =	vst v22;
	s30 =	smov.u32 s3  }
0x2f7: {  	v9 =	vadd.s32 $0x6180, v14;
	v3 =	vld [tilespmem:s31+$0x8200];
	v7 =	vadd.f32 v7, v5;
	v1 =	vmov v13  }
0x2f8: {  	v22 =	vadd.s32 $0x6200, v14;
	v5 =	vld [tilespmem:s7+$0x17400]  }
0x2f9: {  	v25 =	vadd.s32 $0x6280, v14;
	v10 =	vld.idx.msk [tilespmem:v10+s18+$0x0], $0xffff;
	v6 =	vadd.f32 v7, v6  }
0x2fa: {  	v7 =	vld.idx.msk [tilespmem:v8+s18+$0x0], $0xffff  }
0x2fb: {  	v8 =	vld.idx.msk [tilespmem:v21+s18+$0x0], $0xffff;
	v6 =	vadd.f32 v6, v0;
	v0 =	vmov v29  }
0x2fc: {  	v13 =	vld.idx.msk [tilespmem:v9+s18+$0x0], $0xffff  }
0x2fd: {  	v9 =	vld.idx.msk [tilespmem:v22+s18+$0x0], $0xffff;
	[tilespmem:s29+$0x18200] =	vst v6;
	s29 =	smov.u32 s11  }
0x2fe: {  	v21 =	vld.idx.msk [tilespmem:v25+s18+$0x0], $0xffff  }
0x2ff: {  	v6 =	vshll.u32 v10, $0x10;
	v10 =	vand.u32 $0xFFFF0000, v10;
	v22 =	vld [tilespmem:s10+$0x16280]  }
0x300: {  	v6 =	vmul.f32 v6, v24;
	v24 =	vshll.u32 v7, $0x10;
	v7 =	vand.u32 $0xFFFF0000, v7;
	v25 =	vld [tilespmem:s10+$0x16300]  }
0x301: {  	v17 =	vmul.f32 v24, v17;
	v7 =	vmul.f32 v7, v20;
	v20 =	vshll.u32 v8, $0x10;
	v26 =	vld [tilespmem:s10+$0x16380]  }
0x302: {  	v10 =	vmul.f32 v10, v23;
	v8 =	vand.u32 $0xFFFF0000, v8;
	v16 =	vmul.f32 v20, v16;
	v23 =	vld [tilespmem:s10+$0x16400]  }
0x303: {  	v6 =	vmul.f32 v6, v12;
	v8 =	vmul.f32 v8, v18;
	v12 =	vld [tilespmem:s10+$0x16480]  }
0x304: {  	v10 =	vmul.f32 v22, v10;
	v18 =	vld [tilespmem:s10+$0xF200]  }
0x305: {  	v17 =	vmul.f32 v17, v25;
	v20 =	vld [tilespmem:s10+$0xF280]  }
0x306: {  	v6 =	vadd.f32 v10, v6;
	v7 =	vmul.f32 v26, v7;
	v10 =	vld [tilespmem:s10+$0xF300]  }
0x307: {  	v22 =	vld [tilespmem:s10+$0xF380]  }
0x308: {  	s12 =	sor.u32 s6, s4;
	v16 =	vmul.f32 v16, v23;
	v24 =	vadd.f32 v7, v17;
	v8 =	vmul.f32 v12, v8;
	v12 =	vld [tilespmem:s10+$0xF400]  }
0x309: {  	s11 =	sor.u32 $0x6380, s12;
	v23 =	vld [tilespmem:s10+$0xF480]  }
0x30a: {  	s13 =	sor.u32 $0x7300, s9;
	v7 =	vld [tilespmem:s11+$0x10200];
	v8 =	vadd.f32 v8, v16  }
0x30b: {  	v25 =	vld [tilespmem:s13+$0x8200]  }
0x30c: {  	v16 =	vadd.s32 $0x6300, v14;
	v17 =	vld [tilespmem:s13+$0x10200]  }
0x30d: {  	v26 =	vld [tilespmem:s10+$0x17280]  }
0x30e: {  	v27 =	vld [tilespmem:s10+$0x17300]  }
0x30f: {  	v28 =	vshll.u32 v9, $0x10;
	v29 =	vld [tilespmem:s10+$0x17380]  }
0x310: {  	v9 =	vand.u32 $0xFFFF0000, v9;
	v28 =	vmul.f32 v28, v18;
	v30 =	vld [tilespmem:s10+$0x17400]  }
0x311: {  	v18 =	vshll.u32 v21, $0x10;
	v9 =	vmul.f32 v9, v20;
	v20 =	vand.u32 $0xFFFF0000, v21;
	v21 =	vld.idx.msk [tilespmem:v16+s18+$0x0], $0xffff  }
0x312: {  	s12 =	sor.u32 $0x7380, s12;
	v10 =	vmul.f32 v18, v10;
	v22 =	vmul.f32 v20, v22;
	s10 =	sand.u32 $0xFFFFFC00, s4;
	v16 =	vld [tilespmem:s7+$0xF480]  }
0x313: {  	v19 =	vmul.f32 v28, v19;
	s10 =	sadd.s32 s10, s6;
	v9 =	vmul.f32 v26, v9;
	v18 =	vld [tilespmem:s12+$0x10200]  }
0x314: {  	s13 =	sor.u32 $0x7180, s10;
	v26 =	vmul.f32 v10, v27;
	v20 =	vld [tilespmem:s7+$0xE300];
	v22 =	vmul.f32 v29, v22  }
0x315: {  	v10 =	vadd.f32 v9, v19;
	v27 =	vld [tilespmem:s13+$0x10200]  }
0x316: {  	v9 =	vadd.f32 $0.0e+00, v24;
	v19 =	vld [tilespmem:s25+$0x0];
	v22 =	vadd.f32 v22, v26  }
0x317: {  	v26 =	vshll.u32 v21, $0x10;
	v21 =	vand.u32 $0xFFFF0000, v21;
	v24 =	vld [tilespmem:s7+$0x17300]  }
0x318: {  	v12 =	vmul.f32 v26, v12;
	v21 =	vmul.f32 v21, v23;
	v28 =	vld [tilespmem:s13+$0x8200];
	v9 =	vadd.f32 v22, v9  }
0x319: {  	v23 =	vld [tilespmem:s7+$0x16480]  }
0x31a: {  	s10 =	sor.u32 $0x6180, s10;
	v12 =	vmul.f32 v12, v30;
	v15 =	vmul.f32 v15, v21;
	v26 =	vld [tilespmem:s7+$0xF300]  }
0x31b: {  	v21 =	vshll.u32 v19, $0x3;
	v22 =	vld [tilespmem:s10+$0x10200]  }
0x31c: {  	v19 =	vand.u32 $0x7F, v19;
	v12 =	vadd.f32 v15, v12;
	v21 =	vand.u32 $0xFFFFFC00, v21;
	v29 =	vld [tilespmem:s7+$0xE480]  }
0x31d: {  	v15 =	vor.u32 v19, v21;
	v30 =	vld [tilespmem:s7+$0xF400]  }
0x31e: {  	s9 =	sor.u32 $0x6300, s9;
	v19 =	vadd.s32 $0x6000, v15;
	v21 =	vadd.s32 $0x6080, v15;
	v31 =	vld [tilespmem:s10+$0x8200];
	v32 =	vadd.s32 $0x6380, v15  }
0x31f: {  	v33 =	vadd.s32 $0x6100, v15;
	v34 =	vadd.s32 $0x6180, v15;
	v35 =	vld [tilespmem:s9+$0x8200]  }
0x320: {  	v36 =	vld [tilespmem:s7+$0xE400]  }
0x321: {  	v37 =	vld [tilespmem:s11+$0x8200]  }
0x322: {  	v38 =	vld [tilespmem:s12+$0x8200]  }
0x323: {  	v39 =	vadd.s32 $0x6200, v15;
	v32 =	vld.idx.msk [tilespmem:v32+s18+$0x0], $0xffff  }
0x324: {  	v40 =	vadd.s32 $0x6280, v15;
	v33 =	vld.idx.msk [tilespmem:v33+s18+$0x0], $0xffff  }
0x325: {  	v34 =	vld.idx.msk [tilespmem:v34+s18+$0x0], $0xffff  }
0x326: {  	v19 =	vld.idx.msk [tilespmem:v19+s18+$0x0], $0xffff  }
0x327: {  	v21 =	vld.idx.msk [tilespmem:v21+s18+$0x0], $0xffff  }
0x328: {  	v15 =	vadd.s32 $0x6300, v15;
	v39 =	vld.idx.msk [tilespmem:v39+s18+$0x0], $0xffff  }
0x329: {  	v42 =	vadd.s32 $0x6380, v14;
	v41 =	vshll.u32 v32, $0x10;
	v32 =	vand.u32 $0xFFFF0000, v32;
	v40 =	vld.idx.msk [tilespmem:v40+s18+$0x0], $0xffff  }
0x32a: {  	v44 =	vshll.u32 v33, $0x10;
	v33 =	vand.u32 $0xFFFF0000, v33;
	v25 =	vmul.f32 v41, v25;
	v43 =	vld [tilespmem:s7+$0xE280]  }
0x32b: {  	v32 =	vmul.f32 v32, v38;
	v41 =	vshll.u32 v34, $0x10;
	v34 =	vand.u32 $0xFFFF0000, v34;
	v14 =	vld [tilespmem:s7+$0xF200]  }
0x32c: {  	v36 =	vmul.f32 v44, v36;
	v38 =	vshll.u32 v19, $0x10;
	v45 =	vand.u32 $0xFFFF0000, v19;
	v46 =	vld [tilespmem:s7+$0x16400]  }
0x32d: {  	v35 =	vmul.f32 v41, v35;
	v44 =	vshll.u32 v21, $0x10;
	v19 =	vand.u32 $0xFFFF0000, v21;
	v15 =	vld.idx.msk [tilespmem:v15+s18+$0x0], $0xffff  }
0x32e: {  	v31 =	vmul.f32 v19, v31;
	v19 =	vmul.f32 v34, v37;
	v21 =	vshll.u32 v39, $0x10;
	v41 =	vld [tilespmem:s7+$0xE200]  }
0x32f: {  	v29 =	vmul.f32 v33, v29;
	v37 =	vand.u32 $0xFFFF0000, v40;
	v34 =	vmul.f32 v45, v43;
	v33 =	vld [tilespmem:s9+$0x10200]  }
0x330: {  	v22 =	vmul.f32 v22, v31;
	v31 =	vshll.u32 v40, $0x10;
	v40 =	vmul.f32 v25, v17;
	v43 =	vld [tilespmem:s7+$0x16200]  }
0x331: {  	v26 =	vmul.f32 v31, v26;
	v45 =	vld [tilespmem:s7+$0x16280];
	v25 =	vmul.f32 v36, v46;
	v36 =	vand.u32 $0xFFFF0000, v39  }
0x332: {  	v29 =	vmul.f32 v23, v29;
	v28 =	vmul.f32 v37, v28;
	v17 =	vshll.u32 v13, $0x10;
	v31 =	vld [tilespmem:s7+$0x16300]  }
0x333: {  	v26 =	vmul.f32 v26, v24;
	v39 =	vshll.u32 v15, $0x10;
	v37 =	vmul.f32 v38, v41;
	v38 =	vld [tilespmem:s7+$0xF280]  }
0x334: {  	v27 =	vmul.f32 v27, v28;
	v15 =	vand.u32 $0xFFFF0000, v15;
	s7 =	sor.u32 $0x7380, s8;
	v23 =	vmul.f32 v35, v33;
	v24 =	vld.idx.msk [tilespmem:v42+s18+$0x0], $0xffff  }
.Ltmp3:
0x335: {  	s9 =	sor.u32 $0x6380, s8;
	v33 =	vmul.f32 v44, v20;
	v35 =	vadd.f32 v29, v25;
	v28 =	vmul.f32 v37, v43;
	v25 =	vld [tilespmem:s7+$0x8200];
	(pc) =	sbr.rel @p0 .LBB2_8-.Ltmp3, $4  }
0x336: {  	v18 =	vmul.f32 v18, v32;
	s8 =	sor.u32 $0x6300, s8;
	v20 =	vadd.f32 v27, v26;
	v34 =	vmul.f32 v45, v34;
	v26 =	vld [tilespmem:s9+$0x8200]  }
0x337: {  	v27 =	vand.u32 $0xFFFF0000, v13;
	v37 =	vmul.f32 v15, v16;
	v29 =	vmul.f32 v33, v31;
	v16 =	vld [tilespmem:s8+$0x8200]  }
0x338: {  	s3 =	sadd.s32 $0x20, s3;
	s25 =	sadd.s32 $0x20, s25;
	v13 =	vadd.f32 v18, v40;
	v31 =	vmul.f32 v39, v30;
	v33 =	vadd.f32 v34, v28;
	v15 =	vld [tilespmem:s9+$0x10200]  }
0x339: {  	s5 =	sadd.s32 $0x1, s5;
	s4 =	sadd.s32 $0x100, s4;
	s6 =	sadd.s32 $0x20, s6;
	v30 =	vmul.f32 v11, v37;
	v28 =	vadd.f32 $0.0e+00, v35;
	v32 =	vmul.f32 v36, v38;
	v18 =	vld [tilespmem:s8+$0x10200]  }
0x33a: {  	v11 =	vadd.f32 $0.0e+00, v33;
	v14 =	vmul.f32 v21, v14;
	v5 =	vmul.f32 v31, v5  }
0x33b: {  	v22 =	vadd.f32 v22, v29;
	v7 =	vmul.f32 v7, v19;
	v54 =	vand.u32 $0xFFFF0000, v24  }
0x33c: {  	v52 =	vld [tilespmem:s7+$0x10200];
	v55 =	vshll.u32 v24, $0x10;
	v6 =	vadd.f32 $0.0e+00, v6;
	v4 =	vmul.f32 v4, v32  }
0x33d: {  	v53 =	vld [tilespmem:s31+$0x10200];
	v8 =	vadd.f32 $0.0e+00, v8;
	v26 =	vmul.f32 v27, v26;
	v3 =	vmul.f32 v55, v3  }
0x33e: {  	v57 =	vmul.f32 v54, v25;
	v5 =	vadd.f32 v30, v5;
	v56 =	vmul.f32 v17, v16  }
0x33f: {  	v7 =	vadd.f32 v7, v23;
	v2 =	vmul.f32 v14, v2;
	v58 =	vadd.f32 $0.0e+00, v22  }
0x340: {  	v6 =	vadd.f32 v10, v6;
	v59 =	vmul.f32 v15, v26;
	v14 =	vmul.f32 v56, v18  }
0x341: {  	v5 =	vadd.f32 v5, v28;
	v2 =	vadd.f32 v4, v2  }
0x342: {  	v3 =	vmul.f32 v3, v53;
	v60 =	vmul.f32 v52, v57;
	v4 =	vadd.f32 v59, v14  }
0x343: {  	v7 =	vadd.f32 $0.0e+00, v7;
	v61 =	vadd.f32 v20, v58  }
0x344: {  	v3 =	vadd.f32 v60, v3;
	v4 =	vadd.f32 $0.0e+00, v4  }
0x345: {  	v2 =	vadd.f32 v2, v11;
	v7 =	vadd.f32 v13, v7  }
0x346: {  	v8 =	vadd.f32 v12, v8;
	v3 =	vadd.f32 v3, v4  }
0x347: {  	v2 =	vadd.f32 v61, v2;
	v62 =	vadd.f32 v7, v5  }
0x348: {  	v63 =	vadd.f32 v9, v6;
	v3 =	vadd.f32 v3, v8  }
0x349: {  	v2 =	vadd.f32 v62, v2  }
0x34a: {  	v3 =	vadd.f32 v3, v63  }
0x34b: {  	v1 =	vadd.f32 v2, v1  }
0x34c: {  	v0 =	vadd.f32 v3, v0  }
0x34d: {  	s28 =	sadd.s32 $0x1, s28;
	[tilespmem:s30+$0x0] =	vst v1  }
0x34e: {  	p0 =	sne.s32 s28, s17;
	[tilespmem:s29+$0x18200] =	vst v0  }
.Ltmp4:
0x34f: {  	s0 =	simm.s32 $0x18200;
	_ =	strace $0x90000050;
	(pc) =	sbr.rel @p0 .LBB2_1-.Ltmp4, $4  }
0x350: {  	[hbm4b:s16+s2] =	stream.linear.scatter [tilespmem:s0], [sflag:$0x6], $0x200, $0x38;
	[tilespmem:$0x18400] =	vst v63  }
0x351: {  	_ =	swait.ge [sflag:s26], $0x200  }
0x352: {  	[sflag:s26] =	ssyncset.done $0x0  }
0x353: {  	[sflag:s26] =	ssyncadd.s32 $0xFFFFFE00  }
0x354: {  	_ =	sfence.sel $0x180000  }
0x355: {  	[bflag:$0x0] =	sbarrier.arrive $0xFFFF  }
0x356: {  	_ =	strace $0x90000047  }
0x357: {  	s0 =	stileid.u32;
	[bflag:$0x2] =	sbarrier.arrive $0xFFFF  }
0x358: {  	p0 =	sne.s32 s0, $0x0;
	s0 =	rddreg [dreg:$0x5]  }
0x359: {  	s0 =	sadd.s32 @!p0 $0x100000, s0  }
0x35a: {  	[sflag:s0] =	ssyncadd.tile.s32 @!p0 $0x1;
	_ =	shalt  }
.Lfunc_end2:
_tile_overlayer_lowered:
.L_overlay_start_2:
0x35b: {  	(tag) =	ssettag $0x2  }
0x35c: {  	s0 =	rddreg [dreg:$0x0];
	s2 =	stileid.u32  }
0x35d: {  	s1 =	rddreg [dreg:$0x1];
	p0 =	sne.s32 s2, $0x0  }
0x35e: {  	s3 =	rddreg [dreg:$0x2];
	[bflag:$0x3] =	sbarrier.arrive $0xFFFF;
	s2 =	simm.s32 @!p0 $0x1C06  }
0x35f: {  	[timem:s3], [sflag:s2] =	dma.local @!p0 [hbm:s0], s1  }
0x360: {  	s0 =	simm.s32 @!p0 $0x6  }
0x361: {  	_ =	swait.ge @!p0 [sflag:s0], s1  }
0x362: {  	s1 =	ssub.s32 @!p0 $0x0, s1;
	[sflag:s0] =	ssyncset.done @!p0 $0x0  }
0x363: {  	[sflag:s0] =	ssyncadd.s32 @!p0 s1  }
0x364: {  	[bflag:$0x3] =	sbarrier.arrive $0xFFFF  }
0x365: {  	_ =	shalt  }

</sc_bundles>
